<compile_context>
chip_gen: v7x
topology: tpu7x:2x2x1
jax: 0.10.2.dev20260603
libtpu: 0.0.44.dev20260713+nightly
codegen_flags: <defaults>
</compile_context>

<pallas_src>
import functools

import jax
import jax.numpy as jnp
from jax import lax
from jax.experimental import pallas as pl
from jax.experimental.pallas import tpu as pltpu, tpu_sc as plsc

_CB = 8
_NSLOT = 3


@functools.lru_cache(maxsize=None)
def _make_lookup(vocab: int, batch: int, fields: int, dim: int):
    info = plsc.get_sparse_core_info()
    num_cores, num_subcores = info.num_cores, info.num_subcores
    num_workers = num_cores * num_subcores
    assert batch % (_CB * num_workers) == 0
    b_per_worker = batch // num_workers
    rows_per_worker = b_per_worker * fields
    num_groups = rows_per_worker // 16
    num_chunks = b_per_worker // _CB
    ch_rows = _CB * fields
    mesh = plsc.VectorSubcoreMesh(core_axis_name="c", subcore_axis_name="s")

    @functools.partial(
        pl.kernel,
        mesh=mesh,
        out_type=jax.ShapeDtypeStruct((batch, fields, dim), jnp.float32),
        compiler_params=pltpu.CompilerParams(use_tc_tiling_on_sc=True),
        scratch_types=[
            pltpu.VMEM((rows_per_worker,), jnp.int32),
            pltpu.VMEM((rows_per_worker,), jnp.int32),
            pltpu.VMEM((rows_per_worker,), jnp.int32),
            pltpu.VMEM((_NSLOT * _CB, fields, dim), jnp.float32),
            [pltpu.SemaphoreType.DMA for _ in range(_NSLOT)],
            [pltpu.SemaphoreType.DMA for _ in range(_NSLOT)],
        ],
    )
    def lookup_kernel(idx_hbm, tab_hbm, out_hbm, iv, qb, fb, tbuf,
                      g_sems, o_sems):
        wid = lax.axis_index("s") * num_cores + lax.axis_index("c")
        base = wid * rows_per_worker
        bbase = wid * b_per_worker
        pltpu.sync_copy(idx_hbm.at[pl.ds(base, rows_per_worker)], iv)

        iota = lax.iota(jnp.int32, 16)

        def prep(g, carry):
            r = g * 16 + iota
            qb[pl.ds(g * 16, 16)] = lax.div(r, fields)
            fb[pl.ds(g * 16, 16)] = lax.rem(r, fields)
            return carry

        lax.fori_loop(0, num_groups, prep, 0)

        def fire_rows(c, slot):
            def grp(g, carry):
                off = c * ch_rows + g * 16
                v16 = iv[pl.ds(off, 16)]
                q16 = qb[pl.ds(off, 16)]
                f16 = fb[pl.ds(off, 16)]
                for j in range(16):
                    pltpu.async_copy(
                        tab_hbm.at[pl.ds(v16[j], 1)],
                        tbuf.at[slot * _CB + q16[j] - c * _CB].at[
                            pl.ds(f16[j], 1)
                        ],
                        g_sems[slot],
                    )
                return carry

            lax.fori_loop(0, ch_rows // 16, grp, 0)

        def drain_gathers(slot):
            pltpu.make_async_copy(
                out_hbm.at[pl.ds(0, _CB)],
                tbuf.at[pl.ds(slot * _CB, _CB)],
                g_sems[slot],
            ).wait()

        def writeback(c, slot):
            return pltpu.async_copy(
                tbuf.at[pl.ds(slot * _CB, _CB)],
                out_hbm.at[pl.ds(bbase + c * _CB, _CB)],
                o_sems[slot],
            )

        def wait_writeback(slot):
            pltpu.make_async_copy(
                tbuf.at[pl.ds(slot * _CB, _CB)],
                out_hbm.at[pl.ds(bbase, _CB)],
                o_sems[slot],
            ).wait()

        fire_rows(0, 0)

        def body(c, carry):
            for k in range(_NSLOT):
                @pl.when(lax.rem(c, _NSLOT) == k)
                def _():
                    kn = (k + 1) % _NSLOT
                    @pl.when(c >= _NSLOT - 1)
                    def _():
                        wait_writeback(kn)

                    @pl.when(c < num_chunks - 1)
                    def _():
                        fire_rows(c + 1, kn)

                    drain_gathers(k)
                    writeback(c, k)
            return carry

        lax.fori_loop(0, num_chunks, body, 0)

        for last in range(num_chunks - _NSLOT + 1, num_chunks):
            wait_writeback(last % _NSLOT)

    return lookup_kernel


def kernel(input, embedding_matrix):
    batch, fields = input.shape
    vocab, dim = embedding_matrix.shape
    idx = input.reshape(-1).astype(jnp.int32)
    return _make_lookup(vocab, batch, fields, dim)(idx, embedding_matrix)

# --- scband reference (transcript-rebuilt; emitter-appended) ---
"""Pipeline reference for scband-embedding-24970939859000 (READ-ONLY COPY).

The authoritative reference and input builder live on the scoring server;
editing this copy changes nothing except your own understanding.
"""

import jax, jax.numpy as jnp
import numpy as np

VOCAB = 1000000
DIM = 64
BATCH = 4096
FIELDS = 26

def setup_inputs(seed: int = 0) -> dict:
    key = jax.random.key(seed)
    k_idx, k_emb = jax.random.split(key)
    input = jax.random.randint(k_idx, (BATCH, FIELDS), 0, VOCAB, dtype=jnp.int64 if jax.config.jax_enable_x64 else jnp.int32)
    embedding_matrix = jax.random.normal(k_emb, (VOCAB, DIM), dtype=jnp.float32)
    return {"input": input, "embedding_matrix": embedding_matrix}

def reference(input, embedding_matrix):
    # Input: (*) -> Output: (*, dim_embed)
    return jnp.take(embedding_matrix, input, axis=0)

if __name__ == "__main__":
    import jax
    _d = setup_inputs()
    print(jax.jit(kernel)(*tuple(_d.values())))

</pallas_src>

<mosaic_0001>
#map = affine_map<(d0, d1) -> (0)>
#map1 = affine_map<(d0, d1) -> (0, 0)>
#map2 = affine_map<(d0, d1) -> (0, 0, 0)>
module attributes {stable_mosaic.version = 14 : i64} {
  func.func @lookup_kernel(%arg0: i32, %arg1: i32, %arg2: memref<106496xi32, #tpu.memory_space<hbm>>, %arg3: memref<1000000x64xf32, #tpu.memory_space<hbm>>, %arg4: memref<4096x26x64xf32, #tpu.memory_space<hbm>>, %arg5: memref<3328xi32, #tpu.memory_space<vmem>>, %arg6: memref<3328xi32, #tpu.memory_space<vmem>>, %arg7: memref<3328xi32, #tpu.memory_space<vmem>>, %arg8: memref<24x26x64xf32, #tpu.memory_space<vmem>>, %arg9: memref<!tpu.dma_semaphore, #tpu.memory_space<semaphore_mem>>, %arg10: memref<!tpu.dma_semaphore, #tpu.memory_space<semaphore_mem>>, %arg11: memref<!tpu.dma_semaphore, #tpu.memory_space<semaphore_mem>>, %arg12: memref<!tpu.dma_semaphore, #tpu.memory_space<semaphore_mem>>, %arg13: memref<!tpu.dma_semaphore, #tpu.memory_space<semaphore_mem>>, %arg14: memref<!tpu.dma_semaphore, #tpu.memory_space<semaphore_mem>>) attributes {dimension_semantics = [#tpu.dimension_semantics<core_parallel>, #tpu.dimension_semantics<subcore_parallel>], iteration_bounds = array<i64: 2, 16>, scalar_prefetch = 0 : i64, scratch_operands = 10 : i64, tpu.core_type = #tpu.core_type<sc_vector_subcore>, window_params = [{transform_indices = #map}, {transform_indices = #map1}, {transform_indices = #map2}]} {
    %mul3A = arith.constant 2 : i32
    %mul3A_0 = arith.muli %arg1, %mul3A : i32
    %add3A = arith.addi %mul3A_0, %arg0 : i32
    %mul3A_1 = arith.constant 3328 : i32
    %mul3A_2 = arith.muli %add3A, %mul3A_1 : i32
    %mul3A_3 = arith.constant 128 : i32
    %mul3A_4 = arith.muli %add3A, %mul3A_3 : i32
    "tpu.region"() ({
      %run_scoped3A = tpu.sem_alloc : memref<!tpu.dma_semaphore, #tpu.memory_space<semaphore_mem>>
      %dma_start3A = tpu.memref_slice %arg2[%mul3A_2] : memref<106496xi32, #tpu.memory_space<hbm>> -> memref<3328xi32, #tpu.memory_space<hbm>>
      %dma_start3A_49 = tpu.memref_slice %arg2[%mul3A_2] : memref<106496xi32, #tpu.memory_space<hbm>> -> memref<3328xi32, #tpu.memory_space<hbm>>
      tpu.enqueue_dma source(%dma_start3A_49 : memref<3328xi32, #tpu.memory_space<hbm>>) target(%arg5 : memref<3328xi32, #tpu.memory_space<vmem>>) target_semaphore(%run_scoped3A : memref<!tpu.dma_semaphore, #tpu.memory_space<semaphore_mem>>)
      %dma_wait3A_50 = tpu.memref_slice %arg2[%mul3A_2] : memref<106496xi32, #tpu.memory_space<hbm>> -> memref<3328xi32, #tpu.memory_space<hbm>>
      %dma_wait3A_51 = tpu.memref_slice %arg2[%mul3A_2] : memref<106496xi32, #tpu.memory_space<hbm>> -> memref<3328xi32, #tpu.memory_space<hbm>>
      tpu.wait_dma2 semaphore(%run_scoped3A : memref<!tpu.dma_semaphore, #tpu.memory_space<semaphore_mem>>) src(%dma_wait3A_51 : memref<3328xi32, #tpu.memory_space<hbm>>) dst(%arg5 : memref<3328xi32, #tpu.memory_space<vmem>>)
      tpu.yield
    }) : () -> ()
    %iota3A = tpu.iota {dimensions = array<i32: 0>} : vector<16xi32>
    %scan3A = arith.constant 0 : i32
    %scan3A_5 = arith.constant 0 : i32
    %scan3A_6 = arith.constant 208 : i32
    %scan3A_7 = arith.addi %scan3A_5, %scan3A_6 : i32
    %scan3A_8 = arith.constant 1 : i32
    scf.for %scan3A_49 = %scan3A_5 to %scan3A_7 step %scan3A_8  : i32 {
      %mul3A_50 = arith.constant 16 : i32
      %mul3A_51 = arith.muli %scan3A_49, %mul3A_50 : i32
      %add3A_52 = vector.broadcast %mul3A_51 : i32 to vector<16xi32>
      %add3A_53 = arith.addi %add3A_52, %iota3A : vector<16xi32>
      %div3A = arith.constant 26 : i32
      %div3A_54 = vector.broadcast %div3A : i32 to vector<16xi32>
      %div3A_55 = arith.divsi %add3A_53, %div3A_54 : vector<16xi32>
      %mul3A_56 = arith.constant 16 : i32
      %mul3A_57 = arith.muli %scan3A_49, %mul3A_56 : i32
      %swap3A = arith.index_cast %mul3A_57 : i32 to index
      %swap3A_58 = tpu.vector_load %arg6[%swap3A] {strides = array<i32>} : memref<3328xi32, #tpu.memory_space<vmem>>, vector<16xi32>,
      %swap3A_59 = vector.shape_cast %swap3A_58 : vector<16xi32> to vector<16xi32>
      %swap3A_60 = vector.shape_cast %div3A_55 : vector<16xi32> to vector<16xi32>
      tpu.vector_store %arg6[%swap3A], %swap3A_60 {strides = array<i32>} : memref<3328xi32, #tpu.memory_space<vmem>>, vector<16xi32>,
      %rem3A = arith.constant 26 : i32
      %rem3A_61 = vector.broadcast %rem3A : i32 to vector<16xi32>
      %rem3A_62 = arith.remsi %add3A_53, %rem3A_61 : vector<16xi32>
      %mul3A_63 = arith.constant 16 : i32
      %mul3A_64 = arith.muli %scan3A_49, %mul3A_63 : i32
      %swap3A_65 = arith.index_cast %mul3A_64 : i32 to index
      %swap3A_66 = tpu.vector_load %arg7[%swap3A_65] {strides = array<i32>} : memref<3328xi32, #tpu.memory_space<vmem>>, vector<16xi32>,
      %swap3A_67 = vector.shape_cast %swap3A_66 : vector<16xi32> to vector<16xi32>
      %swap3A_68 = vector.shape_cast %rem3A_62 : vector<16xi32> to vector<16xi32>
      tpu.vector_store %arg7[%swap3A_65], %swap3A_68 {strides = array<i32>} : memref<3328xi32, #tpu.memory_space<vmem>>, vector<16xi32>,
    }
    %scan3A_9 = arith.constant 208 : i32
    %scan3A_10 = arith.constant 0 : i32
    %scan3A_11 = arith.constant 0 : i32
    %scan3A_12 = arith.constant 13 : i32
    %scan3A_13 = arith.addi %scan3A_11, %scan3A_12 : i32
    %scan3A_14 = arith.constant 1 : i32
    scf.for %scan3A_49 = %scan3A_11 to %scan3A_13 step %scan3A_14  : i32 {
      %mul3A_50 = arith.constant 16 : i32
      %mul3A_51 = arith.muli %scan3A_49, %mul3A_50 : i32
      %add3A_52 = arith.constant 0 : i32
      %add3A_53 = arith.addi %add3A_52, %mul3A_51 : i32
      %get3A = arith.index_cast %add3A_53 : i32 to index
      %get3A_54 = tpu.vector_load %arg5[%get3A] {strides = array<i32>} : memref<3328xi32, #tpu.memory_space<vmem>>, vector<16xi32>,
      %get3A_55 = vector.shape_cast %get3A_54 : vector<16xi32> to vector<16xi32>
      %get3A_56 = arith.index_cast %add3A_53 : i32 to index
      %get3A_57 = tpu.vector_load %arg6[%get3A_56] {strides = array<i32>} : memref<3328xi32, #tpu.memory_space<vmem>>, vector<16xi32>,
      %get3A_58 = vector.shape_cast %get3A_57 : vector<16xi32> to vector<16xi32>
      %get3A_59 = arith.index_cast %add3A_53 : i32 to index
      %get3A_60 = tpu.vector_load %arg7[%get3A_59] {strides = array<i32>} : memref<3328xi32, #tpu.memory_space<vmem>>, vector<16xi32>,
      %get3A_61 = vector.shape_cast %get3A_60 : vector<16xi32> to vector<16xi32>
      %slice3A = vector.extract_strided_slice %get3A_55 {offsets = [0], sizes = [1], strides = [1]} : vector<16xi32> to vector<1xi32>
      %squeeze3A = vector.extract %slice3A[0] : i32 from vector<1xi32>
      %slice3A_62 = vector.extract_strided_slice %get3A_58 {offsets = [0], sizes = [1], strides = [1]} : vector<16xi32> to vector<1xi32>
      %squeeze3A_63 = vector.extract %slice3A_62[0] : i32 from vector<1xi32>
      %add3A_64 = arith.constant 0 : i32
      %add3A_65 = arith.addi %add3A_64, %squeeze3A_63 : i32
      %sub3A = arith.constant 0 : i32
      %sub3A_66 = arith.subi %add3A_65, %sub3A : i32
      %slice3A_67 = vector.extract_strided_slice %get3A_61 {offsets = [0], sizes = [1], strides = [1]} : vector<16xi32> to vector<1xi32>
      %squeeze3A_68 = vector.extract %slice3A_67[0] : i32 from vector<1xi32>
      %dma_start3A = arith.constant 0 : i32
      %dma_start3A_69 = arith.constant 0 : i32
      %dma_start3A_70 = tpu.memref_slice %arg8[%sub3A_66, %dma_start3A, %dma_start3A_69] : memref<24x26x64xf32, #tpu.memory_space<vmem>> -> memref<1x26x64xf32, #tpu.memory_space<vmem>>
      %dma_start3A_71 = tpu.memref_squeeze %dma_start3A_70 : memref<1x26x64xf32, #tpu.memory_space<vmem>> -> memref<26x64xf32, #tpu.memory_space<vmem>>
      %dma_start3A_72 = arith.constant 0 : i32
      %dma_start3A_73 = tpu.memref_slice %dma_start3A_71[%squeeze3A_68, %dma_start3A_72] : memref<26x64xf32, #tpu.memory_space<vmem>> -> memref<1x64xf32, #tpu.memory_space<vmem>>
      %dma_start3A_74 = arith.constant 0 : i32
      %dma_start3A_75 = tpu.memref_slice %arg3[%squeeze3A, %dma_start3A_74] : memref<1000000x64xf32, #tpu.memory_space<hbm>> -> memref<1x64xf32, #tpu.memory_space<hbm>>
      %dma_start3A_76 = arith.constant 0 : i32
      %dma_start3A_77 = arith.constant 0 : i32
      %dma_start3A_78 = tpu.memref_slice %arg8[%sub3A_66, %dma_start3A_76, %dma_start3A_77] : memref<24x26x64xf32, #tpu.memory_space<vmem>> -> memref<1x26x64xf32, #tpu.memory_space<vmem>>
      %dma_start3A_79 = tpu.memref_squeeze %dma_start3A_78 : memref<1x26x64xf32, #tpu.memory_space<vmem>> -> memref<26x64xf32, #tpu.memory_space<vmem>>
      %dma_start3A_80 = arith.constant 0 : i32
      %dma_start3A_81 = tpu.memref_slice %dma_start3A_79[%squeeze3A_68, %dma_start3A_80] : memref<26x64xf32, #tpu.memory_space<vmem>> -> memref<1x64xf32, #tpu.memory_space<vmem>>
      %dma_start3A_82 = arith.constant 0 : i32
      %dma_start3A_83 = tpu.memref_slice %arg3[%squeeze3A, %dma_start3A_82] : memref<1000000x64xf32, #tpu.memory_space<hbm>> -> memref<1x64xf32, #tpu.memory_space<hbm>>
      tpu.enqueue_dma source(%dma_start3A_83 : memref<1x64xf32, #tpu.memory_space<hbm>>) target(%dma_start3A_81 : memref<1x64xf32, #tpu.memory_space<vmem>>) target_semaphore(%arg9 : memref<!tpu.dma_semaphore, #tpu.memory_space<semaphore_mem>>)
      %slice3A_84 = vector.extract_strided_slice %get3A_55 {offsets = [1], sizes = [1], strides = [1]} : vector<16xi32> to vector<1xi32>
      %squeeze3A_85 = vector.extract %slice3A_84[0] : i32 from vector<1xi32>
      %slice3A_86 = vector.extract_strided_slice %get3A_58 {offsets = [1], sizes = [1], strides = [1]} : vector<16xi32> to vector<1xi32>
      %squeeze3A_87 = vector.extract %slice3A_86[0] : i32 from vector<1xi32>
      %add3A_88 = arith.constant 0 : i32
      %add3A_89 = arith.addi %add3A_88, %squeeze3A_87 : i32
      %sub3A_90 = arith.constant 0 : i32
      %sub3A_91 = arith.subi %add3A_89, %sub3A_90 : i32
      %slice3A_92 = vector.extract_strided_slice %get3A_61 {offsets = [1], sizes = [1], strides = [1]} : vector<16xi32> to vector<1xi32>
      %squeeze3A_93 = vector.extract %slice3A_92[0] : i32 from vector<1xi32>
      %dma_start3A_94 = arith.constant 0 : i32
      %dma_start3A_95 = arith.constant 0 : i32
      %dma_start3A_96 = tpu.memref_slice %arg8[%sub3A_91, %dma_start3A_94, %dma_start3A_95] : memref<24x26x64xf32, #tpu.memory_space<vmem>> -> memref<1x26x64xf32, #tpu.memory_space<vmem>>
      %dma_start3A_97 = tpu.memref_squeeze %dma_start3A_96 : memref<1x26x64xf32, #tpu.memory_space<vmem>> -> memref<26x64xf32, #tpu.memory_space<vmem>>
      %dma_start3A_98 = arith.constant 0 : i32
      %dma_start3A_99 = tpu.memref_slice %dma_start3A_97[%squeeze3A_93, %dma_start3A_98] : memref<26x64xf32, #tpu.memory_space<vmem>> -> memref<1x64xf32, #tpu.memory_space<vmem>>
      %dma_start3A_100 = arith.constant 0 : i32
      %dma_start3A_101 = tpu.memref_slice %arg3[%squeeze3A_85, %dma_start3A_100] : memref<1000000x64xf32, #tpu.memory_space<hbm>> -> memref<1x64xf32, #tpu.memory_space<hbm>>
      %dma_start3A_102 = arith.constant 0 : i32
      %dma_start3A_103 = arith.constant 0 : i32
      %dma_start3A_104 = tpu.memref_slice %arg8[%sub3A_91, %dma_start3A_102, %dma_start3A_103] : memref<24x26x64xf32, #tpu.memory_space<vmem>> -> memref<1x26x64xf32, #tpu.memory_space<vmem>>
      %dma_start3A_105 = tpu.memref_squeeze %dma_start3A_104 : memref<1x26x64xf32, #tpu.memory_space<vmem>> -> memref<26x64xf32, #tpu.memory_space<vmem>>
      %dma_start3A_106 = arith.constant 0 : i32
      %dma_start3A_107 = tpu.memref_slice %dma_start3A_105[%squeeze3A_93, %dma_start3A_106] : memref<26x64xf32, #tpu.memory_space<vmem>> -> memref<1x64xf32, #tpu.memory_space<vmem>>
      %dma_start3A_108 = arith.constant 0 : i32
      %dma_start3A_109 = tpu.memref_slice %arg3[%squeeze3A_85, %dma_start3A_108] : memref<1000000x64xf32, #tpu.memory_space<hbm>> -> memref<1x64xf32, #tpu.memory_space<hbm>>
      tpu.enqueue_dma source(%dma_start3A_109 : memref<1x64xf32, #tpu.memory_space<hbm>>) target(%dma_start3A_107 : memref<1x64xf32, #tpu.memory_space<vmem>>) target_semaphore(%arg9 : memref<!tpu.dma_semaphore, #tpu.memory_space<semaphore_mem>>)
      %slice3A_110 = vector.extract_strided_slice %get3A_55 {offsets = [2], sizes = [1], strides = [1]} : vector<16xi32> to vector<1xi32>
      %squeeze3A_111 = vector.extract %slice3A_110[0] : i32 from vector<1xi32>
      %slice3A_112 = vector.extract_strided_slice %get3A_58 {offsets = [2], sizes = [1], strides = [1]} : vector<16xi32> to vector<1xi32>
      %squeeze3A_113 = vector.extract %slice3A_112[0] : i32 from vector<1xi32>
      %add3A_114 = arith.constant 0 : i32
      %add3A_115 = arith.addi %add3A_114, %squeeze3A_113 : i32
      %sub3A_116 = arith.constant 0 : i32
      %sub3A_117 = arith.subi %add3A_115, %sub3A_116 : i32
      %slice3A_118 = vector.extract_strided_slice %get3A_61 {offsets = [2], sizes = [1], strides = [1]} : vector<16xi32> to vector<1xi32>
      %squeeze3A_119 = vector.extract %slice3A_118[0] : i32 from vector<1xi32>
      %dma_start3A_120 = arith.constant 0 : i32
      %dma_start3A_121 = arith.constant 0 : i32
      %dma_start3A_122 = tpu.memref_slice %arg8[%sub3A_117, %dma_start3A_120, %dma_start3A_121] : memref<24x26x64xf32, #tpu.memory_space<vmem>> -> memref<1x26x64xf32, #tpu.memory_space<vmem>>
      %dma_start3A_123 = tpu.memref_squeeze %dma_start3A_122 : memref<1x26x64xf32, #tpu.memory_space<vmem>> -> memref<26x64xf32, #tpu.memory_space<vmem>>
      %dma_start3A_124 = arith.constant 0 : i32
      %dma_start3A_125 = tpu.memref_slice %dma_start3A_123[%squeeze3A_119, %dma_start3A_124] : memref<26x64xf32, #tpu.memory_space<vmem>> -> memref<1x64xf32, #tpu.memory_space<vmem>>
      %dma_start3A_126 = arith.constant 0 : i32
      %dma_start3A_127 = tpu.memref_slice %arg3[%squeeze3A_111, %dma_start3A_126] : memref<1000000x64xf32, #tpu.memory_space<hbm>> -> memref<1x64xf32, #tpu.memory_space<hbm>>
      %dma_start3A_128 = arith.constant 0 : i32
      %dma_start3A_129 = arith.constant 0 : i32
      %dma_start3A_130 = tpu.memref_slice %arg8[%sub3A_117, %dma_start3A_128, %dma_start3A_129] : memref<24x26x64xf32, #tpu.memory_space<vmem>> -> memref<1x26x64xf32, #tpu.memory_space<vmem>>
      %dma_start3A_131 = tpu.memref_squeeze %dma_start3A_130 : memref<1x26x64xf32, #tpu.memory_space<vmem>> -> memref<26x64xf32, #tpu.memory_space<vmem>>
      %dma_start3A_132 = arith.constant 0 : i32
      %dma_start3A_133 = tpu.memref_slice %dma_start3A_131[%squeeze3A_119, %dma_start3A_132] : memref<26x64xf32, #tpu.memory_space<vmem>> -> memref<1x64xf32, #tpu.memory_space<vmem>>
      %dma_start3A_134 = arith.constant 0 : i32
      %dma_start3A_135 = tpu.memref_slice %arg3[%squeeze3A_111, %dma_start3A_134] : memref<1000000x64xf32, #tpu.memory_space<hbm>> -> memref<1x64xf32, #tpu.memory_space<hbm>>
      tpu.enqueue_dma source(%dma_start3A_135 : memref<1x64xf32, #tpu.memory_space<hbm>>) target(%dma_start3A_133 : memref<1x64xf32, #tpu.memory_space<vmem>>) target_semaphore(%arg9 : memref<!tpu.dma_semaphore, #tpu.memory_space<semaphore_mem>>)
      %slice3A_136 = vector.extract_strided_slice %get3A_55 {offsets = [3], sizes = [1], strides = [1]} : vector<16xi32> to vector<1xi32>
      %squeeze3A_137 = vector.extract %slice3A_136[0] : i32 from vector<1xi32>
      %slice3A_138 = vector.extract_strided_slice %get3A_58 {offsets = [3], sizes = [1], strides = [1]} : vector<16xi32> to vector<1xi32>
      %squeeze3A_139 = vector.extract %slice3A_138[0] : i32 from vector<1xi32>
      %add3A_140 = arith.constant 0 : i32
      %add3A_141 = arith.addi %add3A_140, %squeeze3A_139 : i32
      %sub3A_142 = arith.constant 0 : i32
      %sub3A_143 = arith.subi %add3A_141, %sub3A_142 : i32
      %slice3A_144 = vector.extract_strided_slice %get3A_61 {offsets = [3], sizes = [1], strides = [1]} : vector<16xi32> to vector<1xi32>
      %squeeze3A_145 = vector.extract %slice3A_144[0] : i32 from vector<1xi32>
      %dma_start3A_146 = arith.constant 0 : i32
      %dma_start3A_147 = arith.constant 0 : i32
      %dma_start3A_148 = tpu.memref_slice %arg8[%sub3A_143, %dma_start3A_146, %dma_start3A_147] : memref<24x26x64xf32, #tpu.memory_space<vmem>> -> memref<1x26x64xf32, #tpu.memory_space<vmem>>
      %dma_start3A_149 = tpu.memref_squeeze %dma_start3A_148 : memref<1x26x64xf32, #tpu.memory_space<vmem>> -> memref<26x64xf32, #tpu.memory_space<vmem>>
      %dma_start3A_150 = arith.constant 0 : i32
      %dma_start3A_151 = tpu.memref_slice %dma_start3A_149[%squeeze3A_145, %dma_start3A_150] : memref<26x64xf32, #tpu.memory_space<vmem>> -> memref<1x64xf32, #tpu.memory_space<vmem>>
      %dma_start3A_152 = arith.constant 0 : i32
      %dma_start3A_153 = tpu.memref_slice %arg3[%squeeze3A_137, %dma_start3A_152] : memref<1000000x64xf32, #tpu.memory_space<hbm>> -> memref<1x64xf32, #tpu.memory_space<hbm>>
      %dma_start3A_154 = arith.constant 0 : i32
      %dma_start3A_155 = arith.constant 0 : i32
      %dma_start3A_156 = tpu.memref_slice %arg8[%sub3A_143, %dma_start3A_154, %dma_start3A_155] : memref<24x26x64xf32, #tpu.memory_space<vmem>> -> memref<1x26x64xf32, #tpu.memory_space<vmem>>
      %dma_start3A_157 = tpu.memref_squeeze %dma_start3A_156 : memref<1x26x64xf32, #tpu.memory_space<vmem>> -> memref<26x64xf32, #tpu.memory_space<vmem>>
      %dma_start3A_158 = arith.constant 0 : i32
      %dma_start3A_159 = tpu.memref_slice %dma_start3A_157[%squeeze3A_145, %dma_start3A_158] : memref<26x64xf32, #tpu.memory_space<vmem>> -> memref<1x64xf32, #tpu.memory_space<vmem>>
      %dma_start3A_160 = arith.constant 0 : i32
      %dma_start3A_161 = tpu.memref_slice %arg3[%squeeze3A_137, %dma_start3A_160] : memref<1000000x64xf32, #tpu.memory_space<hbm>> -> memref<1x64xf32, #tpu.memory_space<hbm>>
      tpu.enqueue_dma source(%dma_start3A_161 : memref<1x64xf32, #tpu.memory_space<hbm>>) target(%dma_start3A_159 : memref<1x64xf32, #tpu.memory_space<vmem>>) target_semaphore(%arg9 : memref<!tpu.dma_semaphore, #tpu.memory_space<semaphore_mem>>)
      %slice3A_162 = vector.extract_strided_slice %get3A_55 {offsets = [4], sizes = [1], strides = [1]} : vector<16xi32> to vector<1xi32>
      %squeeze3A_163 = vector.extract %slice3A_162[0] : i32 from vector<1xi32>
      %slice3A_164 = vector.extract_strided_slice %get3A_58 {offsets = [4], sizes = [1], strides = [1]} : vector<16xi32> to vector<1xi32>
      %squeeze3A_165 = vector.extract %slice3A_164[0] : i32 from vector<1xi32>
      %add3A_166 = arith.constant 0 : i32
      %add3A_167 = arith.addi %add3A_166, %squeeze3A_165 : i32
      %sub3A_168 = arith.constant 0 : i32
      %sub3A_169 = arith.subi %add3A_167, %sub3A_168 : i32
      %slice3A_170 = vector.extract_strided_slice %get3A_61 {offsets = [4], sizes = [1], strides = [1]} : vector<16xi32> to vector<1xi32>
      %squeeze3A_171 = vector.extract %slice3A_170[0] : i32 from vector<1xi32>
      %dma_start3A_172 = arith.constant 0 : i32
      %dma_start3A_173 = arith.constant 0 : i32
      %dma_start3A_174 = tpu.memref_slice %arg8[%sub3A_169, %dma_start3A_172, %dma_start3A_173] : memref<24x26x64xf32, #tpu.memory_space<vmem>> -> memref<1x26x64xf32, #tpu.memory_space<vmem>>
      %dma_start3A_175 = tpu.memref_squeeze %dma_start3A_174 : memref<1x26x64xf32, #tpu.memory_space<vmem>> -> memref<26x64xf32, #tpu.memory_space<vmem>>
      %dma_start3A_176 = arith.constant 0 : i32
      %dma_start3A_177 = tpu.memref_slice %dma_start3A_175[%squeeze3A_171, %dma_start3A_176] : memref<26x64xf32, #tpu.memory_space<vmem>> -> memref<1x64xf32, #tpu.memory_space<vmem>>
      %dma_start3A_178 = arith.constant 0 : i32
      %dma_start3A_179 = tpu.memref_slice %arg3[%squeeze3A_163, %dma_start3A_178] : memref<1000000x64xf32, #tpu.memory_space<hbm>> -> memref<1x64xf32, #tpu.memory_space<hbm>>
      %dma_start3A_180 = arith.constant 0 : i32
      %dma_start3A_181 = arith.constant 0 : i32
      %dma_start3A_182 = tpu.memref_slice %arg8[%sub3A_169, %dma_start3A_180, %dma_start3A_181] : memref<24x26x64xf32, #tpu.memory_space<vmem>> -> memref<1x26x64xf32, #tpu.memory_space<vmem>>
      %dma_start3A_183 = tpu.memref_squeeze %dma_start3A_182 : memref<1x26x64xf32, #tpu.memory_space<vmem>> -> memref<26x64xf32, #tpu.memory_space<vmem>>
      %dma_start3A_184 = arith.constant 0 : i32
      %dma_start3A_185 = tpu.memref_slice %dma_start3A_183[%squeeze3A_171, %dma_start3A_184] : memref<26x64xf32, #tpu.memory_space<vmem>> -> memref<1x64xf32, #tpu.memory_space<vmem>>
      %dma_start3A_186 = arith.constant 0 : i32
      %dma_start3A_187 = tpu.memref_slice %arg3[%squeeze3A_163, %dma_start3A_186] : memref<1000000x64xf32, #tpu.memory_space<hbm>> -> memref<1x64xf32, #tpu.memory_space<hbm>>
      tpu.enqueue_dma source(%dma_start3A_187 : memref<1x64xf32, #tpu.memory_space<hbm>>) target(%dma_start3A_185 : memref<1x64xf32, #tpu.memory_space<vmem>>) target_semaphore(%arg9 : memref<!tpu.dma_semaphore, #tpu.memory_space<semaphore_mem>>)
      %slice3A_188 = vector.extract_strided_slice %get3A_55 {offsets = [5], sizes = [1], strides = [1]} : vector<16xi32> to vector<1xi32>
      %squeeze3A_189 = vector.extract %slice3A_188[0] : i32 from vector<1xi32>
      %slice3A_190 = vector.extract_strided_slice %get3A_58 {offsets = [5], sizes = [1], strides = [1]} : vector<16xi32> to vector<1xi32>
      %squeeze3A_191 = vector.extract %slice3A_190[0] : i32 from vector<1xi32>
      %add3A_192 = arith.constant 0 : i32
      %add3A_193 = arith.addi %add3A_192, %squeeze3A_191 : i32
      %sub3A_194 = arith.constant 0 : i32
      %sub3A_195 = arith.subi %add3A_193, %sub3A_194 : i32
      %slice3A_196 = vector.extract_strided_slice %get3A_61 {offsets = [5], sizes = [1], strides = [1]} : vector<16xi32> to vector<1xi32>
      %squeeze3A_197 = vector.extract %slice3A_196[0] : i32 from vector<1xi32>
      %dma_start3A_198 = arith.constant 0 : i32
      %dma_start3A_199 = arith.constant 0 : i32
      %dma_start3A_200 = tpu.memref_slice %arg8[%sub3A_195, %dma_start3A_198, %dma_start3A_199] : memref<24x26x64xf32, #tpu.memory_space<vmem>> -> memref<1x26x64xf32, #tpu.memory_space<vmem>>
      %dma_start3A_201 = tpu.memref_squeeze %dma_start3A_200 : memref<1x26x64xf32, #tpu.memory_space<vmem>> -> memref<26x64xf32, #tpu.memory_space<vmem>>
      %dma_start3A_202 = arith.constant 0 : i32
      %dma_start3A_203 = tpu.memref_slice %dma_start3A_201[%squeeze3A_197, %dma_start3A_202] : memref<26x64xf32, #tpu.memory_space<vmem>> -> memref<1x64xf32, #tpu.memory_space<vmem>>
      %dma_start3A_204 = arith.constant 0 : i32
      %dma_start3A_205 = tpu.memref_slice %arg3[%squeeze3A_189, %dma_start3A_204] : memref<1000000x64xf32, #tpu.memory_space<hbm>> -> memref<1x64xf32, #tpu.memory_space<hbm>>
      %dma_start3A_206 = arith.constant 0 : i32
      %dma_start3A_207 = arith.constant 0 : i32
      %dma_start3A_208 = tpu.memref_slice %arg8[%sub3A_195, %dma_start3A_206, %dma_start3A_207] : memref<24x26x64xf32, #tpu.memory_space<vmem>> -> memref<1x26x64xf32, #tpu.memory_space<vmem>>
      %dma_start3A_209 = tpu.memref_squeeze %dma_start3A_208 : memref<1x26x64xf32, #tpu.memory_space<vmem>> -> memref<26x64xf32, #tpu.memory_space<vmem>>
      %dma_start3A_210 = arith.constant 0 : i32
      %dma_start3A_211 = tpu.memref_slice %dma_start3A_209[%squeeze3A_197, %dma_start3A_210] : memref<26x64xf32, #tpu.memory_space<vmem>> -> memref<1x64xf32, #tpu.memory_space<vmem>>
      %dma_start3A_212 = arith.constant 0 : i32
      %dma_start3A_213 = tpu.memref_slice %arg3[%squeeze3A_189, %dma_start3A_212] : memref<1000000x64xf32, #tpu.memory_space<hbm>> -> memref<1x64xf32, #tpu.memory_space<hbm>>
      tpu.enqueue_dma source(%dma_start3A_213 : memref<1x64xf32, #tpu.memory_space<hbm>>) target(%dma_start3A_211 : memref<1x64xf32, #tpu.memory_space<vmem>>) target_semaphore(%arg9 : memref<!tpu.dma_semaphore, #tpu.memory_space<semaphore_mem>>)
      %slice3A_214 = vector.extract_strided_slice %get3A_55 {offsets = [6], sizes = [1], strides = [1]} : vector<16xi32> to vector<1xi32>
      %squeeze3A_215 = vector.extract %slice3A_214[0] : i32 from vector<1xi32>
      %slice3A_216 = vector.extract_strided_slice %get3A_58 {offsets = [6], sizes = [1], strides = [1]} : vector<16xi32> to vector<1xi32>
      %squeeze3A_217 = vector.extract %slice3A_216[0] : i32 from vector<1xi32>
      %add3A_218 = arith.constant 0 : i32
      %add3A_219 = arith.addi %add3A_218, %squeeze3A_217 : i32
      %sub3A_220 = arith.constant 0 : i32
      %sub3A_221 = arith.subi %add3A_219, %sub3A_220 : i32
      %slice3A_222 = vector.extract_strided_slice %get3A_61 {offsets = [6], sizes = [1], strides = [1]} : vector<16xi32> to vector<1xi32>
      %squeeze3A_223 = vector.extract %slice3A_222[0] : i32 from vector<1xi32>
      %dma_start3A_224 = arith.constant 0 : i32
      %dma_start3A_225 = arith.constant 0 : i32
      %dma_start3A_226 = tpu.memref_slice %arg8[%sub3A_221, %dma_start3A_224, %dma_start3A_225] : memref<24x26x64xf32, #tpu.memory_space<vmem>> -> memref<1x26x64xf32, #tpu.memory_space<vmem>>
      %dma_start3A_227 = tpu.memref_squeeze %dma_start3A_226 : memref<1x26x64xf32, #tpu.memory_space<vmem>> -> memref<26x64xf32, #tpu.memory_space<vmem>>
      %dma_start3A_228 = arith.constant 0 : i32
      %dma_start3A_229 = tpu.memref_slice %dma_start3A_227[%squeeze3A_223, %dma_start3A_228] : memref<26x64xf32, #tpu.memory_space<vmem>> -> memref<1x64xf32, #tpu.memory_space<vmem>>
      %dma_start3A_230 = arith.constant 0 : i32
      %dma_start3A_231 = tpu.memref_slice %arg3[%squeeze3A_215, %dma_start3A_230] : memref<1000000x64xf32, #tpu.memory_space<hbm>> -> memref<1x64xf32, #tpu.memory_space<hbm>>
      %dma_start3A_232 = arith.constant 0 : i32
      %dma_start3A_233 = arith.constant 0 : i32
      %dma_start3A_234 = tpu.memref_slice %arg8[%sub3A_221, %dma_start3A_232, %dma_start3A_233] : memref<24x26x64xf32, #tpu.memory_space<vmem>> -> memref<1x26x64xf32, #tpu.memory_space<vmem>>
      %dma_start3A_235 = tpu.memref_squeeze %dma_start3A_234 : memref<1x26x64xf32, #tpu.memory_space<vmem>> -> memref<26x64xf32, #tpu.memory_space<vmem>>
      %dma_start3A_236 = arith.constant 0 : i32
      %dma_start3A_237 = tpu.memref_slice %dma_start3A_235[%squeeze3A_223, %dma_start3A_236] : memref<26x64xf32, #tpu.memory_space<vmem>> -> memref<1x64xf32, #tpu.memory_space<vmem>>
      %dma_start3A_238 = arith.constant 0 : i32
      %dma_start3A_239 = tpu.memref_slice %arg3[%squeeze3A_215, %dma_start3A_238] : memref<1000000x64xf32, #tpu.memory_space<hbm>> -> memref<1x64xf32, #tpu.memory_space<hbm>>
      tpu.enqueue_dma source(%dma_start3A_239 : memref<1x64xf32, #tpu.memory_space<hbm>>) target(%dma_start3A_237 : memref<1x64xf32, #tpu.memory_space<vmem>>) target_semaphore(%arg9 : memref<!tpu.dma_semaphore, #tpu.memory_space<semaphore_mem>>)
      %slice3A_240 = vector.extract_strided_slice %get3A_55 {offsets = [7], sizes = [1], strides = [1]} : vector<16xi32> to vector<1xi32>
      %squeeze3A_241 = vector.extract %slice3A_240[0] : i32 from vector<1xi32>
      %slice3A_242 = vector.extract_strided_slice %get3A_58 {offsets = [7], sizes = [1], strides = [1]} : vector<16xi32> to vector<1xi32>
      %squeeze3A_243 = vector.extract %slice3A_242[0] : i32 from vector<1xi32>
      %add3A_244 = arith.constant 0 : i32
      %add3A_245 = arith.addi %add3A_244, %squeeze3A_243 : i32
      %sub3A_246 = arith.constant 0 : i32
      %sub3A_247 = arith.subi %add3A_245, %sub3A_246 : i32
      %slice3A_248 = vector.extract_strided_slice %get3A_61 {offsets = [7], sizes = [1], strides = [1]} : vector<16xi32> to vector<1xi32>
      %squeeze3A_249 = vector.extract %slice3A_248[0] : i32 from vector<1xi32>
      %dma_start3A_250 = arith.constant 0 : i32
      %dma_start3A_251 = arith.constant 0 : i32
      %dma_start3A_252 = tpu.memref_slice %arg8[%sub3A_247, %dma_start3A_250, %dma_start3A_251] : memref<24x26x64xf32, #tpu.memory_space<vmem>> -> memref<1x26x64xf32, #tpu.memory_space<vmem>>
      %dma_start3A_253 = tpu.memref_squeeze %dma_start3A_252 : memref<1x26x64xf32, #tpu.memory_space<vmem>> -> memref<26x64xf32, #tpu.memory_space<vmem>>
      %dma_start3A_254 = arith.constant 0 : i32
      %dma_start3A_255 = tpu.memref_slice %dma_start3A_253[%squeeze3A_249, %dma_start3A_254] : memref<26x64xf32, #tpu.memory_space<vmem>> -> memref<1x64xf32, #tpu.memory_space<vmem>>
      %dma_start3A_256 = arith.constant 0 : i32
      %dma_start3A_257 = tpu.memref_slice %arg3[%squeeze3A_241, %dma_start3A_256] : memref<1000000x64xf32, #tpu.memory_space<hbm>> -> memref<1x64xf32, #tpu.memory_space<hbm>>
      %dma_start3A_258 = arith.constant 0 : i32
      %dma_start3A_259 = arith.constant 0 : i32
      %dma_start3A_260 = tpu.memref_slice %arg8[%sub3A_247, %dma_start3A_258, %dma_start3A_259] : memref<24x26x64xf32, #tpu.memory_space<vmem>> -> memref<1x26x64xf32, #tpu.memory_space<vmem>>
      %dma_start3A_261 = tpu.memref_squeeze %dma_start3A_260 : memref<1x26x64xf32, #tpu.memory_space<vmem>> -> memref<26x64xf32, #tpu.memory_space<vmem>>
      %dma_start3A_262 = arith.constant 0 : i32
      %dma_start3A_263 = tpu.memref_slice %dma_start3A_261[%squeeze3A_249, %dma_start3A_262] : memref<26x64xf32, #tpu.memory_space<vmem>> -> memref<1x64xf32, #tpu.memory_space<vmem>>
      %dma_start3A_264 = arith.constant 0 : i32
      %dma_start3A_265 = tpu.memref_slice %arg3[%squeeze3A_241, %dma_start3A_264] : memref<1000000x64xf32, #tpu.memory_space<hbm>> -> memref<1x64xf32, #tpu.memory_space<hbm>>
      tpu.enqueue_dma source(%dma_start3A_265 : memref<1x64xf32, #tpu.memory_space<hbm>>) target(%dma_start3A_263 : memref<1x64xf32, #tpu.memory_space<vmem>>) target_semaphore(%arg9 : memref<!tpu.dma_semaphore, #tpu.memory_space<semaphore_mem>>)
      %slice3A_266 = vector.extract_strided_slice %get3A_55 {offsets = [8], sizes = [1], strides = [1]} : vector<16xi32> to vector<1xi32>
      %squeeze3A_267 = vector.extract %slice3A_266[0] : i32 from vector<1xi32>
      %slice3A_268 = vector.extract_strided_slice %get3A_58 {offsets = [8], sizes = [1], strides = [1]} : vector<16xi32> to vector<1xi32>
      %squeeze3A_269 = vector.extract %slice3A_268[0] : i32 from vector<1xi32>
      %add3A_270 = arith.constant 0 : i32
      %add3A_271 = arith.addi %add3A_270, %squeeze3A_269 : i32
      %sub3A_272 = arith.constant 0 : i32
      %sub3A_273 = arith.subi %add3A_271, %sub3A_272 : i32
      %slice3A_274 = vector.extract_strided_slice %get3A_61 {offsets = [8], sizes = [1], strides = [1]} : vector<16xi32> to vector<1xi32>
      %squeeze3A_275 = vector.extract %slice3A_274[0] : i32 from vector<1xi32>
      %dma_start3A_276 = arith.constant 0 : i32
      %dma_start3A_277 = arith.constant 0 : i32
      %dma_start3A_278 = tpu.memref_slice %arg8[%sub3A_273, %dma_start3A_276, %dma_start3A_277] : memref<24x26x64xf32, #tpu.memory_space<vmem>> -> memref<1x26x64xf32, #tpu.memory_space<vmem>>
      %dma_start3A_279 = tpu.memref_squeeze %dma_start3A_278 : memref<1x26x64xf32, #tpu.memory_space<vmem>> -> memref<26x64xf32, #tpu.memory_space<vmem>>
      %dma_start3A_280 = arith.constant 0 : i32
      %dma_start3A_281 = tpu.memref_slice %dma_start3A_279[%squeeze3A_275, %dma_start3A_280] : memref<26x64xf32, #tpu.memory_space<vmem>> -> memref<1x64xf32, #tpu.memory_space<vmem>>
      %dma_start3A_282 = arith.constant 0 : i32
      %dma_start3A_283 = tpu.memref_slice %arg3[%squeeze3A_267, %dma_start3A_282] : memref<1000000x64xf32, #tpu.memory_space<hbm>> -> memref<1x64xf32, #tpu.memory_space<hbm>>
      %dma_start3A_284 = arith.constant 0 : i32
      %dma_start3A_285 = arith.constant 0 : i32
      %dma_start3A_286 = tpu.memref_slice %arg8[%sub3A_273, %dma_start3A_284, %dma_start3A_285] : memref<24x26x64xf32, #tpu.memory_space<vmem>> -> memref<1x26x64xf32, #tpu.memory_space<vmem>>
      %dma_start3A_287 = tpu.memref_squeeze %dma_start3A_286 : memref<1x26x64xf32, #tpu.memory_space<vmem>> -> memref<26x64xf32, #tpu.memory_space<vmem>>
      %dma_start3A_288 = arith.constant 0 : i32
      %dma_start3A_289 = tpu.memref_slice %dma_start3A_287[%squeeze3A_275, %dma_start3A_288] : memref<26x64xf32, #tpu.memory_space<vmem>> -> memref<1x64xf32, #tpu.memory_space<vmem>>
      %dma_start3A_290 = arith.constant 0 : i32
      %dma_start3A_291 = tpu.memref_slice %arg3[%squeeze3A_267, %dma_start3A_290] : memref<1000000x64xf32, #tpu.memory_space<hbm>> -> memref<1x64xf32, #tpu.memory_space<hbm>>
      tpu.enqueue_dma source(%dma_start3A_291 : memref<1x64xf32, #tpu.memory_space<hbm>>) target(%dma_start3A_289 : memref<1x64xf32, #tpu.memory_space<vmem>>) target_semaphore(%arg9 : memref<!tpu.dma_semaphore, #tpu.memory_space<semaphore_mem>>)
      %slice3A_292 = vector.extract_strided_slice %get3A_55 {offsets = [9], sizes = [1], strides = [1]} : vector<16xi32> to vector<1xi32>
      %squeeze3A_293 = vector.extract %slice3A_292[0] : i32 from vector<1xi32>
      %slice3A_294 = vector.extract_strided_slice %get3A_58 {offsets = [9], sizes = [1], strides = [1]} : vector<16xi32> to vector<1xi32>
      %squeeze3A_295 = vector.extract %slice3A_294[0] : i32 from vector<1xi32>
      %add3A_296 = arith.constant 0 : i32
      %add3A_297 = arith.addi %add3A_296, %squeeze3A_295 : i32
      %sub3A_298 = arith.constant 0 : i32
      %sub3A_299 = arith.subi %add3A_297, %sub3A_298 : i32
      %slice3A_300 = vector.extract_strided_slice %get3A_61 {offsets = [9], sizes = [1], strides = [1]} : vector<16xi32> to vector<1xi32>
      %squeeze3A_301 = vector.extract %slice3A_300[0] : i32 from vector<1xi32>
      %dma_start3A_302 = arith.constant 0 : i32
      %dma_start3A_303 = arith.constant 0 : i32
      %dma_start3A_304 = tpu.memref_slice %arg8[%sub3A_299, %dma_start3A_302, %dma_start3A_303] : memref<24x26x64xf32, #tpu.memory_space<vmem>> -> memref<1x26x64xf32, #tpu.memory_space<vmem>>
      %dma_start3A_305 = tpu.memref_squeeze %dma_start3A_304 : memref<1x26x64xf32, #tpu.memory_space<vmem>> -> memref<26x64xf32, #tpu.memory_space<vmem>>
      %dma_start3A_306 = arith.constant 0 : i32
      %dma_start3A_307 = tpu.memref_slice %dma_start3A_305[%squeeze3A_301, %dma_start3A_306] : memref<26x64xf32, #tpu.memory_space<vmem>> -> memref<1x64xf32, #tpu.memory_space<vmem>>
      %dma_start3A_308 = arith.constant 0 : i32
      %dma_start3A_309 = tpu.memref_slice %arg3[%squeeze3A_293, %dma_start3A_308] : memref<1000000x64xf32, #tpu.memory_space<hbm>> -> memref<1x64xf32, #tpu.memory_space<hbm>>
      %dma_start3A_310 = arith.constant 0 : i32
      %dma_start3A_311 = arith.constant 0 : i32
      %dma_start3A_312 = tpu.memref_slice %arg8[%sub3A_299, %dma_start3A_310, %dma_start3A_311] : memref<24x26x64xf32, #tpu.memory_space<vmem>> -> memref<1x26x64xf32, #tpu.memory_space<vmem>>
      %dma_start3A_313 = tpu.memref_squeeze %dma_start3A_312 : memref<1x26x64xf32, #tpu.memory_space<vmem>> -> memref<26x64xf32, #tpu.memory_space<vmem>>
      %dma_start3A_314 = arith.constant 0 : i32
      %dma_start3A_315 = tpu.memref_slice %dma_start3A_313[%squeeze3A_301, %dma_start3A_314] : memref<26x64xf32, #tpu.memory_space<vmem>> -> memref<1x64xf32, #tpu.memory_space<vmem>>
      %dma_start3A_316 = arith.constant 0 : i32
      %dma_start3A_317 = tpu.memref_slice %arg3[%squeeze3A_293, %dma_start3A_316] : memref<1000000x64xf32, #tpu.memory_space<hbm>> -> memref<1x64xf32, #tpu.memory_space<hbm>>
      tpu.enqueue_dma source(%dma_start3A_317 : memref<1x64xf32, #tpu.memory_space<hbm>>) target(%dma_start3A_315 : memref<1x64xf32, #tpu.memory_space<vmem>>) target_semaphore(%arg9 : memref<!tpu.dma_semaphore, #tpu.memory_space<semaphore_mem>>)
      %slice3A_318 = vector.extract_strided_slice %get3A_55 {offsets = [10], sizes = [1], strides = [1]} : vector<16xi32> to vector<1xi32>
      %squeeze3A_319 = vector.extract %slice3A_318[0] : i32 from vector<1xi32>
      %slice3A_320 = vector.extract_strided_slice %get3A_58 {offsets = [10], sizes = [1], strides = [1]} : vector<16xi32> to vector<1xi32>
      %squeeze3A_321 = vector.extract %slice3A_320[0] : i32 from vector<1xi32>
      %add3A_322 = arith.constant 0 : i32
      %add3A_323 = arith.addi %add3A_322, %squeeze3A_321 : i32
      %sub3A_324 = arith.constant 0 : i32
      %sub3A_325 = arith.subi %add3A_323, %sub3A_324 : i32
      %slice3A_326 = vector.extract_strided_slice %get3A_61 {offsets = [10], sizes = [1], strides = [1]} : vector<16xi32> to vector<1xi32>
      %squeeze3A_327 = vector.extract %slice3A_326[0] : i32 from vector<1xi32>
      %dma_start3A_328 = arith.constant 0 : i32
      %dma_start3A_329 = arith.constant 0 : i32
      %dma_start3A_330 = tpu.memref_slice %arg8[%sub3A_325, %dma_start3A_328, %dma_start3A_329] : memref<24x26x64xf32, #tpu.memory_space<vmem>> -> memref<1x26x64xf32, #tpu.memory_space<vmem>>
      %dma_start3A_331 = tpu.memref_squeeze %dma_start3A_330 : memref<1x26x64xf32, #tpu.memory_space<vmem>> -> memref<26x64xf32, #tpu.memory_space<vmem>>
      %dma_start3A_332 = arith.constant 0 : i32
      %dma_start3A_333 = tpu.memref_slice %dma_start3A_331[%squeeze3A_327, %dma_start3A_332] : memref<26x64xf32, #tpu.memory_space<vmem>> -> memref<1x64xf32, #tpu.memory_space<vmem>>
      %dma_start3A_334 = arith.constant 0 : i32
      %dma_start3A_335 = tpu.memref_slice %arg3[%squeeze3A_319, %dma_start3A_334] : memref<1000000x64xf32, #tpu.memory_space<hbm>> -> memref<1x64xf32, #tpu.memory_space<hbm>>
      %dma_start3A_336 = arith.constant 0 : i32
      %dma_start3A_337 = arith.constant 0 : i32
      %dma_start3A_338 = tpu.memref_slice %arg8[%sub3A_325, %dma_start3A_336, %dma_start3A_337] : memref<24x26x64xf32, #tpu.memory_space<vmem>> -> memref<1x26x64xf32, #tpu.memory_space<vmem>>
      %dma_start3A_339 = tpu.memref_squeeze %dma_start3A_338 : memref<1x26x64xf32, #tpu.memory_space<vmem>> -> memref<26x64xf32, #tpu.memory_space<vmem>>
      %dma_start3A_340 = arith.constant 0 : i32
      %dma_start3A_341 = tpu.memref_slice %dma_start3A_339[%squeeze3A_327, %dma_start3A_340] : memref<26x64xf32, #tpu.memory_space<vmem>> -> memref<1x64xf32, #tpu.memory_space<vmem>>
      %dma_start3A_342 = arith.constant 0 : i32
      %dma_start3A_343 = tpu.memref_slice %arg3[%squeeze3A_319, %dma_start3A_342] : memref<1000000x64xf32, #tpu.memory_space<hbm>> -> memref<1x64xf32, #tpu.memory_space<hbm>>
      tpu.enqueue_dma source(%dma_start3A_343 : memref<1x64xf32, #tpu.memory_space<hbm>>) target(%dma_start3A_341 : memref<1x64xf32, #tpu.memory_space<vmem>>) target_semaphore(%arg9 : memref<!tpu.dma_semaphore, #tpu.memory_space<semaphore_mem>>)
      %slice3A_344 = vector.extract_strided_slice %get3A_55 {offsets = [11], sizes = [1], strides = [1]} : vector<16xi32> to vector<1xi32>
      %squeeze3A_345 = vector.extract %slice3A_344[0] : i32 from vector<1xi32>
      %slice3A_346 = vector.extract_strided_slice %get3A_58 {offsets = [11], sizes = [1], strides = [1]} : vector<16xi32> to vector<1xi32>
      %squeeze3A_347 = vector.extract %slice3A_346[0] : i32 from vector<1xi32>
      %add3A_348 = arith.constant 0 : i32
      %add3A_349 = arith.addi %add3A_348, %squeeze3A_347 : i32
      %sub3A_350 = arith.constant 0 : i32
      %sub3A_351 = arith.subi %add3A_349, %sub3A_350 : i32
      %slice3A_352 = vector.extract_strided_slice %get3A_61 {offsets = [11], sizes = [1], strides = [1]} : vector<16xi32> to vector<1xi32>
      %squeeze3A_353 = vector.extract %slice3A_352[0] : i32 from vector<1xi32>
      %dma_start3A_354 = arith.constant 0 : i32
      %dma_start3A_355 = arith.constant 0 : i32
      %dma_start3A_356 = tpu.memref_slice %arg8[%sub3A_351, %dma_start3A_354, %dma_start3A_355] : memref<24x26x64xf32, #tpu.memory_space<vmem>> -> memref<1x26x64xf32, #tpu.memory_space<vmem>>
      %dma_start3A_357 = tpu.memref_squeeze %dma_start3A_356 : memref<1x26x64xf32, #tpu.memory_space<vmem>> -> memref<26x64xf32, #tpu.memory_space<vmem>>
      %dma_start3A_358 = arith.constant 0 : i32
      %dma_start3A_359 = tpu.memref_slice %dma_start3A_357[%squeeze3A_353, %dma_start3A_358] : memref<26x64xf32, #tpu.memory_space<vmem>> -> memref<1x64xf32, #tpu.memory_space<vmem>>
      %dma_start3A_360 = arith.constant 0 : i32
      %dma_start3A_361 = tpu.memref_slice %arg3[%squeeze3A_345, %dma_start3A_360] : memref<1000000x64xf32, #tpu.memory_space<hbm>> -> memref<1x64xf32, #tpu.memory_space<hbm>>
      %dma_start3A_362 = arith.constant 0 : i32
      %dma_start3A_363 = arith.constant 0 : i32
      %dma_start3A_364 = tpu.memref_slice %arg8[%sub3A_351, %dma_start3A_362, %dma_start3A_363] : memref<24x26x64xf32, #tpu.memory_space<vmem>> -> memref<1x26x64xf32, #tpu.memory_space<vmem>>
      %dma_start3A_365 = tpu.memref_squeeze %dma_start3A_364 : memref<1x26x64xf32, #tpu.memory_space<vmem>> -> memref<26x64xf32, #tpu.memory_space<vmem>>
      %dma_start3A_366 = arith.constant 0 : i32
      %dma_start3A_367 = tpu.memref_slice %dma_start3A_365[%squeeze3A_353, %dma_start3A_366] : memref<26x64xf32, #tpu.memory_space<vmem>> -> memref<1x64xf32, #tpu.memory_space<vmem>>
      %dma_start3A_368 = arith.constant 0 : i32
      %dma_start3A_369 = tpu.memref_slice %arg3[%squeeze3A_345, %dma_start3A_368] : memref<1000000x64xf32, #tpu.memory_space<hbm>> -> memref<1x64xf32, #tpu.memory_space<hbm>>
      tpu.enqueue_dma source(%dma_start3A_369 : memref<1x64xf32, #tpu.memory_space<hbm>>) target(%dma_start3A_367 : memref<1x64xf32, #tpu.memory_space<vmem>>) target_semaphore(%arg9 : memref<!tpu.dma_semaphore, #tpu.memory_space<semaphore_mem>>)
      %slice3A_370 = vector.extract_strided_slice %get3A_55 {offsets = [12], sizes = [1], strides = [1]} : vector<16xi32> to vector<1xi32>
      %squeeze3A_371 = vector.extract %slice3A_370[0] : i32 from vector<1xi32>
      %slice3A_372 = vector.extract_strided_slice %get3A_58 {offsets = [12], sizes = [1], strides = [1]} : vector<16xi32> to vector<1xi32>
      %squeeze3A_373 = vector.extract %slice3A_372[0] : i32 from vector<1xi32>
      %add3A_374 = arith.constant 0 : i32
      %add3A_375 = arith.addi %add3A_374, %squeeze3A_373 : i32
      %sub3A_376 = arith.constant 0 : i32
      %sub3A_377 = arith.subi %add3A_375, %sub3A_376 : i32
      %slice3A_378 = vector.extract_strided_slice %get3A_61 {offsets = [12], sizes = [1], strides = [1]} : vector<16xi32> to vector<1xi32>
      %squeeze3A_379 = vector.extract %slice3A_378[0] : i32 from vector<1xi32>
      %dma_start3A_380 = arith.constant 0 : i32
      %dma_start3A_381 = arith.constant 0 : i32
      %dma_start3A_382 = tpu.memref_slice %arg8[%sub3A_377, %dma_start3A_380, %dma_start3A_381] : memref<24x26x64xf32, #tpu.memory_space<vmem>> -> memref<1x26x64xf32, #tpu.memory_space<vmem>>
      %dma_start3A_383 = tpu.memref_squeeze %dma_start3A_382 : memref<1x26x64xf32, #tpu.memory_space<vmem>> -> memref<26x64xf32, #tpu.memory_space<vmem>>
      %dma_start3A_384 = arith.constant 0 : i32
      %dma_start3A_385 = tpu.memref_slice %dma_start3A_383[%squeeze3A_379, %dma_start3A_384] : memref<26x64xf32, #tpu.memory_space<vmem>> -> memref<1x64xf32, #tpu.memory_space<vmem>>
      %dma_start3A_386 = arith.constant 0 : i32
      %dma_start3A_387 = tpu.memref_slice %arg3[%squeeze3A_371, %dma_start3A_386] : memref<1000000x64xf32, #tpu.memory_space<hbm>> -> memref<1x64xf32, #tpu.memory_space<hbm>>
      %dma_start3A_388 = arith.constant 0 : i32
      %dma_start3A_389 = arith.constant 0 : i32
      %dma_start3A_390 = tpu.memref_slice %arg8[%sub3A_377, %dma_start3A_388, %dma_start3A_389] : memref<24x26x64xf32, #tpu.memory_space<vmem>> -> memref<1x26x64xf32, #tpu.memory_space<vmem>>
      %dma_start3A_391 = tpu.memref_squeeze %dma_start3A_390 : memref<1x26x64xf32, #tpu.memory_space<vmem>> -> memref<26x64xf32, #tpu.memory_space<vmem>>
      %dma_start3A_392 = arith.constant 0 : i32
      %dma_start3A_393 = tpu.memref_slice %dma_start3A_391[%squeeze3A_379, %dma_start3A_392] : memref<26x64xf32, #tpu.memory_space<vmem>> -> memref<1x64xf32, #tpu.memory_space<vmem>>
      %dma_start3A_394 = arith.constant 0 : i32
      %dma_start3A_395 = tpu.memref_slice %arg3[%squeeze3A_371, %dma_start3A_394] : memref<1000000x64xf32, #tpu.memory_space<hbm>> -> memref<1x64xf32, #tpu.memory_space<hbm>>
      tpu.enqueue_dma source(%dma_start3A_395 : memref<1x64xf32, #tpu.memory_space<hbm>>) target(%dma_start3A_393 : memref<1x64xf32, #tpu.memory_space<vmem>>) target_semaphore(%arg9 : memref<!tpu.dma_semaphore, #tpu.memory_space<semaphore_mem>>)
      %slice3A_396 = vector.extract_strided_slice %get3A_55 {offsets = [13], sizes = [1], strides = [1]} : vector<16xi32> to vector<1xi32>
      %squeeze3A_397 = vector.extract %slice3A_396[0] : i32 from vector<1xi32>
      %slice3A_398 = vector.extract_strided_slice %get3A_58 {offsets = [13], sizes = [1], strides = [1]} : vector<16xi32> to vector<1xi32>
      %squeeze3A_399 = vector.extract %slice3A_398[0] : i32 from vector<1xi32>
      %add3A_400 = arith.constant 0 : i32
      %add3A_401 = arith.addi %add3A_400, %squeeze3A_399 : i32
      %sub3A_402 = arith.constant 0 : i32
      %sub3A_403 = arith.subi %add3A_401, %sub3A_402 : i32
      %slice3A_404 = vector.extract_strided_slice %get3A_61 {offsets = [13], sizes = [1], strides = [1]} : vector<16xi32> to vector<1xi32>
      %squeeze3A_405 = vector.extract %slice3A_404[0] : i32 from vector<1xi32>
      %dma_start3A_406 = arith.constant 0 : i32
      %dma_start3A_407 = arith.constant 0 : i32
      %dma_start3A_408 = tpu.memref_slice %arg8[%sub3A_403, %dma_start3A_406, %dma_start3A_407] : memref<24x26x64xf32, #tpu.memory_space<vmem>> -> memref<1x26x64xf32, #tpu.memory_space<vmem>>
      %dma_start3A_409 = tpu.memref_squeeze %dma_start3A_408 : memref<1x26x64xf32, #tpu.memory_space<vmem>> -> memref<26x64xf32, #tpu.memory_space<vmem>>
      %dma_start3A_410 = arith.constant 0 : i32
      %dma_start3A_411 = tpu.memref_slice %dma_start3A_409[%squeeze3A_405, %dma_start3A_410] : memref<26x64xf32, #tpu.memory_space<vmem>> -> memref<1x64xf32, #tpu.memory_space<vmem>>
      %dma_start3A_412 = arith.constant 0 : i32
      %dma_start3A_413 = tpu.memref_slice %arg3[%squeeze3A_397, %dma_start3A_412] : memref<1000000x64xf32, #tpu.memory_space<hbm>> -> memref<1x64xf32, #tpu.memory_space<hbm>>
      %dma_start3A_414 = arith.constant 0 : i32
      %dma_start3A_415 = arith.constant 0 : i32
      %dma_start3A_416 = tpu.memref_slice %arg8[%sub3A_403, %dma_start3A_414, %dma_start3A_415] : memref<24x26x64xf32, #tpu.memory_space<vmem>> -> memref<1x26x64xf32, #tpu.memory_space<vmem>>
      %dma_start3A_417 = tpu.memref_squeeze %dma_start3A_416 : memref<1x26x64xf32, #tpu.memory_space<vmem>> -> memref<26x64xf32, #tpu.memory_space<vmem>>
      %dma_start3A_418 = arith.constant 0 : i32
      %dma_start3A_419 = tpu.memref_slice %dma_start3A_417[%squeeze3A_405, %dma_start3A_418] : memref<26x64xf32, #tpu.memory_space<vmem>> -> memref<1x64xf32, #tpu.memory_space<vmem>>
      %dma_start3A_420 = arith.constant 0 : i32
      %dma_start3A_421 = tpu.memref_slice %arg3[%squeeze3A_397, %dma_start3A_420] : memref<1000000x64xf32, #tpu.memory_space<hbm>> -> memref<1x64xf32, #tpu.memory_space<hbm>>
      tpu.enqueue_dma source(%dma_start3A_421 : memref<1x64xf32, #tpu.memory_space<hbm>>) target(%dma_start3A_419 : memref<1x64xf32, #tpu.memory_space<vmem>>) target_semaphore(%arg9 : memref<!tpu.dma_semaphore, #tpu.memory_space<semaphore_mem>>)
      %slice3A_422 = vector.extract_strided_slice %get3A_55 {offsets = [14], sizes = [1], strides = [1]} : vector<16xi32> to vector<1xi32>
      %squeeze3A_423 = vector.extract %slice3A_422[0] : i32 from vector<1xi32>
      %slice3A_424 = vector.extract_strided_slice %get3A_58 {offsets = [14], sizes = [1], strides = [1]} : vector<16xi32> to vector<1xi32>
      %squeeze3A_425 = vector.extract %slice3A_424[0] : i32 from vector<1xi32>
      %add3A_426 = arith.constant 0 : i32
      %add3A_427 = arith.addi %add3A_426, %squeeze3A_425 : i32
      %sub3A_428 = arith.constant 0 : i32
      %sub3A_429 = arith.subi %add3A_427, %sub3A_428 : i32
      %slice3A_430 = vector.extract_strided_slice %get3A_61 {offsets = [14], sizes = [1], strides = [1]} : vector<16xi32> to vector<1xi32>
      %squeeze3A_431 = vector.extract %slice3A_430[0] : i32 from vector<1xi32>
      %dma_start3A_432 = arith.constant 0 : i32
      %dma_start3A_433 = arith.constant 0 : i32
      %dma_start3A_434 = tpu.memref_slice %arg8[%sub3A_429, %dma_start3A_432, %dma_start3A_433] : memref<24x26x64xf32, #tpu.memory_space<vmem>> -> memref<1x26x64xf32, #tpu.memory_space<vmem>>
      %dma_start3A_435 = tpu.memref_squeeze %dma_start3A_434 : memref<1x26x64xf32, #tpu.memory_space<vmem>> -> memref<26x64xf32, #tpu.memory_space<vmem>>
      %dma_start3A_436 = arith.constant 0 : i32
      %dma_start3A_437 = tpu.memref_slice %dma_start3A_435[%squeeze3A_431, %dma_start3A_436] : memref<26x64xf32, #tpu.memory_space<vmem>> -> memref<1x64xf32, #tpu.memory_space<vmem>>
      %dma_start3A_438 = arith.constant 0 : i32
      %dma_start3A_439 = tpu.memref_slice %arg3[%squeeze3A_423, %dma_start3A_438] : memref<1000000x64xf32, #tpu.memory_space<hbm>> -> memref<1x64xf32, #tpu.memory_space<hbm>>
      %dma_start3A_440 = arith.constant 0 : i32
      %dma_start3A_441 = arith.constant 0 : i32
      %dma_start3A_442 = tpu.memref_slice %arg8[%sub3A_429, %dma_start3A_440, %dma_start3A_441] : memref<24x26x64xf32, #tpu.memory_space<vmem>> -> memref<1x26x64xf32, #tpu.memory_space<vmem>>
      %dma_start3A_443 = tpu.memref_squeeze %dma_start3A_442 : memref<1x26x64xf32, #tpu.memory_space<vmem>> -> memref<26x64xf32, #tpu.memory_space<vmem>>
      %dma_start3A_444 = arith.constant 0 : i32
      %dma_start3A_445 = tpu.memref_slice %dma_start3A_443[%squeeze3A_431, %dma_start3A_444] : memref<26x64xf32, #tpu.memory_space<vmem>> -> memref<1x64xf32, #tpu.memory_space<vmem>>
      %dma_start3A_446 = arith.constant 0 : i32
      %dma_start3A_447 = tpu.memref_slice %arg3[%squeeze3A_423, %dma_start3A_446] : memref<1000000x64xf32, #tpu.memory_space<hbm>> -> memref<1x64xf32, #tpu.memory_space<hbm>>
      tpu.enqueue_dma source(%dma_start3A_447 : memref<1x64xf32, #tpu.memory_space<hbm>>) target(%dma_start3A_445 : memref<1x64xf32, #tpu.memory_space<vmem>>) target_semaphore(%arg9 : memref<!tpu.dma_semaphore, #tpu.memory_space<semaphore_mem>>)
      %slice3A_448 = vector.extract_strided_slice %get3A_55 {offsets = [15], sizes = [1], strides = [1]} : vector<16xi32> to vector<1xi32>
      %squeeze3A_449 = vector.extract %slice3A_448[0] : i32 from vector<1xi32>
      %slice3A_450 = vector.extract_strided_slice %get3A_58 {offsets = [15], sizes = [1], strides = [1]} : vector<16xi32> to vector<1xi32>
      %squeeze3A_451 = vector.extract %slice3A_450[0] : i32 from vector<1xi32>
      %add3A_452 = arith.constant 0 : i32
      %add3A_453 = arith.addi %add3A_452, %squeeze3A_451 : i32
      %sub3A_454 = arith.constant 0 : i32
      %sub3A_455 = arith.subi %add3A_453, %sub3A_454 : i32
      %slice3A_456 = vector.extract_strided_slice %get3A_61 {offsets = [15], sizes = [1], strides = [1]} : vector<16xi32> to vector<1xi32>
      %squeeze3A_457 = vector.extract %slice3A_456[0] : i32 from vector<1xi32>
      %dma_start3A_458 = arith.constant 0 : i32
      %dma_start3A_459 = arith.constant 0 : i32
      %dma_start3A_460 = tpu.memref_slice %arg8[%sub3A_455, %dma_start3A_458, %dma_start3A_459] : memref<24x26x64xf32, #tpu.memory_space<vmem>> -> memref<1x26x64xf32, #tpu.memory_space<vmem>>
      %dma_start3A_461 = tpu.memref_squeeze %dma_start3A_460 : memref<1x26x64xf32, #tpu.memory_space<vmem>> -> memref<26x64xf32, #tpu.memory_space<vmem>>
      %dma_start3A_462 = arith.constant 0 : i32
      %dma_start3A_463 = tpu.memref_slice %dma_start3A_461[%squeeze3A_457, %dma_start3A_462] : memref<26x64xf32, #tpu.memory_space<vmem>> -> memref<1x64xf32, #tpu.memory_space<vmem>>
      %dma_start3A_464 = arith.constant 0 : i32
      %dma_start3A_465 = tpu.memref_slice %arg3[%squeeze3A_449, %dma_start3A_464] : memref<1000000x64xf32, #tpu.memory_space<hbm>> -> memref<1x64xf32, #tpu.memory_space<hbm>>
      %dma_start3A_466 = arith.constant 0 : i32
      %dma_start3A_467 = arith.constant 0 : i32
      %dma_start3A_468 = tpu.memref_slice %arg8[%sub3A_455, %dma_start3A_466, %dma_start3A_467] : memref<24x26x64xf32, #tpu.memory_space<vmem>> -> memref<1x26x64xf32, #tpu.memory_space<vmem>>
      %dma_start3A_469 = tpu.memref_squeeze %dma_start3A_468 : memref<1x26x64xf32, #tpu.memory_space<vmem>> -> memref<26x64xf32, #tpu.memory_space<vmem>>
      %dma_start3A_470 = arith.constant 0 : i32
      %dma_start3A_471 = tpu.memref_slice %dma_start3A_469[%squeeze3A_457, %dma_start3A_470] : memref<26x64xf32, #tpu.memory_space<vmem>> -> memref<1x64xf32, #tpu.memory_space<vmem>>
      %dma_start3A_472 = arith.constant 0 : i32
      %dma_start3A_473 = tpu.memref_slice %arg3[%squeeze3A_449, %dma_start3A_472] : memref<1000000x64xf32, #tpu.memory_space<hbm>> -> memref<1x64xf32, #tpu.memory_space<hbm>>
      tpu.enqueue_dma source(%dma_start3A_473 : memref<1x64xf32, #tpu.memory_space<hbm>>) target(%dma_start3A_471 : memref<1x64xf32, #tpu.memory_space<vmem>>) target_semaphore(%arg9 : memref<!tpu.dma_semaphore, #tpu.memory_space<semaphore_mem>>)
    }
    %scan3A_15 = arith.constant 13 : i32
    %scan3A_16 = arith.constant 0 : i32
    %scan3A_17 = arith.constant 0 : i32
    %scan3A_18 = arith.constant 16 : i32
    %scan3A_19 = arith.addi %scan3A_17, %scan3A_18 : i32
    %scan3A_20 = arith.constant 1 : i32
    scf.for %scan3A_49 = %scan3A_17 to %scan3A_19 step %scan3A_20  : i32 {
      %rem3A = arith.constant 3 : i32
      %rem3A_50 = arith.remsi %scan3A_49, %rem3A : i32
      %eq3A = arith.constant 0 : i32
      %eq3A_51 = arith.cmpi eq, %rem3A_50, %eq3A : i32
      %convert_element_type3A = arith.extui %eq3A_51 : i1 to i32
      %cond3A = arith.constant 0 : i32
      %cond3A_52 = arith.cmpi ne, %convert_element_type3A, %cond3A : i32
      scf.if %cond3A_52 {
        %ge3A = arith.constant 2 : i32
        %ge3A_67 = arith.cmpi sge, %scan3A_49, %ge3A : i32
        %convert_element_type3A_68 = arith.extui %ge3A_67 : i1 to i32
        %cond3A_69 = arith.constant 0 : i32
        %cond3A_70 = arith.cmpi ne, %convert_element_type3A_68, %cond3A_69 : i32
        scf.if %cond3A_70 {
          %dma_wait3A_107 = arith.constant 8 : i32
          %dma_wait3A_108 = arith.constant 0 : i32
          %dma_wait3A_109 = arith.constant 0 : i32
          %dma_wait3A_110 = tpu.memref_slice %arg8[%dma_wait3A_107, %dma_wait3A_108, %dma_wait3A_109] : memref<24x26x64xf32, #tpu.memory_space<vmem>> -> memref<8x26x64xf32, #tpu.memory_space<vmem>>
          %dma_wait3A_111 = arith.constant 0 : i32
          %dma_wait3A_112 = arith.constant 0 : i32
          %dma_wait3A_113 = tpu.memref_slice %arg4[%mul3A_4, %dma_wait3A_111, %dma_wait3A_112] : memref<4096x26x64xf32, #tpu.memory_space<hbm>> -> memref<8x26x64xf32, #tpu.memory_space<hbm>>
          %dma_wait3A_114 = arith.constant 0 : i32
          %dma_wait3A_115 = arith.constant 0 : i32
          %dma_wait3A_116 = tpu.memref_slice %arg4[%mul3A_4, %dma_wait3A_114, %dma_wait3A_115] : memref<4096x26x64xf32, #tpu.memory_space<hbm>> -> memref<8x26x64xf32, #tpu.memory_space<hbm>>
          %dma_wait3A_117 = arith.constant 8 : i32
          %dma_wait3A_118 = arith.constant 0 : i32
          %dma_wait3A_119 = arith.constant 0 : i32
          %dma_wait3A_120 = tpu.memref_slice %arg8[%dma_wait3A_117, %dma_wait3A_118, %dma_wait3A_119] : memref<24x26x64xf32, #tpu.memory_space<vmem>> -> memref<8x26x64xf32, #tpu.memory_space<vmem>>
          tpu.wait_dma2 semaphore(%arg13 : memref<!tpu.dma_semaphore, #tpu.memory_space<semaphore_mem>>) src(%dma_wait3A_120 : memref<8x26x64xf32, #tpu.memory_space<vmem>>) dst(%dma_wait3A_116 : memref<8x26x64xf32, #tpu.memory_space<hbm>>)
        } else {
        }
        %lt3A = arith.constant 15 : i32
        %lt3A_71 = arith.cmpi slt, %scan3A_49, %lt3A : i32
        %convert_element_type3A_72 = arith.extui %lt3A_71 : i1 to i32
        %cond3A_73 = arith.constant 0 : i32
        %cond3A_74 = arith.cmpi ne, %convert_element_type3A_72, %cond3A_73 : i32
        scf.if %cond3A_74 {
          %add3A_107 = arith.constant 1 : i32
          %add3A_108 = arith.addi %scan3A_49, %add3A_107 : i32
          %scan3A_109 = arith.constant 0 : i32
          %scan3A_110 = arith.constant 0 : i32
          %scan3A_111 = arith.constant 13 : i32
          %scan3A_112 = arith.addi %scan3A_110, %scan3A_111 : i32
          %scan3A_113 = arith.constant 1 : i32
          scf.for %scan3A_115 = %scan3A_110 to %scan3A_112 step %scan3A_113  : i32 {
            %mul3A_116 = arith.constant 208 : i32
            %mul3A_117 = arith.muli %add3A_108, %mul3A_116 : i32
            %mul3A_118 = arith.constant 16 : i32
            %mul3A_119 = arith.muli %scan3A_115, %mul3A_118 : i32
            %add3A_120 = arith.addi %mul3A_117, %mul3A_119 : i32
            %get3A = arith.index_cast %add3A_120 : i32 to index
            %get3A_121 = tpu.vector_load %arg5[%get3A] {strides = array<i32>} : memref<3328xi32, #tpu.memory_space<vmem>>, vector<16xi32>,
            %get3A_122 = vector.shape_cast %get3A_121 : vector<16xi32> to vector<16xi32>
            %get3A_123 = arith.index_cast %add3A_120 : i32 to index
            %get3A_124 = tpu.vector_load %arg6[%get3A_123] {strides = array<i32>} : memref<3328xi32, #tpu.memory_space<vmem>>, vector<16xi32>,
            %get3A_125 = vector.shape_cast %get3A_124 : vector<16xi32> to vector<16xi32>
            %get3A_126 = arith.index_cast %add3A_120 : i32 to index
            %get3A_127 = tpu.vector_load %arg7[%get3A_126] {strides = array<i32>} : memref<3328xi32, #tpu.memory_space<vmem>>, vector<16xi32>,
            %get3A_128 = vector.shape_cast %get3A_127 : vector<16xi32> to vector<16xi32>
            %slice3A = vector.extract_strided_slice %get3A_122 {offsets = [0], sizes = [1], strides = [1]} : vector<16xi32> to vector<1xi32>
            %squeeze3A = vector.extract %slice3A[0] : i32 from vector<1xi32>
            %slice3A_129 = vector.extract_strided_slice %get3A_125 {offsets = [0], sizes = [1], strides = [1]} : vector<16xi32> to vector<1xi32>
            %squeeze3A_130 = vector.extract %slice3A_129[0] : i32 from vector<1xi32>
            %add3A_131 = arith.constant 8 : i32
            %add3A_132 = arith.addi %add3A_131, %squeeze3A_130 : i32
            %mul3A_133 = arith.constant 8 : i32
            %mul3A_134 = arith.muli %add3A_108, %mul3A_133 : i32
            %sub3A = arith.subi %add3A_132, %mul3A_134 : i32
            %slice3A_135 = vector.extract_strided_slice %get3A_128 {offsets = [0], sizes = [1], strides = [1]} : vector<16xi32> to vector<1xi32>
            %squeeze3A_136 = vector.extract %slice3A_135[0] : i32 from vector<1xi32>
            %dma_start3A_137 = arith.constant 0 : i32
            %dma_start3A_138 = arith.constant 0 : i32
            %dma_start3A_139 = tpu.memref_slice %arg8[%sub3A, %dma_start3A_137, %dma_start3A_138] : memref<24x26x64xf32, #tpu.memory_space<vmem>> -> memref<1x26x64xf32, #tpu.memory_space<vmem>>
            %dma_start3A_140 = tpu.memref_squeeze %dma_start3A_139 : memref<1x26x64xf32, #tpu.memory_space<vmem>> -> memref<26x64xf32, #tpu.memory_space<vmem>>
            %dma_start3A_141 = arith.constant 0 : i32
            %dma_start3A_142 = tpu.memref_slice %dma_start3A_140[%squeeze3A_136, %dma_start3A_141] : memref<26x64xf32, #tpu.memory_space<vmem>> -> memref<1x64xf32, #tpu.memory_space<vmem>>
            %dma_start3A_143 = arith.constant 0 : i32
            %dma_start3A_144 = tpu.memref_slice %arg3[%squeeze3A, %dma_start3A_143] : memref<1000000x64xf32, #tpu.memory_space<hbm>> -> memref<1x64xf32, #tpu.memory_space<hbm>>
            %dma_start3A_145 = arith.constant 0 : i32
            %dma_start3A_146 = arith.constant 0 : i32
            %dma_start3A_147 = tpu.memref_slice %arg8[%sub3A, %dma_start3A_145, %dma_start3A_146] : memref<24x26x64xf32, #tpu.memory_space<vmem>> -> memref<1x26x64xf32, #tpu.memory_space<vmem>>
            %dma_start3A_148 = tpu.memref_squeeze %dma_start3A_147 : memref<1x26x64xf32, #tpu.memory_space<vmem>> -> memref<26x64xf32, #tpu.memory_space<vmem>>
            %dma_start3A_149 = arith.constant 0 : i32
            %dma_start3A_150 = tpu.memref_slice %dma_start3A_148[%squeeze3A_136, %dma_start3A_149] : memref<26x64xf32, #tpu.memory_space<vmem>> -> memref<1x64xf32, #tpu.memory_space<vmem>>
            %dma_start3A_151 = arith.constant 0 : i32
            %dma_start3A_152 = tpu.memref_slice %arg3[%squeeze3A, %dma_start3A_151] : memref<1000000x64xf32, #tpu.memory_space<hbm>> -> memref<1x64xf32, #tpu.memory_space<hbm>>
            tpu.enqueue_dma source(%dma_start3A_152 : memref<1x64xf32, #tpu.memory_space<hbm>>) target(%dma_start3A_150 : memref<1x64xf32, #tpu.memory_space<vmem>>) target_semaphore(%arg10 : memref<!tpu.dma_semaphore, #tpu.memory_space<semaphore_mem>>)
            %slice3A_153 = vector.extract_strided_slice %get3A_122 {offsets = [1], sizes = [1], strides = [1]} : vector<16xi32> to vector<1xi32>
            %squeeze3A_154 = vector.extract %slice3A_153[0] : i32 from vector<1xi32>
            %slice3A_155 = vector.extract_strided_slice %get3A_125 {offsets = [1], sizes = [1], strides = [1]} : vector<16xi32> to vector<1xi32>
            %squeeze3A_156 = vector.extract %slice3A_155[0] : i32 from vector<1xi32>
            %add3A_157 = arith.constant 8 : i32
            %add3A_158 = arith.addi %add3A_157, %squeeze3A_156 : i32
            %mul3A_159 = arith.constant 8 : i32
            %mul3A_160 = arith.muli %add3A_108, %mul3A_159 : i32
            %sub3A_161 = arith.subi %add3A_158, %mul3A_160 : i32
            %slice3A_162 = vector.extract_strided_slice %get3A_128 {offsets = [1], sizes = [1], strides = [1]} : vector<16xi32> to vector<1xi32>
            %squeeze3A_163 = vector.extract %slice3A_162[0] : i32 from vector<1xi32>
            %dma_start3A_164 = arith.constant 0 : i32
            %dma_start3A_165 = arith.constant 0 : i32
            %dma_start3A_166 = tpu.memref_slice %arg8[%sub3A_161, %dma_start3A_164, %dma_start3A_165] : memref<24x26x64xf32, #tpu.memory_space<vmem>> -> memref<1x26x64xf32, #tpu.memory_space<vmem>>
            %dma_start3A_167 = tpu.memref_squeeze %dma_start3A_166 : memref<1x26x64xf32, #tpu.memory_space<vmem>> -> memref<26x64xf32, #tpu.memory_space<vmem>>
            %dma_start3A_168 = arith.constant 0 : i32
            %dma_start3A_169 = tpu.memref_slice %dma_start3A_167[%squeeze3A_163, %dma_start3A_168] : memref<26x64xf32, #tpu.memory_space<vmem>> -> memref<1x64xf32, #tpu.memory_space<vmem>>
            %dma_start3A_170 = arith.constant 0 : i32
            %dma_start3A_171 = tpu.memref_slice %arg3[%squeeze3A_154, %dma_start3A_170] : memref<1000000x64xf32, #tpu.memory_space<hbm>> -> memref<1x64xf32, #tpu.memory_space<hbm>>
            %dma_start3A_172 = arith.constant 0 : i32
            %dma_start3A_173 = arith.constant 0 : i32
            %dma_start3A_174 = tpu.memref_slice %arg8[%sub3A_161, %dma_start3A_172, %dma_start3A_173] : memref<24x26x64xf32, #tpu.memory_space<vmem>> -> memref<1x26x64xf32, #tpu.memory_space<vmem>>
            %dma_start3A_175 = tpu.memref_squeeze %dma_start3A_174 : memref<1x26x64xf32, #tpu.memory_space<vmem>> -> memref<26x64xf32, #tpu.memory_space<vmem>>
            %dma_start3A_176 = arith.constant 0 : i32
            %dma_start3A_177 = tpu.memref_slice %dma_start3A_175[%squeeze3A_163, %dma_start3A_176] : memref<26x64xf32, #tpu.memory_space<vmem>> -> memref<1x64xf32, #tpu.memory_space<vmem>>
            %dma_start3A_178 = arith.constant 0 : i32
            %dma_start3A_179 = tpu.memref_slice %arg3[%squeeze3A_154, %dma_start3A_178] : memref<1000000x64xf32, #tpu.memory_space<hbm>> -> memref<1x64xf32, #tpu.memory_space<hbm>>
            tpu.enqueue_dma source(%dma_start3A_179 : memref<1x64xf32, #tpu.memory_space<hbm>>) target(%dma_start3A_177 : memref<1x64xf32, #tpu.memory_space<vmem>>) target_semaphore(%arg10 : memref<!tpu.dma_semaphore, #tpu.memory_space<semaphore_mem>>)
            %slice3A_180 = vector.extract_strided_slice %get3A_122 {offsets = [2], sizes = [1], strides = [1]} : vector<16xi32> to vector<1xi32>
            %squeeze3A_181 = vector.extract %slice3A_180[0] : i32 from vector<1xi32>
            %slice3A_182 = vector.extract_strided_slice %get3A_125 {offsets = [2], sizes = [1], strides = [1]} : vector<16xi32> to vector<1xi32>
            %squeeze3A_183 = vector.extract %slice3A_182[0] : i32 from vector<1xi32>
            %add3A_184 = arith.constant 8 : i32
            %add3A_185 = arith.addi %add3A_184, %squeeze3A_183 : i32
            %mul3A_186 = arith.constant 8 : i32
            %mul3A_187 = arith.muli %add3A_108, %mul3A_186 : i32
            %sub3A_188 = arith.subi %add3A_185, %mul3A_187 : i32
            %slice3A_189 = vector.extract_strided_slice %get3A_128 {offsets = [2], sizes = [1], strides = [1]} : vector<16xi32> to vector<1xi32>
            %squeeze3A_190 = vector.extract %slice3A_189[0] : i32 from vector<1xi32>
            %dma_start3A_191 = arith.constant 0 : i32
            %dma_start3A_192 = arith.constant 0 : i32
            %dma_start3A_193 = tpu.memref_slice %arg8[%sub3A_188, %dma_start3A_191, %dma_start3A_192] : memref<24x26x64xf32, #tpu.memory_space<vmem>> -> memref<1x26x64xf32, #tpu.memory_space<vmem>>
            %dma_start3A_194 = tpu.memref_squeeze %dma_start3A_193 : memref<1x26x64xf32, #tpu.memory_space<vmem>> -> memref<26x64xf32, #tpu.memory_space<vmem>>
            %dma_start3A_195 = arith.constant 0 : i32
            %dma_start3A_196 = tpu.memref_slice %dma_start3A_194[%squeeze3A_190, %dma_start3A_195] : memref<26x64xf32, #tpu.memory_space<vmem>> -> memref<1x64xf32, #tpu.memory_space<vmem>>
            %dma_start3A_197 = arith.constant 0 : i32
            %dma_start3A_198 = tpu.memref_slice %arg3[%squeeze3A_181, %dma_start3A_197] : memref<1000000x64xf32, #tpu.memory_space<hbm>> -> memref<1x64xf32, #tpu.memory_space<hbm>>
            %dma_start3A_199 = arith.constant 0 : i32
            %dma_start3A_200 = arith.constant 0 : i32
            %dma_start3A_201 = tpu.memref_slice %arg8[%sub3A_188, %dma_start3A_199, %dma_start3A_200] : memref<24x26x64xf32, #tpu.memory_space<vmem>> -> memref<1x26x64xf32, #tpu.memory_space<vmem>>
            %dma_start3A_202 = tpu.memref_squeeze %dma_start3A_201 : memref<1x26x64xf32, #tpu.memory_space<vmem>> -> memref<26x64xf32, #tpu.memory_space<vmem>>
            %dma_start3A_203 = arith.constant 0 : i32
            %dma_start3A_204 = tpu.memref_slice %dma_start3A_202[%squeeze3A_190, %dma_start3A_203] : memref<26x64xf32, #tpu.memory_space<vmem>> -> memref<1x64xf32, #tpu.memory_space<vmem>>
            %dma_start3A_205 = arith.constant 0 : i32
            %dma_start3A_206 = tpu.memref_slice %arg3[%squeeze3A_181, %dma_start3A_205] : memref<1000000x64xf32, #tpu.memory_space<hbm>> -> memref<1x64xf32, #tpu.memory_space<hbm>>
            tpu.enqueue_dma source(%dma_start3A_206 : memref<1x64xf32, #tpu.memory_space<hbm>>) target(%dma_start3A_204 : memref<1x64xf32, #tpu.memory_space<vmem>>) target_semaphore(%arg10 : memref<!tpu.dma_semaphore, #tpu.memory_space<semaphore_mem>>)
            %slice3A_207 = vector.extract_strided_slice %get3A_122 {offsets = [3], sizes = [1], strides = [1]} : vector<16xi32> to vector<1xi32>
            %squeeze3A_208 = vector.extract %slice3A_207[0] : i32 from vector<1xi32>
            %slice3A_209 = vector.extract_strided_slice %get3A_125 {offsets = [3], sizes = [1], strides = [1]} : vector<16xi32> to vector<1xi32>
            %squeeze3A_210 = vector.extract %slice3A_209[0] : i32 from vector<1xi32>
            %add3A_211 = arith.constant 8 : i32
            %add3A_212 = arith.addi %add3A_211, %squeeze3A_210 : i32
            %mul3A_213 = arith.constant 8 : i32
            %mul3A_214 = arith.muli %add3A_108, %mul3A_213 : i32
            %sub3A_215 = arith.subi %add3A_212, %mul3A_214 : i32
            %slice3A_216 = vector.extract_strided_slice %get3A_128 {offsets = [3], sizes = [1], strides = [1]} : vector<16xi32> to vector<1xi32>
            %squeeze3A_217 = vector.extract %slice3A_216[0] : i32 from vector<1xi32>
            %dma_start3A_218 = arith.constant 0 : i32
            %dma_start3A_219 = arith.constant 0 : i32
            %dma_start3A_220 = tpu.memref_slice %arg8[%sub3A_215, %dma_start3A_218, %dma_start3A_219] : memref<24x26x64xf32, #tpu.memory_space<vmem>> -> memref<1x26x64xf32, #tpu.memory_space<vmem>>
            %dma_start3A_221 = tpu.memref_squeeze %dma_start3A_220 : memref<1x26x64xf32, #tpu.memory_space<vmem>> -> memref<26x64xf32, #tpu.memory_space<vmem>>
            %dma_start3A_222 = arith.constant 0 : i32
            %dma_start3A_223 = tpu.memref_slice %dma_start3A_221[%squeeze3A_217, %dma_start3A_222] : memref<26x64xf32, #tpu.memory_space<vmem>> -> memref<1x64xf32, #tpu.memory_space<vmem>>
            %dma_start3A_224 = arith.constant 0 : i32
            %dma_start3A_225 = tpu.memref_slice %arg3[%squeeze3A_208, %dma_start3A_224] : memref<1000000x64xf32, #tpu.memory_space<hbm>> -> memref<1x64xf32, #tpu.memory_space<hbm>>
            %dma_start3A_226 = arith.constant 0 : i32
            %dma_start3A_227 = arith.constant 0 : i32
            %dma_start3A_228 = tpu.memref_slice %arg8[%sub3A_215, %dma_start3A_226, %dma_start3A_227] : memref<24x26x64xf32, #tpu.memory_space<vmem>> -> memref<1x26x64xf32, #tpu.memory_space<vmem>>
            %dma_start3A_229 = tpu.memref_squeeze %dma_start3A_228 : memref<1x26x64xf32, #tpu.memory_space<vmem>> -> memref<26x64xf32, #tpu.memory_space<vmem>>
            %dma_start3A_230 = arith.constant 0 : i32
            %dma_start3A_231 = tpu.memref_slice %dma_start3A_229[%squeeze3A_217, %dma_start3A_230] : memref<26x64xf32, #tpu.memory_space<vmem>> -> memref<1x64xf32, #tpu.memory_space<vmem>>
            %dma_start3A_232 = arith.constant 0 : i32
            %dma_start3A_233 = tpu.memref_slice %arg3[%squeeze3A_208, %dma_start3A_232] : memref<1000000x64xf32, #tpu.memory_space<hbm>> -> memref<1x64xf32, #tpu.memory_space<hbm>>
            tpu.enqueue_dma source(%dma_start3A_233 : memref<1x64xf32, #tpu.memory_space<hbm>>) target(%dma_start3A_231 : memref<1x64xf32, #tpu.memory_space<vmem>>) target_semaphore(%arg10 : memref<!tpu.dma_semaphore, #tpu.memory_space<semaphore_mem>>)
            %slice3A_234 = vector.extract_strided_slice %get3A_122 {offsets = [4], sizes = [1], strides = [1]} : vector<16xi32> to vector<1xi32>
            %squeeze3A_235 = vector.extract %slice3A_234[0] : i32 from vector<1xi32>
            %slice3A_236 = vector.extract_strided_slice %get3A_125 {offsets = [4], sizes = [1], strides = [1]} : vector<16xi32> to vector<1xi32>
            %squeeze3A_237 = vector.extract %slice3A_236[0] : i32 from vector<1xi32>
            %add3A_238 = arith.constant 8 : i32
            %add3A_239 = arith.addi %add3A_238, %squeeze3A_237 : i32
            %mul3A_240 = arith.constant 8 : i32
            %mul3A_241 = arith.muli %add3A_108, %mul3A_240 : i32
            %sub3A_242 = arith.subi %add3A_239, %mul3A_241 : i32
            %slice3A_243 = vector.extract_strided_slice %get3A_128 {offsets = [4], sizes = [1], strides = [1]} : vector<16xi32> to vector<1xi32>
            %squeeze3A_244 = vector.extract %slice3A_243[0] : i32 from vector<1xi32>
            %dma_start3A_245 = arith.constant 0 : i32
            %dma_start3A_246 = arith.constant 0 : i32
            %dma_start3A_247 = tpu.memref_slice %arg8[%sub3A_242, %dma_start3A_245, %dma_start3A_246] : memref<24x26x64xf32, #tpu.memory_space<vmem>> -> memref<1x26x64xf32, #tpu.memory_space<vmem>>
            %dma_start3A_248 = tpu.memref_squeeze %dma_start3A_247 : memref<1x26x64xf32, #tpu.memory_space<vmem>> -> memref<26x64xf32, #tpu.memory_space<vmem>>
            %dma_start3A_249 = arith.constant 0 : i32
            %dma_start3A_250 = tpu.memref_slice %dma_start3A_248[%squeeze3A_244, %dma_start3A_249] : memref<26x64xf32, #tpu.memory_space<vmem>> -> memref<1x64xf32, #tpu.memory_space<vmem>>
            %dma_start3A_251 = arith.constant 0 : i32
            %dma_start3A_252 = tpu.memref_slice %arg3[%squeeze3A_235, %dma_start3A_251] : memref<1000000x64xf32, #tpu.memory_space<hbm>> -> memref<1x64xf32, #tpu.memory_space<hbm>>
            %dma_start3A_253 = arith.constant 0 : i32
            %dma_start3A_254 = arith.constant 0 : i32
            %dma_start3A_255 = tpu.memref_slice %arg8[%sub3A_242, %dma_start3A_253, %dma_start3A_254] : memref<24x26x64xf32, #tpu.memory_space<vmem>> -> memref<1x26x64xf32, #tpu.memory_space<vmem>>
            %dma_start3A_256 = tpu.memref_squeeze %dma_start3A_255 : memref<1x26x64xf32, #tpu.memory_space<vmem>> -> memref<26x64xf32, #tpu.memory_space<vmem>>
            %dma_start3A_257 = arith.constant 0 : i32
            %dma_start3A_258 = tpu.memref_slice %dma_start3A_256[%squeeze3A_244, %dma_start3A_257] : memref<26x64xf32, #tpu.memory_space<vmem>> -> memref<1x64xf32, #tpu.memory_space<vmem>>
            %dma_start3A_259 = arith.constant 0 : i32
            %dma_start3A_260 = tpu.memref_slice %arg3[%squeeze3A_235, %dma_start3A_259] : memref<1000000x64xf32, #tpu.memory_space<hbm>> -> memref<1x64xf32, #tpu.memory_space<hbm>>
            tpu.enqueue_dma source(%dma_start3A_260 : memref<1x64xf32, #tpu.memory_space<hbm>>) target(%dma_start3A_258 : memref<1x64xf32, #tpu.memory_space<vmem>>) target_semaphore(%arg10 : memref<!tpu.dma_semaphore, #tpu.memory_space<semaphore_mem>>)
            %slice3A_261 = vector.extract_strided_slice %get3A_122 {offsets = [5], sizes = [1], strides = [1]} : vector<16xi32> to vector<1xi32>
            %squeeze3A_262 = vector.extract %slice3A_261[0] : i32 from vector<1xi32>
            %slice3A_263 = vector.extract_strided_slice %get3A_125 {offsets = [5], sizes = [1], strides = [1]} : vector<16xi32> to vector<1xi32>
            %squeeze3A_264 = vector.extract %slice3A_263[0] : i32 from vector<1xi32>
            %add3A_265 = arith.constant 8 : i32
            %add3A_266 = arith.addi %add3A_265, %squeeze3A_264 : i32
            %mul3A_267 = arith.constant 8 : i32
            %mul3A_268 = arith.muli %add3A_108, %mul3A_267 : i32
            %sub3A_269 = arith.subi %add3A_266, %mul3A_268 : i32
            %slice3A_270 = vector.extract_strided_slice %get3A_128 {offsets = [5], sizes = [1], strides = [1]} : vector<16xi32> to vector<1xi32>
            %squeeze3A_271 = vector.extract %slice3A_270[0] : i32 from vector<1xi32>
            %dma_start3A_272 = arith.constant 0 : i32
            %dma_start3A_273 = arith.constant 0 : i32
            %dma_start3A_274 = tpu.memref_slice %arg8[%sub3A_269, %dma_start3A_272, %dma_start3A_273] : memref<24x26x64xf32, #tpu.memory_space<vmem>> -> memref<1x26x64xf32, #tpu.memory_space<vmem>>
            %dma_start3A_275 = tpu.memref_squeeze %dma_start3A_274 : memref<1x26x64xf32, #tpu.memory_space<vmem>> -> memref<26x64xf32, #tpu.memory_space<vmem>>
            %dma_start3A_276 = arith.constant 0 : i32
            %dma_start3A_277 = tpu.memref_slice %dma_start3A_275[%squeeze3A_271, %dma_start3A_276] : memref<26x64xf32, #tpu.memory_space<vmem>> -> memref<1x64xf32, #tpu.memory_space<vmem>>
            %dma_start3A_278 = arith.constant 0 : i32
            %dma_start3A_279 = tpu.memref_slice %arg3[%squeeze3A_262, %dma_start3A_278] : memref<1000000x64xf32, #tpu.memory_space<hbm>> -> memref<1x64xf32, #tpu.memory_space<hbm>>
            %dma_start3A_280 = arith.constant 0 : i32
            %dma_start3A_281 = arith.constant 0 : i32
            %dma_start3A_282 = tpu.memref_slice %arg8[%sub3A_269, %dma_start3A_280, %dma_start3A_281] : memref<24x26x64xf32, #tpu.memory_space<vmem>> -> memref<1x26x64xf32, #tpu.memory_space<vmem>>
            %dma_start3A_283 = tpu.memref_squeeze %dma_start3A_282 : memref<1x26x64xf32, #tpu.memory_space<vmem>> -> memref<26x64xf32, #tpu.memory_space<vmem>>
            %dma_start3A_284 = arith.constant 0 : i32
            %dma_start3A_285 = tpu.memref_slice %dma_start3A_283[%squeeze3A_271, %dma_start3A_284] : memref<26x64xf32, #tpu.memory_space<vmem>> -> memref<1x64xf32, #tpu.memory_space<vmem>>
            %dma_start3A_286 = arith.constant 0 : i32
            %dma_start3A_287 = tpu.memref_slice %arg3[%squeeze3A_262, %dma_start3A_286] : memref<1000000x64xf32, #tpu.memory_space<hbm>> -> memref<1x64xf32, #tpu.memory_space<hbm>>
            tpu.enqueue_dma source(%dma_start3A_287 : memref<1x64xf32, #tpu.memory_space<hbm>>) target(%dma_start3A_285 : memref<1x64xf32, #tpu.memory_space<vmem>>) target_semaphore(%arg10 : memref<!tpu.dma_semaphore, #tpu.memory_space<semaphore_mem>>)
            %slice3A_288 = vector.extract_strided_slice %get3A_122 {offsets = [6], sizes = [1], strides = [1]} : vector<16xi32> to vector<1xi32>
            %squeeze3A_289 = vector.extract %slice3A_288[0] : i32 from vector<1xi32>
            %slice3A_290 = vector.extract_strided_slice %get3A_125 {offsets = [6], sizes = [1], strides = [1]} : vector<16xi32> to vector<1xi32>
            %squeeze3A_291 = vector.extract %slice3A_290[0] : i32 from vector<1xi32>
            %add3A_292 = arith.constant 8 : i32
            %add3A_293 = arith.addi %add3A_292, %squeeze3A_291 : i32
            %mul3A_294 = arith.constant 8 : i32
            %mul3A_295 = arith.muli %add3A_108, %mul3A_294 : i32
            %sub3A_296 = arith.subi %add3A_293, %mul3A_295 : i32
            %slice3A_297 = vector.extract_strided_slice %get3A_128 {offsets = [6], sizes = [1], strides = [1]} : vector<16xi32> to vector<1xi32>
            %squeeze3A_298 = vector.extract %slice3A_297[0] : i32 from vector<1xi32>
            %dma_start3A_299 = arith.constant 0 : i32
            %dma_start3A_300 = arith.constant 0 : i32
            %dma_start3A_301 = tpu.memref_slice %arg8[%sub3A_296, %dma_start3A_299, %dma_start3A_300] : memref<24x26x64xf32, #tpu.memory_space<vmem>> -> memref<1x26x64xf32, #tpu.memory_space<vmem>>
            %dma_start3A_302 = tpu.memref_squeeze %dma_start3A_301 : memref<1x26x64xf32, #tpu.memory_space<vmem>> -> memref<26x64xf32, #tpu.memory_space<vmem>>
            %dma_start3A_303 = arith.constant 0 : i32
            %dma_start3A_304 = tpu.memref_slice %dma_start3A_302[%squeeze3A_298, %dma_start3A_303] : memref<26x64xf32, #tpu.memory_space<vmem>> -> memref<1x64xf32, #tpu.memory_space<vmem>>
            %dma_start3A_305 = arith.constant 0 : i32
            %dma_start3A_306 = tpu.memref_slice %arg3[%squeeze3A_289, %dma_start3A_305] : memref<1000000x64xf32, #tpu.memory_space<hbm>> -> memref<1x64xf32, #tpu.memory_space<hbm>>
            %dma_start3A_307 = arith.constant 0 : i32
            %dma_start3A_308 = arith.constant 0 : i32
            %dma_start3A_309 = tpu.memref_slice %arg8[%sub3A_296, %dma_start3A_307, %dma_start3A_308] : memref<24x26x64xf32, #tpu.memory_space<vmem>> -> memref<1x26x64xf32, #tpu.memory_space<vmem>>
            %dma_start3A_310 = tpu.memref_squeeze %dma_start3A_309 : memref<1x26x64xf32, #tpu.memory_space<vmem>> -> memref<26x64xf32, #tpu.memory_space<vmem>>
            %dma_start3A_311 = arith.constant 0 : i32
            %dma_start3A_312 = tpu.memref_slice %dma_start3A_310[%squeeze3A_298, %dma_start3A_311] : memref<26x64xf32, #tpu.memory_space<vmem>> -> memref<1x64xf32, #tpu.memory_space<vmem>>
            %dma_start3A_313 = arith.constant 0 : i32
            %dma_start3A_314 = tpu.memref_slice %arg3[%squeeze3A_289, %dma_start3A_313] : memref<1000000x64xf32, #tpu.memory_space<hbm>> -> memref<1x64xf32, #tpu.memory_space<hbm>>
            tpu.enqueue_dma source(%dma_start3A_314 : memref<1x64xf32, #tpu.memory_space<hbm>>) target(%dma_start3A_312 : memref<1x64xf32, #tpu.memory_space<vmem>>) target_semaphore(%arg10 : memref<!tpu.dma_semaphore, #tpu.memory_space<semaphore_mem>>)
            %slice3A_315 = vector.extract_strided_slice %get3A_122 {offsets = [7], sizes = [1], strides = [1]} : vector<16xi32> to vector<1xi32>
            %squeeze3A_316 = vector.extract %slice3A_315[0] : i32 from vector<1xi32>
            %slice3A_317 = vector.extract_strided_slice %get3A_125 {offsets = [7], sizes = [1], strides = [1]} : vector<16xi32> to vector<1xi32>
            %squeeze3A_318 = vector.extract %slice3A_317[0] : i32 from vector<1xi32>
            %add3A_319 = arith.constant 8 : i32
            %add3A_320 = arith.addi %add3A_319, %squeeze3A_318 : i32
            %mul3A_321 = arith.constant 8 : i32
            %mul3A_322 = arith.muli %add3A_108, %mul3A_321 : i32
            %sub3A_323 = arith.subi %add3A_320, %mul3A_322 : i32
            %slice3A_324 = vector.extract_strided_slice %get3A_128 {offsets = [7], sizes = [1], strides = [1]} : vector<16xi32> to vector<1xi32>
            %squeeze3A_325 = vector.extract %slice3A_324[0] : i32 from vector<1xi32>
            %dma_start3A_326 = arith.constant 0 : i32
            %dma_start3A_327 = arith.constant 0 : i32
            %dma_start3A_328 = tpu.memref_slice %arg8[%sub3A_323, %dma_start3A_326, %dma_start3A_327] : memref<24x26x64xf32, #tpu.memory_space<vmem>> -> memref<1x26x64xf32, #tpu.memory_space<vmem>>
            %dma_start3A_329 = tpu.memref_squeeze %dma_start3A_328 : memref<1x26x64xf32, #tpu.memory_space<vmem>> -> memref<26x64xf32, #tpu.memory_space<vmem>>
            %dma_start3A_330 = arith.constant 0 : i32
            %dma_start3A_331 = tpu.memref_slice %dma_start3A_329[%squeeze3A_325, %dma_start3A_330] : memref<26x64xf32, #tpu.memory_space<vmem>> -> memref<1x64xf32, #tpu.memory_space<vmem>>
            %dma_start3A_332 = arith.constant 0 : i32
            %dma_start3A_333 = tpu.memref_slice %arg3[%squeeze3A_316, %dma_start3A_332] : memref<1000000x64xf32, #tpu.memory_space<hbm>> -> memref<1x64xf32, #tpu.memory_space<hbm>>
            %dma_start3A_334 = arith.constant 0 : i32
            %dma_start3A_335 = arith.constant 0 : i32
            %dma_start3A_336 = tpu.memref_slice %arg8[%sub3A_323, %dma_start3A_334, %dma_start3A_335] : memref<24x26x64xf32, #tpu.memory_space<vmem>> -> memref<1x26x64xf32, #tpu.memory_space<vmem>>
            %dma_start3A_337 = tpu.memref_squeeze %dma_start3A_336 : memref<1x26x64xf32, #tpu.memory_space<vmem>> -> memref<26x64xf32, #tpu.memory_space<vmem>>
            %dma_start3A_338 = arith.constant 0 : i32
            %dma_start3A_339 = tpu.memref_slice %dma_start3A_337[%squeeze3A_325, %dma_start3A_338] : memref<26x64xf32, #tpu.memory_space<vmem>> -> memref<1x64xf32, #tpu.memory_space<vmem>>
            %dma_start3A_340 = arith.constant 0 : i32
            %dma_start3A_341 = tpu.memref_slice %arg3[%squeeze3A_316, %dma_start3A_340] : memref<1000000x64xf32, #tpu.memory_space<hbm>> -> memref<1x64xf32, #tpu.memory_space<hbm>>
            tpu.enqueue_dma source(%dma_start3A_341 : memref<1x64xf32, #tpu.memory_space<hbm>>) target(%dma_start3A_339 : memref<1x64xf32, #tpu.memory_space<vmem>>) target_semaphore(%arg10 : memref<!tpu.dma_semaphore, #tpu.memory_space<semaphore_mem>>)
            %slice3A_342 = vector.extract_strided_slice %get3A_122 {offsets = [8], sizes = [1], strides = [1]} : vector<16xi32> to vector<1xi32>
            %squeeze3A_343 = vector.extract %slice3A_342[0] : i32 from vector<1xi32>
            %slice3A_344 = vector.extract_strided_slice %get3A_125 {offsets = [8], sizes = [1], strides = [1]} : vector<16xi32> to vector<1xi32>
            %squeeze3A_345 = vector.extract %slice3A_344[0] : i32 from vector<1xi32>
            %add3A_346 = arith.constant 8 : i32
            %add3A_347 = arith.addi %add3A_346, %squeeze3A_345 : i32
            %mul3A_348 = arith.constant 8 : i32
            %mul3A_349 = arith.muli %add3A_108, %mul3A_348 : i32
            %sub3A_350 = arith.subi %add3A_347, %mul3A_349 : i32
            %slice3A_351 = vector.extract_strided_slice %get3A_128 {offsets = [8], sizes = [1], strides = [1]} : vector<16xi32> to vector<1xi32>
            %squeeze3A_352 = vector.extract %slice3A_351[0] : i32 from vector<1xi32>
            %dma_start3A_353 = arith.constant 0 : i32
            %dma_start3A_354 = arith.constant 0 : i32
            %dma_start3A_355 = tpu.memref_slice %arg8[%sub3A_350, %dma_start3A_353, %dma_start3A_354] : memref<24x26x64xf32, #tpu.memory_space<vmem>> -> memref<1x26x64xf32, #tpu.memory_space<vmem>>
            %dma_start3A_356 = tpu.memref_squeeze %dma_start3A_355 : memref<1x26x64xf32, #tpu.memory_space<vmem>> -> memref<26x64xf32, #tpu.memory_space<vmem>>
            %dma_start3A_357 = arith.constant 0 : i32
            %dma_start3A_358 = tpu.memref_slice %dma_start3A_356[%squeeze3A_352, %dma_start3A_357] : memref<26x64xf32, #tpu.memory_space<vmem>> -> memref<1x64xf32, #tpu.memory_space<vmem>>
            %dma_start3A_359 = arith.constant 0 : i32
            %dma_start3A_360 = tpu.memref_slice %arg3[%squeeze3A_343, %dma_start3A_359] : memref<1000000x64xf32, #tpu.memory_space<hbm>> -> memref<1x64xf32, #tpu.memory_space<hbm>>
            %dma_start3A_361 = arith.constant 0 : i32
            %dma_start3A_362 = arith.constant 0 : i32
            %dma_start3A_363 = tpu.memref_slice %arg8[%sub3A_350, %dma_start3A_361, %dma_start3A_362] : memref<24x26x64xf32, #tpu.memory_space<vmem>> -> memref<1x26x64xf32, #tpu.memory_space<vmem>>
            %dma_start3A_364 = tpu.memref_squeeze %dma_start3A_363 : memref<1x26x64xf32, #tpu.memory_space<vmem>> -> memref<26x64xf32, #tpu.memory_space<vmem>>
            %dma_start3A_365 = arith.constant 0 : i32
            %dma_start3A_366 = tpu.memref_slice %dma_start3A_364[%squeeze3A_352, %dma_start3A_365] : memref<26x64xf32, #tpu.memory_space<vmem>> -> memref<1x64xf32, #tpu.memory_space<vmem>>
            %dma_start3A_367 = arith.constant 0 : i32
            %dma_start3A_368 = tpu.memref_slice %arg3[%squeeze3A_343, %dma_start3A_367] : memref<1000000x64xf32, #tpu.memory_space<hbm>> -> memref<1x64xf32, #tpu.memory_space<hbm>>
            tpu.enqueue_dma source(%dma_start3A_368 : memref<1x64xf32, #tpu.memory_space<hbm>>) target(%dma_start3A_366 : memref<1x64xf32, #tpu.memory_space<vmem>>) target_semaphore(%arg10 : memref<!tpu.dma_semaphore, #tpu.memory_space<semaphore_mem>>)
            %slice3A_369 = vector.extract_strided_slice %get3A_122 {offsets = [9], sizes = [1], strides = [1]} : vector<16xi32> to vector<1xi32>
            %squeeze3A_370 = vector.extract %slice3A_369[0] : i32 from vector<1xi32>
            %slice3A_371 = vector.extract_strided_slice %get3A_125 {offsets = [9], sizes = [1], strides = [1]} : vector<16xi32> to vector<1xi32>
            %squeeze3A_372 = vector.extract %slice3A_371[0] : i32 from vector<1xi32>
            %add3A_373 = arith.constant 8 : i32
            %add3A_374 = arith.addi %add3A_373, %squeeze3A_372 : i32
            %mul3A_375 = arith.constant 8 : i32
            %mul3A_376 = arith.muli %add3A_108, %mul3A_375 : i32
            %sub3A_377 = arith.subi %add3A_374, %mul3A_376 : i32
            %slice3A_378 = vector.extract_strided_slice %get3A_128 {offsets = [9], sizes = [1], strides = [1]} : vector<16xi32> to vector<1xi32>
            %squeeze3A_379 = vector.extract %slice3A_378[0] : i32 from vector<1xi32>
            %dma_start3A_380 = arith.constant 0 : i32
            %dma_start3A_381 = arith.constant 0 : i32
            %dma_start3A_382 = tpu.memref_slice %arg8[%sub3A_377, %dma_start3A_380, %dma_start3A_381] : memref<24x26x64xf32, #tpu.memory_space<vmem>> -> memref<1x26x64xf32, #tpu.memory_space<vmem>>
            %dma_start3A_383 = tpu.memref_squeeze %dma_start3A_382 : memref<1x26x64xf32, #tpu.memory_space<vmem>> -> memref<26x64xf32, #tpu.memory_space<vmem>>
            %dma_start3A_384 = arith.constant 0 : i32
            %dma_start3A_385 = tpu.memref_slice %dma_start3A_383[%squeeze3A_379, %dma_start3A_384] : memref<26x64xf32, #tpu.memory_space<vmem>> -> memref<1x64xf32, #tpu.memory_space<vmem>>
            %dma_start3A_386 = arith.constant 0 : i32
            %dma_start3A_387 = tpu.memref_slice %arg3[%squeeze3A_370, %dma_start3A_386] : memref<1000000x64xf32, #tpu.memory_space<hbm>> -> memref<1x64xf32, #tpu.memory_space<hbm>>
            %dma_start3A_388 = arith.constant 0 : i32
            %dma_start3A_389 = arith.constant 0 : i32
            %dma_start3A_390 = tpu.memref_slice %arg8[%sub3A_377, %dma_start3A_388, %dma_start3A_389] : memref<24x26x64xf32, #tpu.memory_space<vmem>> -> memref<1x26x64xf32, #tpu.memory_space<vmem>>
            %dma_start3A_391 = tpu.memref_squeeze %dma_start3A_390 : memref<1x26x64xf32, #tpu.memory_space<vmem>> -> memref<26x64xf32, #tpu.memory_space<vmem>>
            %dma_start3A_392 = arith.constant 0 : i32
            %dma_start3A_393 = tpu.memref_slice %dma_start3A_391[%squeeze3A_379, %dma_start3A_392] : memref<26x64xf32, #tpu.memory_space<vmem>> -> memref<1x64xf32, #tpu.memory_space<vmem>>
            %dma_start3A_394 = arith.constant 0 : i32
            %dma_start3A_395 = tpu.memref_slice %arg3[%squeeze3A_370, %dma_start3A_394] : memref<1000000x64xf32, #tpu.memory_space<hbm>> -> memref<1x64xf32, #tpu.memory_space<hbm>>
            tpu.enqueue_dma source(%dma_start3A_395 : memref<1x64xf32, #tpu.memory_space<hbm>>) target(%dma_start3A_393 : memref<1x64xf32, #tpu.memory_space<vmem>>) target_semaphore(%arg10 : memref<!tpu.dma_semaphore, #tpu.memory_space<semaphore_mem>>)
            %slice3A_396 = vector.extract_strided_slice %get3A_122 {offsets = [10], sizes = [1], strides = [1]} : vector<16xi32> to vector<1xi32>
            %squeeze3A_397 = vector.extract %slice3A_396[0] : i32 from vector<1xi32>
            %slice3A_398 = vector.extract_strided_slice %get3A_125 {offsets = [10], sizes = [1], strides = [1]} : vector<16xi32> to vector<1xi32>
            %squeeze3A_399 = vector.extract %slice3A_398[0] : i32 from vector<1xi32>
            %add3A_400 = arith.constant 8 : i32
            %add3A_401 = arith.addi %add3A_400, %squeeze3A_399 : i32
            %mul3A_402 = arith.constant 8 : i32
            %mul3A_403 = arith.muli %add3A_108, %mul3A_402 : i32
            %sub3A_404 = arith.subi %add3A_401, %mul3A_403 : i32
            %slice3A_405 = vector.extract_strided_slice %get3A_128 {offsets = [10], sizes = [1], strides = [1]} : vector<16xi32> to vector<1xi32>
            %squeeze3A_406 = vector.extract %slice3A_405[0] : i32 from vector<1xi32>
            %dma_start3A_407 = arith.constant 0 : i32
            %dma_start3A_408 = arith.constant 0 : i32
            %dma_start3A_409 = tpu.memref_slice %arg8[%sub3A_404, %dma_start3A_407, %dma_start3A_408] : memref<24x26x64xf32, #tpu.memory_space<vmem>> -> memref<1x26x64xf32, #tpu.memory_space<vmem>>
            %dma_start3A_410 = tpu.memref_squeeze %dma_start3A_409 : memref<1x26x64xf32, #tpu.memory_space<vmem>> -> memref<26x64xf32, #tpu.memory_space<vmem>>
            %dma_start3A_411 = arith.constant 0 : i32
            %dma_start3A_412 = tpu.memref_slice %dma_start3A_410[%squeeze3A_406, %dma_start3A_411] : memref<26x64xf32, #tpu.memory_space<vmem>> -> memref<1x64xf32, #tpu.memory_space<vmem>>
            %dma_start3A_413 = arith.constant 0 : i32
            %dma_start3A_414 = tpu.memref_slice %arg3[%squeeze3A_397, %dma_start3A_413] : memref<1000000x64xf32, #tpu.memory_space<hbm>> -> memref<1x64xf32, #tpu.memory_space<hbm>>
            %dma_start3A_415 = arith.constant 0 : i32
            %dma_start3A_416 = arith.constant 0 : i32
            %dma_start3A_417 = tpu.memref_slice %arg8[%sub3A_404, %dma_start3A_415, %dma_start3A_416] : memref<24x26x64xf32, #tpu.memory_space<vmem>> -> memref<1x26x64xf32, #tpu.memory_space<vmem>>
            %dma_start3A_418 = tpu.memref_squeeze %dma_start3A_417 : memref<1x26x64xf32, #tpu.memory_space<vmem>> -> memref<26x64xf32, #tpu.memory_space<vmem>>
            %dma_start3A_419 = arith.constant 0 : i32
            %dma_start3A_420 = tpu.memref_slice %dma_start3A_418[%squeeze3A_406, %dma_start3A_419] : memref<26x64xf32, #tpu.memory_space<vmem>> -> memref<1x64xf32, #tpu.memory_space<vmem>>
            %dma_start3A_421 = arith.constant 0 : i32
            %dma_start3A_422 = tpu.memref_slice %arg3[%squeeze3A_397, %dma_start3A_421] : memref<1000000x64xf32, #tpu.memory_space<hbm>> -> memref<1x64xf32, #tpu.memory_space<hbm>>
            tpu.enqueue_dma source(%dma_start3A_422 : memref<1x64xf32, #tpu.memory_space<hbm>>) target(%dma_start3A_420 : memref<1x64xf32, #tpu.memory_space<vmem>>) target_semaphore(%arg10 : memref<!tpu.dma_semaphore, #tpu.memory_space<semaphore_mem>>)
            %slice3A_423 = vector.extract_strided_slice %get3A_122 {offsets = [11], sizes = [1], strides = [1]} : vector<16xi32> to vector<1xi32>
            %squeeze3A_424 = vector.extract %slice3A_423[0] : i32 from vector<1xi32>
            %slice3A_425 = vector.extract_strided_slice %get3A_125 {offsets = [11], sizes = [1], strides = [1]} : vector<16xi32> to vector<1xi32>
            %squeeze3A_426 = vector.extract %slice3A_425[0] : i32 from vector<1xi32>
            %add3A_427 = arith.constant 8 : i32
            %add3A_428 = arith.addi %add3A_427, %squeeze3A_426 : i32
            %mul3A_429 = arith.constant 8 : i32
            %mul3A_430 = arith.muli %add3A_108, %mul3A_429 : i32
            %sub3A_431 = arith.subi %add3A_428, %mul3A_430 : i32
            %slice3A_432 = vector.extract_strided_slice %get3A_128 {offsets = [11], sizes = [1], strides = [1]} : vector<16xi32> to vector<1xi32>
            %squeeze3A_433 = vector.extract %slice3A_432[0] : i32 from vector<1xi32>
            %dma_start3A_434 = arith.constant 0 : i32
            %dma_start3A_435 = arith.constant 0 : i32
            %dma_start3A_436 = tpu.memref_slice %arg8[%sub3A_431, %dma_start3A_434, %dma_start3A_435] : memref<24x26x64xf32, #tpu.memory_space<vmem>> -> memref<1x26x64xf32, #tpu.memory_space<vmem>>
            %dma_start3A_437 = tpu.memref_squeeze %dma_start3A_436 : memref<1x26x64xf32, #tpu.memory_space<vmem>> -> memref<26x64xf32, #tpu.memory_space<vmem>>
            %dma_start3A_438 = arith.constant 0 : i32
            %dma_start3A_439 = tpu.memref_slice %dma_start3A_437[%squeeze3A_433, %dma_start3A_438] : memref<26x64xf32, #tpu.memory_space<vmem>> -> memref<1x64xf32, #tpu.memory_space<vmem>>
            %dma_start3A_440 = arith.constant 0 : i32
            %dma_start3A_441 = tpu.memref_slice %arg3[%squeeze3A_424, %dma_start3A_440] : memref<1000000x64xf32, #tpu.memory_space<hbm>> -> memref<1x64xf32, #tpu.memory_space<hbm>>
            %dma_start3A_442 = arith.constant 0 : i32
            %dma_start3A_443 = arith.constant 0 : i32
            %dma_start3A_444 = tpu.memref_slice %arg8[%sub3A_431, %dma_start3A_442, %dma_start3A_443] : memref<24x26x64xf32, #tpu.memory_space<vmem>> -> memref<1x26x64xf32, #tpu.memory_space<vmem>>
            %dma_start3A_445 = tpu.memref_squeeze %dma_start3A_444 : memref<1x26x64xf32, #tpu.memory_space<vmem>> -> memref<26x64xf32, #tpu.memory_space<vmem>>
            %dma_start3A_446 = arith.constant 0 : i32
            %dma_start3A_447 = tpu.memref_slice %dma_start3A_445[%squeeze3A_433, %dma_start3A_446] : memref<26x64xf32, #tpu.memory_space<vmem>> -> memref<1x64xf32, #tpu.memory_space<vmem>>
            %dma_start3A_448 = arith.constant 0 : i32
            %dma_start3A_449 = tpu.memref_slice %arg3[%squeeze3A_424, %dma_start3A_448] : memref<1000000x64xf32, #tpu.memory_space<hbm>> -> memref<1x64xf32, #tpu.memory_space<hbm>>
            tpu.enqueue_dma source(%dma_start3A_449 : memref<1x64xf32, #tpu.memory_space<hbm>>) target(%dma_start3A_447 : memref<1x64xf32, #tpu.memory_space<vmem>>) target_semaphore(%arg10 : memref<!tpu.dma_semaphore, #tpu.memory_space<semaphore_mem>>)
            %slice3A_450 = vector.extract_strided_slice %get3A_122 {offsets = [12], sizes = [1], strides = [1]} : vector<16xi32> to vector<1xi32>
            %squeeze3A_451 = vector.extract %slice3A_450[0] : i32 from vector<1xi32>
            %slice3A_452 = vector.extract_strided_slice %get3A_125 {offsets = [12], sizes = [1], strides = [1]} : vector<16xi32> to vector<1xi32>
            %squeeze3A_453 = vector.extract %slice3A_452[0] : i32 from vector<1xi32>
            %add3A_454 = arith.constant 8 : i32
            %add3A_455 = arith.addi %add3A_454, %squeeze3A_453 : i32
            %mul3A_456 = arith.constant 8 : i32
            %mul3A_457 = arith.muli %add3A_108, %mul3A_456 : i32
            %sub3A_458 = arith.subi %add3A_455, %mul3A_457 : i32
            %slice3A_459 = vector.extract_strided_slice %get3A_128 {offsets = [12], sizes = [1], strides = [1]} : vector<16xi32> to vector<1xi32>
            %squeeze3A_460 = vector.extract %slice3A_459[0] : i32 from vector<1xi32>
            %dma_start3A_461 = arith.constant 0 : i32
            %dma_start3A_462 = arith.constant 0 : i32
            %dma_start3A_463 = tpu.memref_slice %arg8[%sub3A_458, %dma_start3A_461, %dma_start3A_462] : memref<24x26x64xf32, #tpu.memory_space<vmem>> -> memref<1x26x64xf32, #tpu.memory_space<vmem>>
            %dma_start3A_464 = tpu.memref_squeeze %dma_start3A_463 : memref<1x26x64xf32, #tpu.memory_space<vmem>> -> memref<26x64xf32, #tpu.memory_space<vmem>>
            %dma_start3A_465 = arith.constant 0 : i32
            %dma_start3A_466 = tpu.memref_slice %dma_start3A_464[%squeeze3A_460, %dma_start3A_465] : memref<26x64xf32, #tpu.memory_space<vmem>> -> memref<1x64xf32, #tpu.memory_space<vmem>>
            %dma_start3A_467 = arith.constant 0 : i32
            %dma_start3A_468 = tpu.memref_slice %arg3[%squeeze3A_451, %dma_start3A_467] : memref<1000000x64xf32, #tpu.memory_space<hbm>> -> memref<1x64xf32, #tpu.memory_space<hbm>>
            %dma_start3A_469 = arith.constant 0 : i32
            %dma_start3A_470 = arith.constant 0 : i32
            %dma_start3A_471 = tpu.memref_slice %arg8[%sub3A_458, %dma_start3A_469, %dma_start3A_470] : memref<24x26x64xf32, #tpu.memory_space<vmem>> -> memref<1x26x64xf32, #tpu.memory_space<vmem>>
            %dma_start3A_472 = tpu.memref_squeeze %dma_start3A_471 : memref<1x26x64xf32, #tpu.memory_space<vmem>> -> memref<26x64xf32, #tpu.memory_space<vmem>>
            %dma_start3A_473 = arith.constant 0 : i32
            %dma_start3A_474 = tpu.memref_slice %dma_start3A_472[%squeeze3A_460, %dma_start3A_473] : memref<26x64xf32, #tpu.memory_space<vmem>> -> memref<1x64xf32, #tpu.memory_space<vmem>>
            %dma_start3A_475 = arith.constant 0 : i32
            %dma_start3A_476 = tpu.memref_slice %arg3[%squeeze3A_451, %dma_start3A_475] : memref<1000000x64xf32, #tpu.memory_space<hbm>> -> memref<1x64xf32, #tpu.memory_space<hbm>>
            tpu.enqueue_dma source(%dma_start3A_476 : memref<1x64xf32, #tpu.memory_space<hbm>>) target(%dma_start3A_474 : memref<1x64xf32, #tpu.memory_space<vmem>>) target_semaphore(%arg10 : memref<!tpu.dma_semaphore, #tpu.memory_space<semaphore_mem>>)
            %slice3A_477 = vector.extract_strided_slice %get3A_122 {offsets = [13], sizes = [1], strides = [1]} : vector<16xi32> to vector<1xi32>
            %squeeze3A_478 = vector.extract %slice3A_477[0] : i32 from vector<1xi32>
            %slice3A_479 = vector.extract_strided_slice %get3A_125 {offsets = [13], sizes = [1], strides = [1]} : vector<16xi32> to vector<1xi32>
            %squeeze3A_480 = vector.extract %slice3A_479[0] : i32 from vector<1xi32>
            %add3A_481 = arith.constant 8 : i32
            %add3A_482 = arith.addi %add3A_481, %squeeze3A_480 : i32
            %mul3A_483 = arith.constant 8 : i32
            %mul3A_484 = arith.muli %add3A_108, %mul3A_483 : i32
            %sub3A_485 = arith.subi %add3A_482, %mul3A_484 : i32
            %slice3A_486 = vector.extract_strided_slice %get3A_128 {offsets = [13], sizes = [1], strides = [1]} : vector<16xi32> to vector<1xi32>
            %squeeze3A_487 = vector.extract %slice3A_486[0] : i32 from vector<1xi32>
            %dma_start3A_488 = arith.constant 0 : i32
            %dma_start3A_489 = arith.constant 0 : i32
            %dma_start3A_490 = tpu.memref_slice %arg8[%sub3A_485, %dma_start3A_488, %dma_start3A_489] : memref<24x26x64xf32, #tpu.memory_space<vmem>> -> memref<1x26x64xf32, #tpu.memory_space<vmem>>
            %dma_start3A_491 = tpu.memref_squeeze %dma_start3A_490 : memref<1x26x64xf32, #tpu.memory_space<vmem>> -> memref<26x64xf32, #tpu.memory_space<vmem>>
            %dma_start3A_492 = arith.constant 0 : i32
            %dma_start3A_493 = tpu.memref_slice %dma_start3A_491[%squeeze3A_487, %dma_start3A_492] : memref<26x64xf32, #tpu.memory_space<vmem>> -> memref<1x64xf32, #tpu.memory_space<vmem>>
            %dma_start3A_494 = arith.constant 0 : i32
            %dma_start3A_495 = tpu.memref_slice %arg3[%squeeze3A_478, %dma_start3A_494] : memref<1000000x64xf32, #tpu.memory_space<hbm>> -> memref<1x64xf32, #tpu.memory_space<hbm>>
            %dma_start3A_496 = arith.constant 0 : i32
            %dma_start3A_497 = arith.constant 0 : i32
            %dma_start3A_498 = tpu.memref_slice %arg8[%sub3A_485, %dma_start3A_496, %dma_start3A_497] : memref<24x26x64xf32, #tpu.memory_space<vmem>> -> memref<1x26x64xf32, #tpu.memory_space<vmem>>
            %dma_start3A_499 = tpu.memref_squeeze %dma_start3A_498 : memref<1x26x64xf32, #tpu.memory_space<vmem>> -> memref<26x64xf32, #tpu.memory_space<vmem>>
            %dma_start3A_500 = arith.constant 0 : i32
            %dma_start3A_501 = tpu.memref_slice %dma_start3A_499[%squeeze3A_487, %dma_start3A_500] : memref<26x64xf32, #tpu.memory_space<vmem>> -> memref<1x64xf32, #tpu.memory_space<vmem>>
            %dma_start3A_502 = arith.constant 0 : i32
            %dma_start3A_503 = tpu.memref_slice %arg3[%squeeze3A_478, %dma_start3A_502] : memref<1000000x64xf32, #tpu.memory_space<hbm>> -> memref<1x64xf32, #tpu.memory_space<hbm>>
            tpu.enqueue_dma source(%dma_start3A_503 : memref<1x64xf32, #tpu.memory_space<hbm>>) target(%dma_start3A_501 : memref<1x64xf32, #tpu.memory_space<vmem>>) target_semaphore(%arg10 : memref<!tpu.dma_semaphore, #tpu.memory_space<semaphore_mem>>)
            %slice3A_504 = vector.extract_strided_slice %get3A_122 {offsets = [14], sizes = [1], strides = [1]} : vector<16xi32> to vector<1xi32>
            %squeeze3A_505 = vector.extract %slice3A_504[0] : i32 from vector<1xi32>
            %slice3A_506 = vector.extract_strided_slice %get3A_125 {offsets = [14], sizes = [1], strides = [1]} : vector<16xi32> to vector<1xi32>
            %squeeze3A_507 = vector.extract %slice3A_506[0] : i32 from vector<1xi32>
            %add3A_508 = arith.constant 8 : i32
            %add3A_509 = arith.addi %add3A_508, %squeeze3A_507 : i32
            %mul3A_510 = arith.constant 8 : i32
            %mul3A_511 = arith.muli %add3A_108, %mul3A_510 : i32
            %sub3A_512 = arith.subi %add3A_509, %mul3A_511 : i32
            %slice3A_513 = vector.extract_strided_slice %get3A_128 {offsets = [14], sizes = [1], strides = [1]} : vector<16xi32> to vector<1xi32>
            %squeeze3A_514 = vector.extract %slice3A_513[0] : i32 from vector<1xi32>
            %dma_start3A_515 = arith.constant 0 : i32
            %dma_start3A_516 = arith.constant 0 : i32
            %dma_start3A_517 = tpu.memref_slice %arg8[%sub3A_512, %dma_start3A_515, %dma_start3A_516] : memref<24x26x64xf32, #tpu.memory_space<vmem>> -> memref<1x26x64xf32, #tpu.memory_space<vmem>>
            %dma_start3A_518 = tpu.memref_squeeze %dma_start3A_517 : memref<1x26x64xf32, #tpu.memory_space<vmem>> -> memref<26x64xf32, #tpu.memory_space<vmem>>
            %dma_start3A_519 = arith.constant 0 : i32
            %dma_start3A_520 = tpu.memref_slice %dma_start3A_518[%squeeze3A_514, %dma_start3A_519] : memref<26x64xf32, #tpu.memory_space<vmem>> -> memref<1x64xf32, #tpu.memory_space<vmem>>
            %dma_start3A_521 = arith.constant 0 : i32
            %dma_start3A_522 = tpu.memref_slice %arg3[%squeeze3A_505, %dma_start3A_521] : memref<1000000x64xf32, #tpu.memory_space<hbm>> -> memref<1x64xf32, #tpu.memory_space<hbm>>
            %dma_start3A_523 = arith.constant 0 : i32
            %dma_start3A_524 = arith.constant 0 : i32
            %dma_start3A_525 = tpu.memref_slice %arg8[%sub3A_512, %dma_start3A_523, %dma_start3A_524] : memref<24x26x64xf32, #tpu.memory_space<vmem>> -> memref<1x26x64xf32, #tpu.memory_space<vmem>>
            %dma_start3A_526 = tpu.memref_squeeze %dma_start3A_525 : memref<1x26x64xf32, #tpu.memory_space<vmem>> -> memref<26x64xf32, #tpu.memory_space<vmem>>
            %dma_start3A_527 = arith.constant 0 : i32
            %dma_start3A_528 = tpu.memref_slice %dma_start3A_526[%squeeze3A_514, %dma_start3A_527] : memref<26x64xf32, #tpu.memory_space<vmem>> -> memref<1x64xf32, #tpu.memory_space<vmem>>
            %dma_start3A_529 = arith.constant 0 : i32
            %dma_start3A_530 = tpu.memref_slice %arg3[%squeeze3A_505, %dma_start3A_529] : memref<1000000x64xf32, #tpu.memory_space<hbm>> -> memref<1x64xf32, #tpu.memory_space<hbm>>
            tpu.enqueue_dma source(%dma_start3A_530 : memref<1x64xf32, #tpu.memory_space<hbm>>) target(%dma_start3A_528 : memref<1x64xf32, #tpu.memory_space<vmem>>) target_semaphore(%arg10 : memref<!tpu.dma_semaphore, #tpu.memory_space<semaphore_mem>>)
            %slice3A_531 = vector.extract_strided_slice %get3A_122 {offsets = [15], sizes = [1], strides = [1]} : vector<16xi32> to vector<1xi32>
            %squeeze3A_532 = vector.extract %slice3A_531[0] : i32 from vector<1xi32>
            %slice3A_533 = vector.extract_strided_slice %get3A_125 {offsets = [15], sizes = [1], strides = [1]} : vector<16xi32> to vector<1xi32>
            %squeeze3A_534 = vector.extract %slice3A_533[0] : i32 from vector<1xi32>
            %add3A_535 = arith.constant 8 : i32
            %add3A_536 = arith.addi %add3A_535, %squeeze3A_534 : i32
            %mul3A_537 = arith.constant 8 : i32
            %mul3A_538 = arith.muli %add3A_108, %mul3A_537 : i32
            %sub3A_539 = arith.subi %add3A_536, %mul3A_538 : i32
            %slice3A_540 = vector.extract_strided_slice %get3A_128 {offsets = [15], sizes = [1], strides = [1]} : vector<16xi32> to vector<1xi32>
            %squeeze3A_541 = vector.extract %slice3A_540[0] : i32 from vector<1xi32>
            %dma_start3A_542 = arith.constant 0 : i32
            %dma_start3A_543 = arith.constant 0 : i32
            %dma_start3A_544 = tpu.memref_slice %arg8[%sub3A_539, %dma_start3A_542, %dma_start3A_543] : memref<24x26x64xf32, #tpu.memory_space<vmem>> -> memref<1x26x64xf32, #tpu.memory_space<vmem>>
            %dma_start3A_545 = tpu.memref_squeeze %dma_start3A_544 : memref<1x26x64xf32, #tpu.memory_space<vmem>> -> memref<26x64xf32, #tpu.memory_space<vmem>>
            %dma_start3A_546 = arith.constant 0 : i32
            %dma_start3A_547 = tpu.memref_slice %dma_start3A_545[%squeeze3A_541, %dma_start3A_546] : memref<26x64xf32, #tpu.memory_space<vmem>> -> memref<1x64xf32, #tpu.memory_space<vmem>>
            %dma_start3A_548 = arith.constant 0 : i32
            %dma_start3A_549 = tpu.memref_slice %arg3[%squeeze3A_532, %dma_start3A_548] : memref<1000000x64xf32, #tpu.memory_space<hbm>> -> memref<1x64xf32, #tpu.memory_space<hbm>>
            %dma_start3A_550 = arith.constant 0 : i32
            %dma_start3A_551 = arith.constant 0 : i32
            %dma_start3A_552 = tpu.memref_slice %arg8[%sub3A_539, %dma_start3A_550, %dma_start3A_551] : memref<24x26x64xf32, #tpu.memory_space<vmem>> -> memref<1x26x64xf32, #tpu.memory_space<vmem>>
            %dma_start3A_553 = tpu.memref_squeeze %dma_start3A_552 : memref<1x26x64xf32, #tpu.memory_space<vmem>> -> memref<26x64xf32, #tpu.memory_space<vmem>>
            %dma_start3A_554 = arith.constant 0 : i32
            %dma_start3A_555 = tpu.memref_slice %dma_start3A_553[%squeeze3A_541, %dma_start3A_554] : memref<26x64xf32, #tpu.memory_space<vmem>> -> memref<1x64xf32, #tpu.memory_space<vmem>>
            %dma_start3A_556 = arith.constant 0 : i32
            %dma_start3A_557 = tpu.memref_slice %arg3[%squeeze3A_532, %dma_start3A_556] : memref<1000000x64xf32, #tpu.memory_space<hbm>> -> memref<1x64xf32, #tpu.memory_space<hbm>>
            tpu.enqueue_dma source(%dma_start3A_557 : memref<1x64xf32, #tpu.memory_space<hbm>>) target(%dma_start3A_555 : memref<1x64xf32, #tpu.memory_space<vmem>>) target_semaphore(%arg10 : memref<!tpu.dma_semaphore, #tpu.memory_space<semaphore_mem>>)
          }
          %scan3A_114 = arith.constant 13 : i32
        } else {
        }
        %dma_wait3A_75 = arith.constant 0 : i32
        %dma_wait3A_76 = arith.constant 0 : i32
        %dma_wait3A_77 = arith.constant 0 : i32
        %dma_wait3A_78 = tpu.memref_slice %arg8[%dma_wait3A_75, %dma_wait3A_76, %dma_wait3A_77] : memref<24x26x64xf32, #tpu.memory_space<vmem>> -> memref<8x26x64xf32, #tpu.memory_space<vmem>>
        %dma_wait3A_79 = arith.constant 0 : i32
        %dma_wait3A_80 = arith.constant 0 : i32
        %dma_wait3A_81 = arith.constant 0 : i32
        %dma_wait3A_82 = tpu.memref_slice %arg4[%dma_wait3A_79, %dma_wait3A_80, %dma_wait3A_81] : memref<4096x26x64xf32, #tpu.memory_space<hbm>> -> memref<8x26x64xf32, #tpu.memory_space<hbm>>
        %dma_wait3A_83 = arith.constant 0 : i32
        %dma_wait3A_84 = arith.constant 0 : i32
        %dma_wait3A_85 = arith.constant 0 : i32
        %dma_wait3A_86 = tpu.memref_slice %arg8[%dma_wait3A_83, %dma_wait3A_84, %dma_wait3A_85] : memref<24x26x64xf32, #tpu.memory_space<vmem>> -> memref<8x26x64xf32, #tpu.memory_space<vmem>>
        %dma_wait3A_87 = arith.constant 0 : i32
        %dma_wait3A_88 = arith.constant 0 : i32
        %dma_wait3A_89 = arith.constant 0 : i32
        %dma_wait3A_90 = tpu.memref_slice %arg4[%dma_wait3A_87, %dma_wait3A_88, %dma_wait3A_89] : memref<4096x26x64xf32, #tpu.memory_space<hbm>> -> memref<8x26x64xf32, #tpu.memory_space<hbm>>
        tpu.wait_dma2 semaphore(%arg9 : memref<!tpu.dma_semaphore, #tpu.memory_space<semaphore_mem>>) src(%dma_wait3A_90 : memref<8x26x64xf32, #tpu.memory_space<hbm>>) dst(%dma_wait3A_86 : memref<8x26x64xf32, #tpu.memory_space<vmem>>)
        %mul3A_91 = arith.constant 8 : i32
        %mul3A_92 = arith.muli %scan3A_49, %mul3A_91 : i32
        %add3A_93 = arith.addi %mul3A_4, %mul3A_92 : i32
        %dma_start3A = arith.constant 0 : i32
        %dma_start3A_94 = arith.constant 0 : i32
        %dma_start3A_95 = arith.constant 0 : i32
        %dma_start3A_96 = tpu.memref_slice %arg8[%dma_start3A, %dma_start3A_94, %dma_start3A_95] : memref<24x26x64xf32, #tpu.memory_space<vmem>> -> memref<8x26x64xf32, #tpu.memory_space<vmem>>
        %dma_start3A_97 = arith.constant 0 : i32
        %dma_start3A_98 = arith.constant 0 : i32
        %dma_start3A_99 = tpu.memref_slice %arg4[%add3A_93, %dma_start3A_97, %dma_start3A_98] : memref<4096x26x64xf32, #tpu.memory_space<hbm>> -> memref<8x26x64xf32, #tpu.memory_space<hbm>>
        %dma_start3A_100 = arith.constant 0 : i32
        %dma_start3A_101 = arith.constant 0 : i32
        %dma_start3A_102 = tpu.memref_slice %arg4[%add3A_93, %dma_start3A_100, %dma_start3A_101] : memref<4096x26x64xf32, #tpu.memory_space<hbm>> -> memref<8x26x64xf32, #tpu.memory_space<hbm>>
        %dma_start3A_103 = arith.constant 0 : i32
        %dma_start3A_104 = arith.constant 0 : i32
        %dma_start3A_105 = arith.constant 0 : i32
        %dma_start3A_106 = tpu.memref_slice %arg8[%dma_start3A_103, %dma_start3A_104, %dma_start3A_105] : memref<24x26x64xf32, #tpu.memory_space<vmem>> -> memref<8x26x64xf32, #tpu.memory_space<vmem>>
        tpu.enqueue_dma source(%dma_start3A_106 : memref<8x26x64xf32, #tpu.memory_space<vmem>>) target(%dma_start3A_102 : memref<8x26x64xf32, #tpu.memory_space<hbm>>) target_semaphore(%arg12 : memref<!tpu.dma_semaphore, #tpu.memory_space<semaphore_mem>>)
      } else {
      }
      %rem3A_53 = arith.constant 3 : i32
      %rem3A_54 = arith.remsi %scan3A_49, %rem3A_53 : i32
      %eq3A_55 = arith.constant 1 : i32
      %eq3A_56 = arith.cmpi eq, %rem3A_54, %eq3A_55 : i32
      %convert_element_type3A_57 = arith.extui %eq3A_56 : i1 to i32
      %cond3A_58 = arith.constant 0 : i32
      %cond3A_59 = arith.cmpi ne, %convert_element_type3A_57, %cond3A_58 : i32
      scf.if %cond3A_59 {
        %ge3A = arith.constant 2 : i32
        %ge3A_67 = arith.cmpi sge, %scan3A_49, %ge3A : i32
        %convert_element_type3A_68 = arith.extui %ge3A_67 : i1 to i32
        %cond3A_69 = arith.constant 0 : i32
        %cond3A_70 = arith.cmpi ne, %convert_element_type3A_68, %cond3A_69 : i32
        scf.if %cond3A_70 {
          %dma_wait3A_107 = arith.constant 16 : i32
          %dma_wait3A_108 = arith.constant 0 : i32
          %dma_wait3A_109 = arith.constant 0 : i32
          %dma_wait3A_110 = tpu.memref_slice %arg8[%dma_wait3A_107, %dma_wait3A_108, %dma_wait3A_109] : memref<24x26x64xf32, #tpu.memory_space<vmem>> -> memref<8x26x64xf32, #tpu.memory_space<vmem>>
          %dma_wait3A_111 = arith.constant 0 : i32
          %dma_wait3A_112 = arith.constant 0 : i32
          %dma_wait3A_113 = tpu.memref_slice %arg4[%mul3A_4, %dma_wait3A_111, %dma_wait3A_112] : memref<4096x26x64xf32, #tpu.memory_space<hbm>> -> memref<8x26x64xf32, #tpu.memory_space<hbm>>
          %dma_wait3A_114 = arith.constant 0 : i32
          %dma_wait3A_115 = arith.constant 0 : i32
          %dma_wait3A_116 = tpu.memref_slice %arg4[%mul3A_4, %dma_wait3A_114, %dma_wait3A_115] : memref<4096x26x64xf32, #tpu.memory_space<hbm>> -> memref<8x26x64xf32, #tpu.memory_space<hbm>>
          %dma_wait3A_117 = arith.constant 16 : i32
          %dma_wait3A_118 = arith.constant 0 : i32
          %dma_wait3A_119 = arith.constant 0 : i32
          %dma_wait3A_120 = tpu.memref_slice %arg8[%dma_wait3A_117, %dma_wait3A_118, %dma_wait3A_119] : memref<24x26x64xf32, #tpu.memory_space<vmem>> -> memref<8x26x64xf32, #tpu.memory_space<vmem>>
          tpu.wait_dma2 semaphore(%arg14 : memref<!tpu.dma_semaphore, #tpu.memory_space<semaphore_mem>>) src(%dma_wait3A_120 : memref<8x26x64xf32, #tpu.memory_space<vmem>>) dst(%dma_wait3A_116 : memref<8x26x64xf32, #tpu.memory_space<hbm>>)
        } else {
        }
        %lt3A = arith.constant 15 : i32
        %lt3A_71 = arith.cmpi slt, %scan3A_49, %lt3A : i32
        %convert_element_type3A_72 = arith.extui %lt3A_71 : i1 to i32
        %cond3A_73 = arith.constant 0 : i32
        %cond3A_74 = arith.cmpi ne, %convert_element_type3A_72, %cond3A_73 : i32
        scf.if %cond3A_74 {
          %add3A_107 = arith.constant 1 : i32
          %add3A_108 = arith.addi %scan3A_49, %add3A_107 : i32
          %scan3A_109 = arith.constant 0 : i32
          %scan3A_110 = arith.constant 0 : i32
          %scan3A_111 = arith.constant 13 : i32
          %scan3A_112 = arith.addi %scan3A_110, %scan3A_111 : i32
          %scan3A_113 = arith.constant 1 : i32
          scf.for %scan3A_115 = %scan3A_110 to %scan3A_112 step %scan3A_113  : i32 {
            %mul3A_116 = arith.constant 208 : i32
            %mul3A_117 = arith.muli %add3A_108, %mul3A_116 : i32
            %mul3A_118 = arith.constant 16 : i32
            %mul3A_119 = arith.muli %scan3A_115, %mul3A_118 : i32
            %add3A_120 = arith.addi %mul3A_117, %mul3A_119 : i32
            %get3A = arith.index_cast %add3A_120 : i32 to index
            %get3A_121 = tpu.vector_load %arg5[%get3A] {strides = array<i32>} : memref<3328xi32, #tpu.memory_space<vmem>>, vector<16xi32>,
            %get3A_122 = vector.shape_cast %get3A_121 : vector<16xi32> to vector<16xi32>
            %get3A_123 = arith.index_cast %add3A_120 : i32 to index
            %get3A_124 = tpu.vector_load %arg6[%get3A_123] {strides = array<i32>} : memref<3328xi32, #tpu.memory_space<vmem>>, vector<16xi32>,
            %get3A_125 = vector.shape_cast %get3A_124 : vector<16xi32> to vector<16xi32>
            %get3A_126 = arith.index_cast %add3A_120 : i32 to index
            %get3A_127 = tpu.vector_load %arg7[%get3A_126] {strides = array<i32>} : memref<3328xi32, #tpu.memory_space<vmem>>, vector<16xi32>,
            %get3A_128 = vector.shape_cast %get3A_127 : vector<16xi32> to vector<16xi32>
            %slice3A = vector.extract_strided_slice %get3A_122 {offsets = [0], sizes = [1], strides = [1]} : vector<16xi32> to vector<1xi32>
            %squeeze3A = vector.extract %slice3A[0] : i32 from vector<1xi32>
            %slice3A_129 = vector.extract_strided_slice %get3A_125 {offsets = [0], sizes = [1], strides = [1]} : vector<16xi32> to vector<1xi32>
            %squeeze3A_130 = vector.extract %slice3A_129[0] : i32 from vector<1xi32>
            %add3A_131 = arith.constant 16 : i32
            %add3A_132 = arith.addi %add3A_131, %squeeze3A_130 : i32
            %mul3A_133 = arith.constant 8 : i32
            %mul3A_134 = arith.muli %add3A_108, %mul3A_133 : i32
            %sub3A = arith.subi %add3A_132, %mul3A_134 : i32
            %slice3A_135 = vector.extract_strided_slice %get3A_128 {offsets = [0], sizes = [1], strides = [1]} : vector<16xi32> to vector<1xi32>
            %squeeze3A_136 = vector.extract %slice3A_135[0] : i32 from vector<1xi32>
            %dma_start3A_137 = arith.constant 0 : i32
            %dma_start3A_138 = arith.constant 0 : i32
            %dma_start3A_139 = tpu.memref_slice %arg8[%sub3A, %dma_start3A_137, %dma_start3A_138] : memref<24x26x64xf32, #tpu.memory_space<vmem>> -> memref<1x26x64xf32, #tpu.memory_space<vmem>>
            %dma_start3A_140 = tpu.memref_squeeze %dma_start3A_139 : memref<1x26x64xf32, #tpu.memory_space<vmem>> -> memref<26x64xf32, #tpu.memory_space<vmem>>
            %dma_start3A_141 = arith.constant 0 : i32
            %dma_start3A_142 = tpu.memref_slice %dma_start3A_140[%squeeze3A_136, %dma_start3A_141] : memref<26x64xf32, #tpu.memory_space<vmem>> -> memref<1x64xf32, #tpu.memory_space<vmem>>
            %dma_start3A_143 = arith.constant 0 : i32
            %dma_start3A_144 = tpu.memref_slice %arg3[%squeeze3A, %dma_start3A_143] : memref<1000000x64xf32, #tpu.memory_space<hbm>> -> memref<1x64xf32, #tpu.memory_space<hbm>>
            %dma_start3A_145 = arith.constant 0 : i32
            %dma_start3A_146 = arith.constant 0 : i32
            %dma_start3A_147 = tpu.memref_slice %arg8[%sub3A, %dma_start3A_145, %dma_start3A_146] : memref<24x26x64xf32, #tpu.memory_space<vmem>> -> memref<1x26x64xf32, #tpu.memory_space<vmem>>
            %dma_start3A_148 = tpu.memref_squeeze %dma_start3A_147 : memref<1x26x64xf32, #tpu.memory_space<vmem>> -> memref<26x64xf32, #tpu.memory_space<vmem>>
            %dma_start3A_149 = arith.constant 0 : i32
            %dma_start3A_150 = tpu.memref_slice %dma_start3A_148[%squeeze3A_136, %dma_start3A_149] : memref<26x64xf32, #tpu.memory_space<vmem>> -> memref<1x64xf32, #tpu.memory_space<vmem>>
            %dma_start3A_151 = arith.constant 0 : i32
            %dma_start3A_152 = tpu.memref_slice %arg3[%squeeze3A, %dma_start3A_151] : memref<1000000x64xf32, #tpu.memory_space<hbm>> -> memref<1x64xf32, #tpu.memory_space<hbm>>
            tpu.enqueue_dma source(%dma_start3A_152 : memref<1x64xf32, #tpu.memory_space<hbm>>) target(%dma_start3A_150 : memref<1x64xf32, #tpu.memory_space<vmem>>) target_semaphore(%arg11 : memref<!tpu.dma_semaphore, #tpu.memory_space<semaphore_mem>>)
            %slice3A_153 = vector.extract_strided_slice %get3A_122 {offsets = [1], sizes = [1], strides = [1]} : vector<16xi32> to vector<1xi32>
            %squeeze3A_154 = vector.extract %slice3A_153[0] : i32 from vector<1xi32>
            %slice3A_155 = vector.extract_strided_slice %get3A_125 {offsets = [1], sizes = [1], strides = [1]} : vector<16xi32> to vector<1xi32>
            %squeeze3A_156 = vector.extract %slice3A_155[0] : i32 from vector<1xi32>
            %add3A_157 = arith.constant 16 : i32
            %add3A_158 = arith.addi %add3A_157, %squeeze3A_156 : i32
            %mul3A_159 = arith.constant 8 : i32
            %mul3A_160 = arith.muli %add3A_108, %mul3A_159 : i32
            %sub3A_161 = arith.subi %add3A_158, %mul3A_160 : i32
            %slice3A_162 = vector.extract_strided_slice %get3A_128 {offsets = [1], sizes = [1], strides = [1]} : vector<16xi32> to vector<1xi32>
            %squeeze3A_163 = vector.extract %slice3A_162[0] : i32 from vector<1xi32>
            %dma_start3A_164 = arith.constant 0 : i32
            %dma_start3A_165 = arith.constant 0 : i32
            %dma_start3A_166 = tpu.memref_slice %arg8[%sub3A_161, %dma_start3A_164, %dma_start3A_165] : memref<24x26x64xf32, #tpu.memory_space<vmem>> -> memref<1x26x64xf32, #tpu.memory_space<vmem>>
            %dma_start3A_167 = tpu.memref_squeeze %dma_start3A_166 : memref<1x26x64xf32, #tpu.memory_space<vmem>> -> memref<26x64xf32, #tpu.memory_space<vmem>>
            %dma_start3A_168 = arith.constant 0 : i32
            %dma_start3A_169 = tpu.memref_slice %dma_start3A_167[%squeeze3A_163, %dma_start3A_168] : memref<26x64xf32, #tpu.memory_space<vmem>> -> memref<1x64xf32, #tpu.memory_space<vmem>>
            %dma_start3A_170 = arith.constant 0 : i32
            %dma_start3A_171 = tpu.memref_slice %arg3[%squeeze3A_154, %dma_start3A_170] : memref<1000000x64xf32, #tpu.memory_space<hbm>> -> memref<1x64xf32, #tpu.memory_space<hbm>>
            %dma_start3A_172 = arith.constant 0 : i32
            %dma_start3A_173 = arith.constant 0 : i32
            %dma_start3A_174 = tpu.memref_slice %arg8[%sub3A_161, %dma_start3A_172, %dma_start3A_173] : memref<24x26x64xf32, #tpu.memory_space<vmem>> -> memref<1x26x64xf32, #tpu.memory_space<vmem>>
            %dma_start3A_175 = tpu.memref_squeeze %dma_start3A_174 : memref<1x26x64xf32, #tpu.memory_space<vmem>> -> memref<26x64xf32, #tpu.memory_space<vmem>>
            %dma_start3A_176 = arith.constant 0 : i32
            %dma_start3A_177 = tpu.memref_slice %dma_start3A_175[%squeeze3A_163, %dma_start3A_176] : memref<26x64xf32, #tpu.memory_space<vmem>> -> memref<1x64xf32, #tpu.memory_space<vmem>>
            %dma_start3A_178 = arith.constant 0 : i32
            %dma_start3A_179 = tpu.memref_slice %arg3[%squeeze3A_154, %dma_start3A_178] : memref<1000000x64xf32, #tpu.memory_space<hbm>> -> memref<1x64xf32, #tpu.memory_space<hbm>>
            tpu.enqueue_dma source(%dma_start3A_179 : memref<1x64xf32, #tpu.memory_space<hbm>>) target(%dma_start3A_177 : memref<1x64xf32, #tpu.memory_space<vmem>>) target_semaphore(%arg11 : memref<!tpu.dma_semaphore, #tpu.memory_space<semaphore_mem>>)
            %slice3A_180 = vector.extract_strided_slice %get3A_122 {offsets = [2], sizes = [1], strides = [1]} : vector<16xi32> to vector<1xi32>
            %squeeze3A_181 = vector.extract %slice3A_180[0] : i32 from vector<1xi32>
            %slice3A_182 = vector.extract_strided_slice %get3A_125 {offsets = [2], sizes = [1], strides = [1]} : vector<16xi32> to vector<1xi32>
            %squeeze3A_183 = vector.extract %slice3A_182[0] : i32 from vector<1xi32>
            %add3A_184 = arith.constant 16 : i32
            %add3A_185 = arith.addi %add3A_184, %squeeze3A_183 : i32
            %mul3A_186 = arith.constant 8 : i32
            %mul3A_187 = arith.muli %add3A_108, %mul3A_186 : i32
            %sub3A_188 = arith.subi %add3A_185, %mul3A_187 : i32
            %slice3A_189 = vector.extract_strided_slice %get3A_128 {offsets = [2], sizes = [1], strides = [1]} : vector<16xi32> to vector<1xi32>
            %squeeze3A_190 = vector.extract %slice3A_189[0] : i32 from vector<1xi32>
            %dma_start3A_191 = arith.constant 0 : i32
            %dma_start3A_192 = arith.constant 0 : i32
            %dma_start3A_193 = tpu.memref_slice %arg8[%sub3A_188, %dma_start3A_191, %dma_start3A_192] : memref<24x26x64xf32, #tpu.memory_space<vmem>> -> memref<1x26x64xf32, #tpu.memory_space<vmem>>
            %dma_start3A_194 = tpu.memref_squeeze %dma_start3A_193 : memref<1x26x64xf32, #tpu.memory_space<vmem>> -> memref<26x64xf32, #tpu.memory_space<vmem>>
            %dma_start3A_195 = arith.constant 0 : i32
            %dma_start3A_196 = tpu.memref_slice %dma_start3A_194[%squeeze3A_190, %dma_start3A_195] : memref<26x64xf32, #tpu.memory_space<vmem>> -> memref<1x64xf32, #tpu.memory_space<vmem>>
            %dma_start3A_197 = arith.constant 0 : i32
            %dma_start3A_198 = tpu.memref_slice %arg3[%squeeze3A_181, %dma_start3A_197] : memref<1000000x64xf32, #tpu.memory_space<hbm>> -> memref<1x64xf32, #tpu.memory_space<hbm>>
            %dma_start3A_199 = arith.constant 0 : i32
            %dma_start3A_200 = arith.constant 0 : i32
            %dma_start3A_201 = tpu.memref_slice %arg8[%sub3A_188, %dma_start3A_199, %dma_start3A_200] : memref<24x26x64xf32, #tpu.memory_space<vmem>> -> memref<1x26x64xf32, #tpu.memory_space<vmem>>
            %dma_start3A_202 = tpu.memref_squeeze %dma_start3A_201 : memref<1x26x64xf32, #tpu.memory_space<vmem>> -> memref<26x64xf32, #tpu.memory_space<vmem>>
            %dma_start3A_203 = arith.constant 0 : i32
            %dma_start3A_204 = tpu.memref_slice %dma_start3A_202[%squeeze3A_190, %dma_start3A_203] : memref<26x64xf32, #tpu.memory_space<vmem>> -> memref<1x64xf32, #tpu.memory_space<vmem>>
            %dma_start3A_205 = arith.constant 0 : i32
            %dma_start3A_206 = tpu.memref_slice %arg3[%squeeze3A_181, %dma_start3A_205] : memref<1000000x64xf32, #tpu.memory_space<hbm>> -> memref<1x64xf32, #tpu.memory_space<hbm>>
            tpu.enqueue_dma source(%dma_start3A_206 : memref<1x64xf32, #tpu.memory_space<hbm>>) target(%dma_start3A_204 : memref<1x64xf32, #tpu.memory_space<vmem>>) target_semaphore(%arg11 : memref<!tpu.dma_semaphore, #tpu.memory_space<semaphore_mem>>)
            %slice3A_207 = vector.extract_strided_slice %get3A_122 {offsets = [3], sizes = [1], strides = [1]} : vector<16xi32> to vector<1xi32>
            %squeeze3A_208 = vector.extract %slice3A_207[0] : i32 from vector<1xi32>
            %slice3A_209 = vector.extract_strided_slice %get3A_125 {offsets = [3], sizes = [1], strides = [1]} : vector<16xi32> to vector<1xi32>
            %squeeze3A_210 = vector.extract %slice3A_209[0] : i32 from vector<1xi32>
            %add3A_211 = arith.constant 16 : i32
            %add3A_212 = arith.addi %add3A_211, %squeeze3A_210 : i32
            %mul3A_213 = arith.constant 8 : i32
            %mul3A_214 = arith.muli %add3A_108, %mul3A_213 : i32
            %sub3A_215 = arith.subi %add3A_212, %mul3A_214 : i32
            %slice3A_216 = vector.extract_strided_slice %get3A_128 {offsets = [3], sizes = [1], strides = [1]} : vector<16xi32> to vector<1xi32>
            %squeeze3A_217 = vector.extract %slice3A_216[0] : i32 from vector<1xi32>
            %dma_start3A_218 = arith.constant 0 : i32
            %dma_start3A_219 = arith.constant 0 : i32
            %dma_start3A_220 = tpu.memref_slice %arg8[%sub3A_215, %dma_start3A_218, %dma_start3A_219] : memref<24x26x64xf32, #tpu.memory_space<vmem>> -> memref<1x26x64xf32, #tpu.memory_space<vmem>>
            %dma_start3A_221 = tpu.memref_squeeze %dma_start3A_220 : memref<1x26x64xf32, #tpu.memory_space<vmem>> -> memref<26x64xf32, #tpu.memory_space<vmem>>
            %dma_start3A_222 = arith.constant 0 : i32
            %dma_start3A_223 = tpu.memref_slice %dma_start3A_221[%squeeze3A_217, %dma_start3A_222] : memref<26x64xf32, #tpu.memory_space<vmem>> -> memref<1x64xf32, #tpu.memory_space<vmem>>
            %dma_start3A_224 = arith.constant 0 : i32
            %dma_start3A_225 = tpu.memref_slice %arg3[%squeeze3A_208, %dma_start3A_224] : memref<1000000x64xf32, #tpu.memory_space<hbm>> -> memref<1x64xf32, #tpu.memory_space<hbm>>
            %dma_start3A_226 = arith.constant 0 : i32
            %dma_start3A_227 = arith.constant 0 : i32
            %dma_start3A_228 = tpu.memref_slice %arg8[%sub3A_215, %dma_start3A_226, %dma_start3A_227] : memref<24x26x64xf32, #tpu.memory_space<vmem>> -> memref<1x26x64xf32, #tpu.memory_space<vmem>>
            %dma_start3A_229 = tpu.memref_squeeze %dma_start3A_228 : memref<1x26x64xf32, #tpu.memory_space<vmem>> -> memref<26x64xf32, #tpu.memory_space<vmem>>
            %dma_start3A_230 = arith.constant 0 : i32
            %dma_start3A_231 = tpu.memref_slice %dma_start3A_229[%squeeze3A_217, %dma_start3A_230] : memref<26x64xf32, #tpu.memory_space<vmem>> -> memref<1x64xf32, #tpu.memory_space<vmem>>
            %dma_start3A_232 = arith.constant 0 : i32
            %dma_start3A_233 = tpu.memref_slice %arg3[%squeeze3A_208, %dma_start3A_232] : memref<1000000x64xf32, #tpu.memory_space<hbm>> -> memref<1x64xf32, #tpu.memory_space<hbm>>
            tpu.enqueue_dma source(%dma_start3A_233 : memref<1x64xf32, #tpu.memory_space<hbm>>) target(%dma_start3A_231 : memref<1x64xf32, #tpu.memory_space<vmem>>) target_semaphore(%arg11 : memref<!tpu.dma_semaphore, #tpu.memory_space<semaphore_mem>>)
            %slice3A_234 = vector.extract_strided_slice %get3A_122 {offsets = [4], sizes = [1], strides = [1]} : vector<16xi32> to vector<1xi32>
            %squeeze3A_235 = vector.extract %slice3A_234[0] : i32 from vector<1xi32>
            %slice3A_236 = vector.extract_strided_slice %get3A_125 {offsets = [4], sizes = [1], strides = [1]} : vector<16xi32> to vector<1xi32>
            %squeeze3A_237 = vector.extract %slice3A_236[0] : i32 from vector<1xi32>
            %add3A_238 = arith.constant 16 : i32
            %add3A_239 = arith.addi %add3A_238, %squeeze3A_237 : i32
            %mul3A_240 = arith.constant 8 : i32
            %mul3A_241 = arith.muli %add3A_108, %mul3A_240 : i32
            %sub3A_242 = arith.subi %add3A_239, %mul3A_241 : i32
            %slice3A_243 = vector.extract_strided_slice %get3A_128 {offsets = [4], sizes = [1], strides = [1]} : vector<16xi32> to vector<1xi32>
            %squeeze3A_244 = vector.extract %slice3A_243[0] : i32 from vector<1xi32>
            %dma_start3A_245 = arith.constant 0 : i32
            %dma_start3A_246 = arith.constant 0 : i32
            %dma_start3A_247 = tpu.memref_slice %arg8[%sub3A_242, %dma_start3A_245, %dma_start3A_246] : memref<24x26x64xf32, #tpu.memory_space<vmem>> -> memref<1x26x64xf32, #tpu.memory_space<vmem>>
            %dma_start3A_248 = tpu.memref_squeeze %dma_start3A_247 : memref<1x26x64xf32, #tpu.memory_space<vmem>> -> memref<26x64xf32, #tpu.memory_space<vmem>>
            %dma_start3A_249 = arith.constant 0 : i32
            %dma_start3A_250 = tpu.memref_slice %dma_start3A_248[%squeeze3A_244, %dma_start3A_249] : memref<26x64xf32, #tpu.memory_space<vmem>> -> memref<1x64xf32, #tpu.memory_space<vmem>>
            %dma_start3A_251 = arith.constant 0 : i32
            %dma_start3A_252 = tpu.memref_slice %arg3[%squeeze3A_235, %dma_start3A_251] : memref<1000000x64xf32, #tpu.memory_space<hbm>> -> memref<1x64xf32, #tpu.memory_space<hbm>>
            %dma_start3A_253 = arith.constant 0 : i32
            %dma_start3A_254 = arith.constant 0 : i32
            %dma_start3A_255 = tpu.memref_slice %arg8[%sub3A_242, %dma_start3A_253, %dma_start3A_254] : memref<24x26x64xf32, #tpu.memory_space<vmem>> -> memref<1x26x64xf32, #tpu.memory_space<vmem>>
            %dma_start3A_256 = tpu.memref_squeeze %dma_start3A_255 : memref<1x26x64xf32, #tpu.memory_space<vmem>> -> memref<26x64xf32, #tpu.memory_space<vmem>>
            %dma_start3A_257 = arith.constant 0 : i32
            %dma_start3A_258 = tpu.memref_slice %dma_start3A_256[%squeeze3A_244, %dma_start3A_257] : memref<26x64xf32, #tpu.memory_space<vmem>> -> memref<1x64xf32, #tpu.memory_space<vmem>>
            %dma_start3A_259 = arith.constant 0 : i32
            %dma_start3A_260 = tpu.memref_slice %arg3[%squeeze3A_235, %dma_start3A_259] : memref<1000000x64xf32, #tpu.memory_space<hbm>> -> memref<1x64xf32, #tpu.memory_space<hbm>>
            tpu.enqueue_dma source(%dma_start3A_260 : memref<1x64xf32, #tpu.memory_space<hbm>>) target(%dma_start3A_258 : memref<1x64xf32, #tpu.memory_space<vmem>>) target_semaphore(%arg11 : memref<!tpu.dma_semaphore, #tpu.memory_space<semaphore_mem>>)
            %slice3A_261 = vector.extract_strided_slice %get3A_122 {offsets = [5], sizes = [1], strides = [1]} : vector<16xi32> to vector<1xi32>
            %squeeze3A_262 = vector.extract %slice3A_261[0] : i32 from vector<1xi32>
            %slice3A_263 = vector.extract_strided_slice %get3A_125 {offsets = [5], sizes = [1], strides = [1]} : vector<16xi32> to vector<1xi32>
            %squeeze3A_264 = vector.extract %slice3A_263[0] : i32 from vector<1xi32>
            %add3A_265 = arith.constant 16 : i32
            %add3A_266 = arith.addi %add3A_265, %squeeze3A_264 : i32
            %mul3A_267 = arith.constant 8 : i32
            %mul3A_268 = arith.muli %add3A_108, %mul3A_267 : i32
            %sub3A_269 = arith.subi %add3A_266, %mul3A_268 : i32
            %slice3A_270 = vector.extract_strided_slice %get3A_128 {offsets = [5], sizes = [1], strides = [1]} : vector<16xi32> to vector<1xi32>
            %squeeze3A_271 = vector.extract %slice3A_270[0] : i32 from vector<1xi32>
            %dma_start3A_272 = arith.constant 0 : i32
            %dma_start3A_273 = arith.constant 0 : i32
            %dma_start3A_274 = tpu.memref_slice %arg8[%sub3A_269, %dma_start3A_272, %dma_start3A_273] : memref<24x26x64xf32, #tpu.memory_space<vmem>> -> memref<1x26x64xf32, #tpu.memory_space<vmem>>
            %dma_start3A_275 = tpu.memref_squeeze %dma_start3A_274 : memref<1x26x64xf32, #tpu.memory_space<vmem>> -> memref<26x64xf32, #tpu.memory_space<vmem>>
            %dma_start3A_276 = arith.constant 0 : i32
            %dma_start3A_277 = tpu.memref_slice %dma_start3A_275[%squeeze3A_271, %dma_start3A_276] : memref<26x64xf32, #tpu.memory_space<vmem>> -> memref<1x64xf32, #tpu.memory_space<vmem>>
            %dma_start3A_278 = arith.constant 0 : i32
            %dma_start3A_279 = tpu.memref_slice %arg3[%squeeze3A_262, %dma_start3A_278] : memref<1000000x64xf32, #tpu.memory_space<hbm>> -> memref<1x64xf32, #tpu.memory_space<hbm>>
            %dma_start3A_280 = arith.constant 0 : i32
            %dma_start3A_281 = arith.constant 0 : i32
            %dma_start3A_282 = tpu.memref_slice %arg8[%sub3A_269, %dma_start3A_280, %dma_start3A_281] : memref<24x26x64xf32, #tpu.memory_space<vmem>> -> memref<1x26x64xf32, #tpu.memory_space<vmem>>
            %dma_start3A_283 = tpu.memref_squeeze %dma_start3A_282 : memref<1x26x64xf32, #tpu.memory_space<vmem>> -> memref<26x64xf32, #tpu.memory_space<vmem>>
            %dma_start3A_284 = arith.constant 0 : i32
            %dma_start3A_285 = tpu.memref_slice %dma_start3A_283[%squeeze3A_271, %dma_start3A_284] : memref<26x64xf32, #tpu.memory_space<vmem>> -> memref<1x64xf32, #tpu.memory_space<vmem>>
            %dma_start3A_286 = arith.constant 0 : i32
            %dma_start3A_287 = tpu.memref_slice %arg3[%squeeze3A_262, %dma_start3A_286] : memref<1000000x64xf32, #tpu.memory_space<hbm>> -> memref<1x64xf32, #tpu.memory_space<hbm>>
            tpu.enqueue_dma source(%dma_start3A_287 : memref<1x64xf32, #tpu.memory_space<hbm>>) target(%dma_start3A_285 : memref<1x64xf32, #tpu.memory_space<vmem>>) target_semaphore(%arg11 : memref<!tpu.dma_semaphore, #tpu.memory_space<semaphore_mem>>)
            %slice3A_288 = vector.extract_strided_slice %get3A_122 {offsets = [6], sizes = [1], strides = [1]} : vector<16xi32> to vector<1xi32>
            %squeeze3A_289 = vector.extract %slice3A_288[0] : i32 from vector<1xi32>
            %slice3A_290 = vector.extract_strided_slice %get3A_125 {offsets = [6], sizes = [1], strides = [1]} : vector<16xi32> to vector<1xi32>
            %squeeze3A_291 = vector.extract %slice3A_290[0] : i32 from vector<1xi32>
            %add3A_292 = arith.constant 16 : i32
            %add3A_293 = arith.addi %add3A_292, %squeeze3A_291 : i32
            %mul3A_294 = arith.constant 8 : i32
            %mul3A_295 = arith.muli %add3A_108, %mul3A_294 : i32
            %sub3A_296 = arith.subi %add3A_293, %mul3A_295 : i32
            %slice3A_297 = vector.extract_strided_slice %get3A_128 {offsets = [6], sizes = [1], strides = [1]} : vector<16xi32> to vector<1xi32>
            %squeeze3A_298 = vector.extract %slice3A_297[0] : i32 from vector<1xi32>
            %dma_start3A_299 = arith.constant 0 : i32
            %dma_start3A_300 = arith.constant 0 : i32
            %dma_start3A_301 = tpu.memref_slice %arg8[%sub3A_296, %dma_start3A_299, %dma_start3A_300] : memref<24x26x64xf32, #tpu.memory_space<vmem>> -> memref<1x26x64xf32, #tpu.memory_space<vmem>>
            %dma_start3A_302 = tpu.memref_squeeze %dma_start3A_301 : memref<1x26x64xf32, #tpu.memory_space<vmem>> -> memref<26x64xf32, #tpu.memory_space<vmem>>
            %dma_start3A_303 = arith.constant 0 : i32
            %dma_start3A_304 = tpu.memref_slice %dma_start3A_302[%squeeze3A_298, %dma_start3A_303] : memref<26x64xf32, #tpu.memory_space<vmem>> -> memref<1x64xf32, #tpu.memory_space<vmem>>
            %dma_start3A_305 = arith.constant 0 : i32
            %dma_start3A_306 = tpu.memref_slice %arg3[%squeeze3A_289, %dma_start3A_305] : memref<1000000x64xf32, #tpu.memory_space<hbm>> -> memref<1x64xf32, #tpu.memory_space<hbm>>
            %dma_start3A_307 = arith.constant 0 : i32
            %dma_start3A_308 = arith.constant 0 : i32
            %dma_start3A_309 = tpu.memref_slice %arg8[%sub3A_296, %dma_start3A_307, %dma_start3A_308] : memref<24x26x64xf32, #tpu.memory_space<vmem>> -> memref<1x26x64xf32, #tpu.memory_space<vmem>>
            %dma_start3A_310 = tpu.memref_squeeze %dma_start3A_309 : memref<1x26x64xf32, #tpu.memory_space<vmem>> -> memref<26x64xf32, #tpu.memory_space<vmem>>
            %dma_start3A_311 = arith.constant 0 : i32
            %dma_start3A_312 = tpu.memref_slice %dma_start3A_310[%squeeze3A_298, %dma_start3A_311] : memref<26x64xf32, #tpu.memory_space<vmem>> -> memref<1x64xf32, #tpu.memory_space<vmem>>
            %dma_start3A_313 = arith.constant 0 : i32
            %dma_start3A_314 = tpu.memref_slice %arg3[%squeeze3A_289, %dma_start3A_313] : memref<1000000x64xf32, #tpu.memory_space<hbm>> -> memref<1x64xf32, #tpu.memory_space<hbm>>
            tpu.enqueue_dma source(%dma_start3A_314 : memref<1x64xf32, #tpu.memory_space<hbm>>) target(%dma_start3A_312 : memref<1x64xf32, #tpu.memory_space<vmem>>) target_semaphore(%arg11 : memref<!tpu.dma_semaphore, #tpu.memory_space<semaphore_mem>>)
            %slice3A_315 = vector.extract_strided_slice %get3A_122 {offsets = [7], sizes = [1], strides = [1]} : vector<16xi32> to vector<1xi32>
            %squeeze3A_316 = vector.extract %slice3A_315[0] : i32 from vector<1xi32>
            %slice3A_317 = vector.extract_strided_slice %get3A_125 {offsets = [7], sizes = [1], strides = [1]} : vector<16xi32> to vector<1xi32>
            %squeeze3A_318 = vector.extract %slice3A_317[0] : i32 from vector<1xi32>
            %add3A_319 = arith.constant 16 : i32
            %add3A_320 = arith.addi %add3A_319, %squeeze3A_318 : i32
            %mul3A_321 = arith.constant 8 : i32
            %mul3A_322 = arith.muli %add3A_108, %mul3A_321 : i32
            %sub3A_323 = arith.subi %add3A_320, %mul3A_322 : i32
            %slice3A_324 = vector.extract_strided_slice %get3A_128 {offsets = [7], sizes = [1], strides = [1]} : vector<16xi32> to vector<1xi32>
            %squeeze3A_325 = vector.extract %slice3A_324[0] : i32 from vector<1xi32>
            %dma_start3A_326 = arith.constant 0 : i32
            %dma_start3A_327 = arith.constant 0 : i32
            %dma_start3A_328 = tpu.memref_slice %arg8[%sub3A_323, %dma_start3A_326, %dma_start3A_327] : memref<24x26x64xf32, #tpu.memory_space<vmem>> -> memref<1x26x64xf32, #tpu.memory_space<vmem>>
            %dma_start3A_329 = tpu.memref_squeeze %dma_start3A_328 : memref<1x26x64xf32, #tpu.memory_space<vmem>> -> memref<26x64xf32, #tpu.memory_space<vmem>>
            %dma_start3A_330 = arith.constant 0 : i32
            %dma_start3A_331 = tpu.memref_slice %dma_start3A_329[%squeeze3A_325, %dma_start3A_330] : memref<26x64xf32, #tpu.memory_space<vmem>> -> memref<1x64xf32, #tpu.memory_space<vmem>>
            %dma_start3A_332 = arith.constant 0 : i32
            %dma_start3A_333 = tpu.memref_slice %arg3[%squeeze3A_316, %dma_start3A_332] : memref<1000000x64xf32, #tpu.memory_space<hbm>> -> memref<1x64xf32, #tpu.memory_space<hbm>>
            %dma_start3A_334 = arith.constant 0 : i32
            %dma_start3A_335 = arith.constant 0 : i32
            %dma_start3A_336 = tpu.memref_slice %arg8[%sub3A_323, %dma_start3A_334, %dma_start3A_335] : memref<24x26x64xf32, #tpu.memory_space<vmem>> -> memref<1x26x64xf32, #tpu.memory_space<vmem>>
            %dma_start3A_337 = tpu.memref_squeeze %dma_start3A_336 : memref<1x26x64xf32, #tpu.memory_space<vmem>> -> memref<26x64xf32, #tpu.memory_space<vmem>>
            %dma_start3A_338 = arith.constant 0 : i32
            %dma_start3A_339 = tpu.memref_slice %dma_start3A_337[%squeeze3A_325, %dma_start3A_338] : memref<26x64xf32, #tpu.memory_space<vmem>> -> memref<1x64xf32, #tpu.memory_space<vmem>>
            %dma_start3A_340 = arith.constant 0 : i32
            %dma_start3A_341 = tpu.memref_slice %arg3[%squeeze3A_316, %dma_start3A_340] : memref<1000000x64xf32, #tpu.memory_space<hbm>> -> memref<1x64xf32, #tpu.memory_space<hbm>>
            tpu.enqueue_dma source(%dma_start3A_341 : memref<1x64xf32, #tpu.memory_space<hbm>>) target(%dma_start3A_339 : memref<1x64xf32, #tpu.memory_space<vmem>>) target_semaphore(%arg11 : memref<!tpu.dma_semaphore, #tpu.memory_space<semaphore_mem>>)
            %slice3A_342 = vector.extract_strided_slice %get3A_122 {offsets = [8], sizes = [1], strides = [1]} : vector<16xi32> to vector<1xi32>
            %squeeze3A_343 = vector.extract %slice3A_342[0] : i32 from vector<1xi32>
            %slice3A_344 = vector.extract_strided_slice %get3A_125 {offsets = [8], sizes = [1], strides = [1]} : vector<16xi32> to vector<1xi32>
            %squeeze3A_345 = vector.extract %slice3A_344[0] : i32 from vector<1xi32>
            %add3A_346 = arith.constant 16 : i32
            %add3A_347 = arith.addi %add3A_346, %squeeze3A_345 : i32
            %mul3A_348 = arith.constant 8 : i32
            %mul3A_349 = arith.muli %add3A_108, %mul3A_348 : i32
            %sub3A_350 = arith.subi %add3A_347, %mul3A_349 : i32
            %slice3A_351 = vector.extract_strided_slice %get3A_128 {offsets = [8], sizes = [1], strides = [1]} : vector<16xi32> to vector<1xi32>
            %squeeze3A_352 = vector.extract %slice3A_351[0] : i32 from vector<1xi32>
            %dma_start3A_353 = arith.constant 0 : i32
            %dma_start3A_354 = arith.constant 0 : i32
            %dma_start3A_355 = tpu.memref_slice %arg8[%sub3A_350, %dma_start3A_353, %dma_start3A_354] : memref<24x26x64xf32, #tpu.memory_space<vmem>> -> memref<1x26x64xf32, #tpu.memory_space<vmem>>
            %dma_start3A_356 = tpu.memref_squeeze %dma_start3A_355 : memref<1x26x64xf32, #tpu.memory_space<vmem>> -> memref<26x64xf32, #tpu.memory_space<vmem>>
            %dma_start3A_357 = arith.constant 0 : i32
            %dma_start3A_358 = tpu.memref_slice %dma_start3A_356[%squeeze3A_352, %dma_start3A_357] : memref<26x64xf32, #tpu.memory_space<vmem>> -> memref<1x64xf32, #tpu.memory_space<vmem>>
            %dma_start3A_359 = arith.constant 0 : i32
            %dma_start3A_360 = tpu.memref_slice %arg3[%squeeze3A_343, %dma_start3A_359] : memref<1000000x64xf32, #tpu.memory_space<hbm>> -> memref<1x64xf32, #tpu.memory_space<hbm>>
            %dma_start3A_361 = arith.constant 0 : i32
            %dma_start3A_362 = arith.constant 0 : i32
            %dma_start3A_363 = tpu.memref_slice %arg8[%sub3A_350, %dma_start3A_361, %dma_start3A_362] : memref<24x26x64xf32, #tpu.memory_space<vmem>> -> memref<1x26x64xf32, #tpu.memory_space<vmem>>
            %dma_start3A_364 = tpu.memref_squeeze %dma_start3A_363 : memref<1x26x64xf32, #tpu.memory_space<vmem>> -> memref<26x64xf32, #tpu.memory_space<vmem>>
            %dma_start3A_365 = arith.constant 0 : i32
            %dma_start3A_366 = tpu.memref_slice %dma_start3A_364[%squeeze3A_352, %dma_start3A_365] : memref<26x64xf32, #tpu.memory_space<vmem>> -> memref<1x64xf32, #tpu.memory_space<vmem>>
            %dma_start3A_367 = arith.constant 0 : i32
            %dma_start3A_368 = tpu.memref_slice %arg3[%squeeze3A_343, %dma_start3A_367] : memref<1000000x64xf32, #tpu.memory_space<hbm>> -> memref<1x64xf32, #tpu.memory_space<hbm>>
            tpu.enqueue_dma source(%dma_start3A_368 : memref<1x64xf32, #tpu.memory_space<hbm>>) target(%dma_start3A_366 : memref<1x64xf32, #tpu.memory_space<vmem>>) target_semaphore(%arg11 : memref<!tpu.dma_semaphore, #tpu.memory_space<semaphore_mem>>)
            %slice3A_369 = vector.extract_strided_slice %get3A_122 {offsets = [9], sizes = [1], strides = [1]} : vector<16xi32> to vector<1xi32>
            %squeeze3A_370 = vector.extract %slice3A_369[0] : i32 from vector<1xi32>
            %slice3A_371 = vector.extract_strided_slice %get3A_125 {offsets = [9], sizes = [1], strides = [1]} : vector<16xi32> to vector<1xi32>
            %squeeze3A_372 = vector.extract %slice3A_371[0] : i32 from vector<1xi32>
            %add3A_373 = arith.constant 16 : i32
            %add3A_374 = arith.addi %add3A_373, %squeeze3A_372 : i32
            %mul3A_375 = arith.constant 8 : i32
            %mul3A_376 = arith.muli %add3A_108, %mul3A_375 : i32
            %sub3A_377 = arith.subi %add3A_374, %mul3A_376 : i32
            %slice3A_378 = vector.extract_strided_slice %get3A_128 {offsets = [9], sizes = [1], strides = [1]} : vector<16xi32> to vector<1xi32>
            %squeeze3A_379 = vector.extract %slice3A_378[0] : i32 from vector<1xi32>
            %dma_start3A_380 = arith.constant 0 : i32
            %dma_start3A_381 = arith.constant 0 : i32
            %dma_start3A_382 = tpu.memref_slice %arg8[%sub3A_377, %dma_start3A_380, %dma_start3A_381] : memref<24x26x64xf32, #tpu.memory_space<vmem>> -> memref<1x26x64xf32, #tpu.memory_space<vmem>>
            %dma_start3A_383 = tpu.memref_squeeze %dma_start3A_382 : memref<1x26x64xf32, #tpu.memory_space<vmem>> -> memref<26x64xf32, #tpu.memory_space<vmem>>
            %dma_start3A_384 = arith.constant 0 : i32
            %dma_start3A_385 = tpu.memref_slice %dma_start3A_383[%squeeze3A_379, %dma_start3A_384] : memref<26x64xf32, #tpu.memory_space<vmem>> -> memref<1x64xf32, #tpu.memory_space<vmem>>
            %dma_start3A_386 = arith.constant 0 : i32
            %dma_start3A_387 = tpu.memref_slice %arg3[%squeeze3A_370, %dma_start3A_386] : memref<1000000x64xf32, #tpu.memory_space<hbm>> -> memref<1x64xf32, #tpu.memory_space<hbm>>
            %dma_start3A_388 = arith.constant 0 : i32
            %dma_start3A_389 = arith.constant 0 : i32
            %dma_start3A_390 = tpu.memref_slice %arg8[%sub3A_377, %dma_start3A_388, %dma_start3A_389] : memref<24x26x64xf32, #tpu.memory_space<vmem>> -> memref<1x26x64xf32, #tpu.memory_space<vmem>>
            %dma_start3A_391 = tpu.memref_squeeze %dma_start3A_390 : memref<1x26x64xf32, #tpu.memory_space<vmem>> -> memref<26x64xf32, #tpu.memory_space<vmem>>
            %dma_start3A_392 = arith.constant 0 : i32
            %dma_start3A_393 = tpu.memref_slice %dma_start3A_391[%squeeze3A_379, %dma_start3A_392] : memref<26x64xf32, #tpu.memory_space<vmem>> -> memref<1x64xf32, #tpu.memory_space<vmem>>
            %dma_start3A_394 = arith.constant 0 : i32
            %dma_start3A_395 = tpu.memref_slice %arg3[%squeeze3A_370, %dma_start3A_394] : memref<1000000x64xf32, #tpu.memory_space<hbm>> -> memref<1x64xf32, #tpu.memory_space<hbm>>
            tpu.enqueue_dma source(%dma_start3A_395 : memref<1x64xf32, #tpu.memory_space<hbm>>) target(%dma_start3A_393 : memref<1x64xf32, #tpu.memory_space<vmem>>) target_semaphore(%arg11 : memref<!tpu.dma_semaphore, #tpu.memory_space<semaphore_mem>>)
            %slice3A_396 = vector.extract_strided_slice %get3A_122 {offsets = [10], sizes = [1], strides = [1]} : vector<16xi32> to vector<1xi32>
            %squeeze3A_397 = vector.extract %slice3A_396[0] : i32 from vector<1xi32>
            %slice3A_398 = vector.extract_strided_slice %get3A_125 {offsets = [10], sizes = [1], strides = [1]} : vector<16xi32> to vector<1xi32>
            %squeeze3A_399 = vector.extract %slice3A_398[0] : i32 from vector<1xi32>
            %add3A_400 = arith.constant 16 : i32
            %add3A_401 = arith.addi %add3A_400, %squeeze3A_399 : i32
            %mul3A_402 = arith.constant 8 : i32
            %mul3A_403 = arith.muli %add3A_108, %mul3A_402 : i32
            %sub3A_404 = arith.subi %add3A_401, %mul3A_403 : i32
            %slice3A_405 = vector.extract_strided_slice %get3A_128 {offsets = [10], sizes = [1], strides = [1]} : vector<16xi32> to vector<1xi32>
            %squeeze3A_406 = vector.extract %slice3A_405[0] : i32 from vector<1xi32>
            %dma_start3A_407 = arith.constant 0 : i32
            %dma_start3A_408 = arith.constant 0 : i32
            %dma_start3A_409 = tpu.memref_slice %arg8[%sub3A_404, %dma_start3A_407, %dma_start3A_408] : memref<24x26x64xf32, #tpu.memory_space<vmem>> -> memref<1x26x64xf32, #tpu.memory_space<vmem>>
            %dma_start3A_410 = tpu.memref_squeeze %dma_start3A_409 : memref<1x26x64xf32, #tpu.memory_space<vmem>> -> memref<26x64xf32, #tpu.memory_space<vmem>>
            %dma_start3A_411 = arith.constant 0 : i32
            %dma_start3A_412 = tpu.memref_slice %dma_start3A_410[%squeeze3A_406, %dma_start3A_411] : memref<26x64xf32, #tpu.memory_space<vmem>> -> memref<1x64xf32, #tpu.memory_space<vmem>>
            %dma_start3A_413 = arith.constant 0 : i32
            %dma_start3A_414 = tpu.memref_slice %arg3[%squeeze3A_397, %dma_start3A_413] : memref<1000000x64xf32, #tpu.memory_space<hbm>> -> memref<1x64xf32, #tpu.memory_space<hbm>>
            %dma_start3A_415 = arith.constant 0 : i32
            %dma_start3A_416 = arith.constant 0 : i32
            %dma_start3A_417 = tpu.memref_slice %arg8[%sub3A_404, %dma_start3A_415, %dma_start3A_416] : memref<24x26x64xf32, #tpu.memory_space<vmem>> -> memref<1x26x64xf32, #tpu.memory_space<vmem>>
            %dma_start3A_418 = tpu.memref_squeeze %dma_start3A_417 : memref<1x26x64xf32, #tpu.memory_space<vmem>> -> memref<26x64xf32, #tpu.memory_space<vmem>>
            %dma_start3A_419 = arith.constant 0 : i32
            %dma_start3A_420 = tpu.memref_slice %dma_start3A_418[%squeeze3A_406, %dma_start3A_419] : memref<26x64xf32, #tpu.memory_space<vmem>> -> memref<1x64xf32, #tpu.memory_space<vmem>>
            %dma_start3A_421 = arith.constant 0 : i32
            %dma_start3A_422 = tpu.memref_slice %arg3[%squeeze3A_397, %dma_start3A_421] : memref<1000000x64xf32, #tpu.memory_space<hbm>> -> memref<1x64xf32, #tpu.memory_space<hbm>>
            tpu.enqueue_dma source(%dma_start3A_422 : memref<1x64xf32, #tpu.memory_space<hbm>>) target(%dma_start3A_420 : memref<1x64xf32, #tpu.memory_space<vmem>>) target_semaphore(%arg11 : memref<!tpu.dma_semaphore, #tpu.memory_space<semaphore_mem>>)
            %slice3A_423 = vector.extract_strided_slice %get3A_122 {offsets = [11], sizes = [1], strides = [1]} : vector<16xi32> to vector<1xi32>
            %squeeze3A_424 = vector.extract %slice3A_423[0] : i32 from vector<1xi32>
            %slice3A_425 = vector.extract_strided_slice %get3A_125 {offsets = [11], sizes = [1], strides = [1]} : vector<16xi32> to vector<1xi32>
            %squeeze3A_426 = vector.extract %slice3A_425[0] : i32 from vector<1xi32>
            %add3A_427 = arith.constant 16 : i32
            %add3A_428 = arith.addi %add3A_427, %squeeze3A_426 : i32
            %mul3A_429 = arith.constant 8 : i32
            %mul3A_430 = arith.muli %add3A_108, %mul3A_429 : i32
            %sub3A_431 = arith.subi %add3A_428, %mul3A_430 : i32
            %slice3A_432 = vector.extract_strided_slice %get3A_128 {offsets = [11], sizes = [1], strides = [1]} : vector<16xi32> to vector<1xi32>
            %squeeze3A_433 = vector.extract %slice3A_432[0] : i32 from vector<1xi32>
            %dma_start3A_434 = arith.constant 0 : i32
            %dma_start3A_435 = arith.constant 0 : i32
            %dma_start3A_436 = tpu.memref_slice %arg8[%sub3A_431, %dma_start3A_434, %dma_start3A_435] : memref<24x26x64xf32, #tpu.memory_space<vmem>> -> memref<1x26x64xf32, #tpu.memory_space<vmem>>
            %dma_start3A_437 = tpu.memref_squeeze %dma_start3A_436 : memref<1x26x64xf32, #tpu.memory_space<vmem>> -> memref<26x64xf32, #tpu.memory_space<vmem>>
            %dma_start3A_438 = arith.constant 0 : i32
            %dma_start3A_439 = tpu.memref_slice %dma_start3A_437[%squeeze3A_433, %dma_start3A_438] : memref<26x64xf32, #tpu.memory_space<vmem>> -> memref<1x64xf32, #tpu.memory_space<vmem>>
            %dma_start3A_440 = arith.constant 0 : i32
            %dma_start3A_441 = tpu.memref_slice %arg3[%squeeze3A_424, %dma_start3A_440] : memref<1000000x64xf32, #tpu.memory_space<hbm>> -> memref<1x64xf32, #tpu.memory_space<hbm>>
            %dma_start3A_442 = arith.constant 0 : i32
            %dma_start3A_443 = arith.constant 0 : i32
            %dma_start3A_444 = tpu.memref_slice %arg8[%sub3A_431, %dma_start3A_442, %dma_start3A_443] : memref<24x26x64xf32, #tpu.memory_space<vmem>> -> memref<1x26x64xf32, #tpu.memory_space<vmem>>
            %dma_start3A_445 = tpu.memref_squeeze %dma_start3A_444 : memref<1x26x64xf32, #tpu.memory_space<vmem>> -> memref<26x64xf32, #tpu.memory_space<vmem>>
            %dma_start3A_446 = arith.constant 0 : i32
            %dma_start3A_447 = tpu.memref_slice %dma_start3A_445[%squeeze3A_433, %dma_start3A_446] : memref<26x64xf32, #tpu.memory_space<vmem>> -> memref<1x64xf32, #tpu.memory_space<vmem>>
            %dma_start3A_448 = arith.constant 0 : i32
            %dma_start3A_449 = tpu.memref_slice %arg3[%squeeze3A_424, %dma_start3A_448] : memref<1000000x64xf32, #tpu.memory_space<hbm>> -> memref<1x64xf32, #tpu.memory_space<hbm>>
            tpu.enqueue_dma source(%dma_start3A_449 : memref<1x64xf32, #tpu.memory_space<hbm>>) target(%dma_start3A_447 : memref<1x64xf32, #tpu.memory_space<vmem>>) target_semaphore(%arg11 : memref<!tpu.dma_semaphore, #tpu.memory_space<semaphore_mem>>)
            %slice3A_450 = vector.extract_strided_slice %get3A_122 {offsets = [12], sizes = [1], strides = [1]} : vector<16xi32> to vector<1xi32>
            %squeeze3A_451 = vector.extract %slice3A_450[0] : i32 from vector<1xi32>
            %slice3A_452 = vector.extract_strided_slice %get3A_125 {offsets = [12], sizes = [1], strides = [1]} : vector<16xi32> to vector<1xi32>
            %squeeze3A_453 = vector.extract %slice3A_452[0] : i32 from vector<1xi32>
            %add3A_454 = arith.constant 16 : i32
            %add3A_455 = arith.addi %add3A_454, %squeeze3A_453 : i32
            %mul3A_456 = arith.constant 8 : i32
            %mul3A_457 = arith.muli %add3A_108, %mul3A_456 : i32
            %sub3A_458 = arith.subi %add3A_455, %mul3A_457 : i32
            %slice3A_459 = vector.extract_strided_slice %get3A_128 {offsets = [12], sizes = [1], strides = [1]} : vector<16xi32> to vector<1xi32>
            %squeeze3A_460 = vector.extract %slice3A_459[0] : i32 from vector<1xi32>
            %dma_start3A_461 = arith.constant 0 : i32
            %dma_start3A_462 = arith.constant 0 : i32
            %dma_start3A_463 = tpu.memref_slice %arg8[%sub3A_458, %dma_start3A_461, %dma_start3A_462] : memref<24x26x64xf32, #tpu.memory_space<vmem>> -> memref<1x26x64xf32, #tpu.memory_space<vmem>>
            %dma_start3A_464 = tpu.memref_squeeze %dma_start3A_463 : memref<1x26x64xf32, #tpu.memory_space<vmem>> -> memref<26x64xf32, #tpu.memory_space<vmem>>
            %dma_start3A_465 = arith.constant 0 : i32
            %dma_start3A_466 = tpu.memref_slice %dma_start3A_464[%squeeze3A_460, %dma_start3A_465] : memref<26x64xf32, #tpu.memory_space<vmem>> -> memref<1x64xf32, #tpu.memory_space<vmem>>
            %dma_start3A_467 = arith.constant 0 : i32
            %dma_start3A_468 = tpu.memref_slice %arg3[%squeeze3A_451, %dma_start3A_467] : memref<1000000x64xf32, #tpu.memory_space<hbm>> -> memref<1x64xf32, #tpu.memory_space<hbm>>
            %dma_start3A_469 = arith.constant 0 : i32
            %dma_start3A_470 = arith.constant 0 : i32
            %dma_start3A_471 = tpu.memref_slice %arg8[%sub3A_458, %dma_start3A_469, %dma_start3A_470] : memref<24x26x64xf32, #tpu.memory_space<vmem>> -> memref<1x26x64xf32, #tpu.memory_space<vmem>>
            %dma_start3A_472 = tpu.memref_squeeze %dma_start3A_471 : memref<1x26x64xf32, #tpu.memory_space<vmem>> -> memref<26x64xf32, #tpu.memory_space<vmem>>
            %dma_start3A_473 = arith.constant 0 : i32
            %dma_start3A_474 = tpu.memref_slice %dma_start3A_472[%squeeze3A_460, %dma_start3A_473] : memref<26x64xf32, #tpu.memory_space<vmem>> -> memref<1x64xf32, #tpu.memory_space<vmem>>
            %dma_start3A_475 = arith.constant 0 : i32
            %dma_start3A_476 = tpu.memref_slice %arg3[%squeeze3A_451, %dma_start3A_475] : memref<1000000x64xf32, #tpu.memory_space<hbm>> -> memref<1x64xf32, #tpu.memory_space<hbm>>
            tpu.enqueue_dma source(%dma_start3A_476 : memref<1x64xf32, #tpu.memory_space<hbm>>) target(%dma_start3A_474 : memref<1x64xf32, #tpu.memory_space<vmem>>) target_semaphore(%arg11 : memref<!tpu.dma_semaphore, #tpu.memory_space<semaphore_mem>>)
            %slice3A_477 = vector.extract_strided_slice %get3A_122 {offsets = [13], sizes = [1], strides = [1]} : vector<16xi32> to vector<1xi32>
            %squeeze3A_478 = vector.extract %slice3A_477[0] : i32 from vector<1xi32>
            %slice3A_479 = vector.extract_strided_slice %get3A_125 {offsets = [13], sizes = [1], strides = [1]} : vector<16xi32> to vector<1xi32>
            %squeeze3A_480 = vector.extract %slice3A_479[0] : i32 from vector<1xi32>
            %add3A_481 = arith.constant 16 : i32
            %add3A_482 = arith.addi %add3A_481, %squeeze3A_480 : i32
            %mul3A_483 = arith.constant 8 : i32
            %mul3A_484 = arith.muli %add3A_108, %mul3A_483 : i32
            %sub3A_485 = arith.subi %add3A_482, %mul3A_484 : i32
            %slice3A_486 = vector.extract_strided_slice %get3A_128 {offsets = [13], sizes = [1], strides = [1]} : vector<16xi32> to vector<1xi32>
            %squeeze3A_487 = vector.extract %slice3A_486[0] : i32 from vector<1xi32>
            %dma_start3A_488 = arith.constant 0 : i32
            %dma_start3A_489 = arith.constant 0 : i32
            %dma_start3A_490 = tpu.memref_slice %arg8[%sub3A_485, %dma_start3A_488, %dma_start3A_489] : memref<24x26x64xf32, #tpu.memory_space<vmem>> -> memref<1x26x64xf32, #tpu.memory_space<vmem>>
            %dma_start3A_491 = tpu.memref_squeeze %dma_start3A_490 : memref<1x26x64xf32, #tpu.memory_space<vmem>> -> memref<26x64xf32, #tpu.memory_space<vmem>>
            %dma_start3A_492 = arith.constant 0 : i32
            %dma_start3A_493 = tpu.memref_slice %dma_start3A_491[%squeeze3A_487, %dma_start3A_492] : memref<26x64xf32, #tpu.memory_space<vmem>> -> memref<1x64xf32, #tpu.memory_space<vmem>>
            %dma_start3A_494 = arith.constant 0 : i32
            %dma_start3A_495 = tpu.memref_slice %arg3[%squeeze3A_478, %dma_start3A_494] : memref<1000000x64xf32, #tpu.memory_space<hbm>> -> memref<1x64xf32, #tpu.memory_space<hbm>>
            %dma_start3A_496 = arith.constant 0 : i32
            %dma_start3A_497 = arith.constant 0 : i32
            %dma_start3A_498 = tpu.memref_slice %arg8[%sub3A_485, %dma_start3A_496, %dma_start3A_497] : memref<24x26x64xf32, #tpu.memory_space<vmem>> -> memref<1x26x64xf32, #tpu.memory_space<vmem>>
            %dma_start3A_499 = tpu.memref_squeeze %dma_start3A_498 : memref<1x26x64xf32, #tpu.memory_space<vmem>> -> memref<26x64xf32, #tpu.memory_space<vmem>>
            %dma_start3A_500 = arith.constant 0 : i32
            %dma_start3A_501 = tpu.memref_slice %dma_start3A_499[%squeeze3A_487, %dma_start3A_500] : memref<26x64xf32, #tpu.memory_space<vmem>> -> memref<1x64xf32, #tpu.memory_space<vmem>>
            %dma_start3A_502 = arith.constant 0 : i32
            %dma_start3A_503 = tpu.memref_slice %arg3[%squeeze3A_478, %dma_start3A_502] : memref<1000000x64xf32, #tpu.memory_space<hbm>> -> memref<1x64xf32, #tpu.memory_space<hbm>>
            tpu.enqueue_dma source(%dma_start3A_503 : memref<1x64xf32, #tpu.memory_space<hbm>>) target(%dma_start3A_501 : memref<1x64xf32, #tpu.memory_space<vmem>>) target_semaphore(%arg11 : memref<!tpu.dma_semaphore, #tpu.memory_space<semaphore_mem>>)
            %slice3A_504 = vector.extract_strided_slice %get3A_122 {offsets = [14], sizes = [1], strides = [1]} : vector<16xi32> to vector<1xi32>
            %squeeze3A_505 = vector.extract %slice3A_504[0] : i32 from vector<1xi32>
            %slice3A_506 = vector.extract_strided_slice %get3A_125 {offsets = [14], sizes = [1], strides = [1]} : vector<16xi32> to vector<1xi32>
            %squeeze3A_507 = vector.extract %slice3A_506[0] : i32 from vector<1xi32>
            %add3A_508 = arith.constant 16 : i32
            %add3A_509 = arith.addi %add3A_508, %squeeze3A_507 : i32
            %mul3A_510 = arith.constant 8 : i32
            %mul3A_511 = arith.muli %add3A_108, %mul3A_510 : i32
            %sub3A_512 = arith.subi %add3A_509, %mul3A_511 : i32
            %slice3A_513 = vector.extract_strided_slice %get3A_128 {offsets = [14], sizes = [1], strides = [1]} : vector<16xi32> to vector<1xi32>
            %squeeze3A_514 = vector.extract %slice3A_513[0] : i32 from vector<1xi32>
            %dma_start3A_515 = arith.constant 0 : i32
            %dma_start3A_516 = arith.constant 0 : i32
            %dma_start3A_517 = tpu.memref_slice %arg8[%sub3A_512, %dma_start3A_515, %dma_start3A_516] : memref<24x26x64xf32, #tpu.memory_space<vmem>> -> memref<1x26x64xf32, #tpu.memory_space<vmem>>
            %dma_start3A_518 = tpu.memref_squeeze %dma_start3A_517 : memref<1x26x64xf32, #tpu.memory_space<vmem>> -> memref<26x64xf32, #tpu.memory_space<vmem>>
            %dma_start3A_519 = arith.constant 0 : i32
            %dma_start3A_520 = tpu.memref_slice %dma_start3A_518[%squeeze3A_514, %dma_start3A_519] : memref<26x64xf32, #tpu.memory_space<vmem>> -> memref<1x64xf32, #tpu.memory_space<vmem>>
            %dma_start3A_521 = arith.constant 0 : i32
            %dma_start3A_522 = tpu.memref_slice %arg3[%squeeze3A_505, %dma_start3A_521] : memref<1000000x64xf32, #tpu.memory_space<hbm>> -> memref<1x64xf32, #tpu.memory_space<hbm>>
            %dma_start3A_523 = arith.constant 0 : i32
            %dma_start3A_524 = arith.constant 0 : i32
            %dma_start3A_525 = tpu.memref_slice %arg8[%sub3A_512, %dma_start3A_523, %dma_start3A_524] : memref<24x26x64xf32, #tpu.memory_space<vmem>> -> memref<1x26x64xf32, #tpu.memory_space<vmem>>
            %dma_start3A_526 = tpu.memref_squeeze %dma_start3A_525 : memref<1x26x64xf32, #tpu.memory_space<vmem>> -> memref<26x64xf32, #tpu.memory_space<vmem>>
            %dma_start3A_527 = arith.constant 0 : i32
            %dma_start3A_528 = tpu.memref_slice %dma_start3A_526[%squeeze3A_514, %dma_start3A_527] : memref<26x64xf32, #tpu.memory_space<vmem>> -> memref<1x64xf32, #tpu.memory_space<vmem>>
            %dma_start3A_529 = arith.constant 0 : i32
            %dma_start3A_530 = tpu.memref_slice %arg3[%squeeze3A_505, %dma_start3A_529] : memref<1000000x64xf32, #tpu.memory_space<hbm>> -> memref<1x64xf32, #tpu.memory_space<hbm>>
            tpu.enqueue_dma source(%dma_start3A_530 : memref<1x64xf32, #tpu.memory_space<hbm>>) target(%dma_start3A_528 : memref<1x64xf32, #tpu.memory_space<vmem>>) target_semaphore(%arg11 : memref<!tpu.dma_semaphore, #tpu.memory_space<semaphore_mem>>)
            %slice3A_531 = vector.extract_strided_slice %get3A_122 {offsets = [15], sizes = [1], strides = [1]} : vector<16xi32> to vector<1xi32>
            %squeeze3A_532 = vector.extract %slice3A_531[0] : i32 from vector<1xi32>
            %slice3A_533 = vector.extract_strided_slice %get3A_125 {offsets = [15], sizes = [1], strides = [1]} : vector<16xi32> to vector<1xi32>
            %squeeze3A_534 = vector.extract %slice3A_533[0] : i32 from vector<1xi32>
            %add3A_535 = arith.constant 16 : i32
            %add3A_536 = arith.addi %add3A_535, %squeeze3A_534 : i32
            %mul3A_537 = arith.constant 8 : i32
            %mul3A_538 = arith.muli %add3A_108, %mul3A_537 : i32
            %sub3A_539 = arith.subi %add3A_536, %mul3A_538 : i32
            %slice3A_540 = vector.extract_strided_slice %get3A_128 {offsets = [15], sizes = [1], strides = [1]} : vector<16xi32> to vector<1xi32>
            %squeeze3A_541 = vector.extract %slice3A_540[0] : i32 from vector<1xi32>
            %dma_start3A_542 = arith.constant 0 : i32
            %dma_start3A_543 = arith.constant 0 : i32
            %dma_start3A_544 = tpu.memref_slice %arg8[%sub3A_539, %dma_start3A_542, %dma_start3A_543] : memref<24x26x64xf32, #tpu.memory_space<vmem>> -> memref<1x26x64xf32, #tpu.memory_space<vmem>>
            %dma_start3A_545 = tpu.memref_squeeze %dma_start3A_544 : memref<1x26x64xf32, #tpu.memory_space<vmem>> -> memref<26x64xf32, #tpu.memory_space<vmem>>
            %dma_start3A_546 = arith.constant 0 : i32
            %dma_start3A_547 = tpu.memref_slice %dma_start3A_545[%squeeze3A_541, %dma_start3A_546] : memref<26x64xf32, #tpu.memory_space<vmem>> -> memref<1x64xf32, #tpu.memory_space<vmem>>
            %dma_start3A_548 = arith.constant 0 : i32
            %dma_start3A_549 = tpu.memref_slice %arg3[%squeeze3A_532, %dma_start3A_548] : memref<1000000x64xf32, #tpu.memory_space<hbm>> -> memref<1x64xf32, #tpu.memory_space<hbm>>
            %dma_start3A_550 = arith.constant 0 : i32
            %dma_start3A_551 = arith.constant 0 : i32
            %dma_start3A_552 = tpu.memref_slice %arg8[%sub3A_539, %dma_start3A_550, %dma_start3A_551] : memref<24x26x64xf32, #tpu.memory_space<vmem>> -> memref<1x26x64xf32, #tpu.memory_space<vmem>>
            %dma_start3A_553 = tpu.memref_squeeze %dma_start3A_552 : memref<1x26x64xf32, #tpu.memory_space<vmem>> -> memref<26x64xf32, #tpu.memory_space<vmem>>
            %dma_start3A_554 = arith.constant 0 : i32
            %dma_start3A_555 = tpu.memref_slice %dma_start3A_553[%squeeze3A_541, %dma_start3A_554] : memref<26x64xf32, #tpu.memory_space<vmem>> -> memref<1x64xf32, #tpu.memory_space<vmem>>
            %dma_start3A_556 = arith.constant 0 : i32
            %dma_start3A_557 = tpu.memref_slice %arg3[%squeeze3A_532, %dma_start3A_556] : memref<1000000x64xf32, #tpu.memory_space<hbm>> -> memref<1x64xf32, #tpu.memory_space<hbm>>
            tpu.enqueue_dma source(%dma_start3A_557 : memref<1x64xf32, #tpu.memory_space<hbm>>) target(%dma_start3A_555 : memref<1x64xf32, #tpu.memory_space<vmem>>) target_semaphore(%arg11 : memref<!tpu.dma_semaphore, #tpu.memory_space<semaphore_mem>>)
          }
          %scan3A_114 = arith.constant 13 : i32
        } else {
        }
        %dma_wait3A_75 = arith.constant 8 : i32
        %dma_wait3A_76 = arith.constant 0 : i32
        %dma_wait3A_77 = arith.constant 0 : i32
        %dma_wait3A_78 = tpu.memref_slice %arg8[%dma_wait3A_75, %dma_wait3A_76, %dma_wait3A_77] : memref<24x26x64xf32, #tpu.memory_space<vmem>> -> memref<8x26x64xf32, #tpu.memory_space<vmem>>
        %dma_wait3A_79 = arith.constant 0 : i32
        %dma_wait3A_80 = arith.constant 0 : i32
        %dma_wait3A_81 = arith.constant 0 : i32
        %dma_wait3A_82 = tpu.memref_slice %arg4[%dma_wait3A_79, %dma_wait3A_80, %dma_wait3A_81] : memref<4096x26x64xf32, #tpu.memory_space<hbm>> -> memref<8x26x64xf32, #tpu.memory_space<hbm>>
        %dma_wait3A_83 = arith.constant 8 : i32
        %dma_wait3A_84 = arith.constant 0 : i32
        %dma_wait3A_85 = arith.constant 0 : i32
        %dma_wait3A_86 = tpu.memref_slice %arg8[%dma_wait3A_83, %dma_wait3A_84, %dma_wait3A_85] : memref<24x26x64xf32, #tpu.memory_space<vmem>> -> memref<8x26x64xf32, #tpu.memory_space<vmem>>
        %dma_wait3A_87 = arith.constant 0 : i32
        %dma_wait3A_88 = arith.constant 0 : i32
        %dma_wait3A_89 = arith.constant 0 : i32
        %dma_wait3A_90 = tpu.memref_slice %arg4[%dma_wait3A_87, %dma_wait3A_88, %dma_wait3A_89] : memref<4096x26x64xf32, #tpu.memory_space<hbm>> -> memref<8x26x64xf32, #tpu.memory_space<hbm>>
        tpu.wait_dma2 semaphore(%arg10 : memref<!tpu.dma_semaphore, #tpu.memory_space<semaphore_mem>>) src(%dma_wait3A_90 : memref<8x26x64xf32, #tpu.memory_space<hbm>>) dst(%dma_wait3A_86 : memref<8x26x64xf32, #tpu.memory_space<vmem>>)
        %mul3A_91 = arith.constant 8 : i32
        %mul3A_92 = arith.muli %scan3A_49, %mul3A_91 : i32
        %add3A_93 = arith.addi %mul3A_4, %mul3A_92 : i32
        %dma_start3A = arith.constant 8 : i32
        %dma_start3A_94 = arith.constant 0 : i32
        %dma_start3A_95 = arith.constant 0 : i32
        %dma_start3A_96 = tpu.memref_slice %arg8[%dma_start3A, %dma_start3A_94, %dma_start3A_95] : memref<24x26x64xf32, #tpu.memory_space<vmem>> -> memref<8x26x64xf32, #tpu.memory_space<vmem>>
        %dma_start3A_97 = arith.constant 0 : i32
        %dma_start3A_98 = arith.constant 0 : i32
        %dma_start3A_99 = tpu.memref_slice %arg4[%add3A_93, %dma_start3A_97, %dma_start3A_98] : memref<4096x26x64xf32, #tpu.memory_space<hbm>> -> memref<8x26x64xf32, #tpu.memory_space<hbm>>
        %dma_start3A_100 = arith.constant 0 : i32
        %dma_start3A_101 = arith.constant 0 : i32
        %dma_start3A_102 = tpu.memref_slice %arg4[%add3A_93, %dma_start3A_100, %dma_start3A_101] : memref<4096x26x64xf32, #tpu.memory_space<hbm>> -> memref<8x26x64xf32, #tpu.memory_space<hbm>>
        %dma_start3A_103 = arith.constant 8 : i32
        %dma_start3A_104 = arith.constant 0 : i32
        %dma_start3A_105 = arith.constant 0 : i32
        %dma_start3A_106 = tpu.memref_slice %arg8[%dma_start3A_103, %dma_start3A_104, %dma_start3A_105] : memref<24x26x64xf32, #tpu.memory_space<vmem>> -> memref<8x26x64xf32, #tpu.memory_space<vmem>>
        tpu.enqueue_dma source(%dma_start3A_106 : memref<8x26x64xf32, #tpu.memory_space<vmem>>) target(%dma_start3A_102 : memref<8x26x64xf32, #tpu.memory_space<hbm>>) target_semaphore(%arg13 : memref<!tpu.dma_semaphore, #tpu.memory_space<semaphore_mem>>)
      } else {
      }
      %rem3A_60 = arith.constant 3 : i32
      %rem3A_61 = arith.remsi %scan3A_49, %rem3A_60 : i32
      %eq3A_62 = arith.constant 2 : i32
      %eq3A_63 = arith.cmpi eq, %rem3A_61, %eq3A_62 : i32
      %convert_element_type3A_64 = arith.extui %eq3A_63 : i1 to i32
      %cond3A_65 = arith.constant 0 : i32
      %cond3A_66 = arith.cmpi ne, %convert_element_type3A_64, %cond3A_65 : i32
      scf.if %cond3A_66 {
        %ge3A = arith.constant 2 : i32
        %ge3A_67 = arith.cmpi sge, %scan3A_49, %ge3A : i32
        %convert_element_type3A_68 = arith.extui %ge3A_67 : i1 to i32
        %cond3A_69 = arith.constant 0 : i32
        %cond3A_70 = arith.cmpi ne, %convert_element_type3A_68, %cond3A_69 : i32
        scf.if %cond3A_70 {
          %dma_wait3A_107 = arith.constant 0 : i32
          %dma_wait3A_108 = arith.constant 0 : i32
          %dma_wait3A_109 = arith.constant 0 : i32
          %dma_wait3A_110 = tpu.memref_slice %arg8[%dma_wait3A_107, %dma_wait3A_108, %dma_wait3A_109] : memref<24x26x64xf32, #tpu.memory_space<vmem>> -> memref<8x26x64xf32, #tpu.memory_space<vmem>>
          %dma_wait3A_111 = arith.constant 0 : i32
          %dma_wait3A_112 = arith.constant 0 : i32
          %dma_wait3A_113 = tpu.memref_slice %arg4[%mul3A_4, %dma_wait3A_111, %dma_wait3A_112] : memref<4096x26x64xf32, #tpu.memory_space<hbm>> -> memref<8x26x64xf32, #tpu.memory_space<hbm>>
          %dma_wait3A_114 = arith.constant 0 : i32
          %dma_wait3A_115 = arith.constant 0 : i32
          %dma_wait3A_116 = tpu.memref_slice %arg4[%mul3A_4, %dma_wait3A_114, %dma_wait3A_115] : memref<4096x26x64xf32, #tpu.memory_space<hbm>> -> memref<8x26x64xf32, #tpu.memory_space<hbm>>
          %dma_wait3A_117 = arith.constant 0 : i32
          %dma_wait3A_118 = arith.constant 0 : i32
          %dma_wait3A_119 = arith.constant 0 : i32
          %dma_wait3A_120 = tpu.memref_slice %arg8[%dma_wait3A_117, %dma_wait3A_118, %dma_wait3A_119] : memref<24x26x64xf32, #tpu.memory_space<vmem>> -> memref<8x26x64xf32, #tpu.memory_space<vmem>>
          tpu.wait_dma2 semaphore(%arg12 : memref<!tpu.dma_semaphore, #tpu.memory_space<semaphore_mem>>) src(%dma_wait3A_120 : memref<8x26x64xf32, #tpu.memory_space<vmem>>) dst(%dma_wait3A_116 : memref<8x26x64xf32, #tpu.memory_space<hbm>>)
        } else {
        }
        %lt3A = arith.constant 15 : i32
        %lt3A_71 = arith.cmpi slt, %scan3A_49, %lt3A : i32
        %convert_element_type3A_72 = arith.extui %lt3A_71 : i1 to i32
        %cond3A_73 = arith.constant 0 : i32
        %cond3A_74 = arith.cmpi ne, %convert_element_type3A_72, %cond3A_73 : i32
        scf.if %cond3A_74 {
          %add3A_107 = arith.constant 1 : i32
          %add3A_108 = arith.addi %scan3A_49, %add3A_107 : i32
          %scan3A_109 = arith.constant 0 : i32
          %scan3A_110 = arith.constant 0 : i32
          %scan3A_111 = arith.constant 13 : i32
          %scan3A_112 = arith.addi %scan3A_110, %scan3A_111 : i32
          %scan3A_113 = arith.constant 1 : i32
          scf.for %scan3A_115 = %scan3A_110 to %scan3A_112 step %scan3A_113  : i32 {
            %mul3A_116 = arith.constant 208 : i32
            %mul3A_117 = arith.muli %add3A_108, %mul3A_116 : i32
            %mul3A_118 = arith.constant 16 : i32
            %mul3A_119 = arith.muli %scan3A_115, %mul3A_118 : i32
            %add3A_120 = arith.addi %mul3A_117, %mul3A_119 : i32
            %get3A = arith.index_cast %add3A_120 : i32 to index
            %get3A_121 = tpu.vector_load %arg5[%get3A] {strides = array<i32>} : memref<3328xi32, #tpu.memory_space<vmem>>, vector<16xi32>,
            %get3A_122 = vector.shape_cast %get3A_121 : vector<16xi32> to vector<16xi32>
            %get3A_123 = arith.index_cast %add3A_120 : i32 to index
            %get3A_124 = tpu.vector_load %arg6[%get3A_123] {strides = array<i32>} : memref<3328xi32, #tpu.memory_space<vmem>>, vector<16xi32>,
            %get3A_125 = vector.shape_cast %get3A_124 : vector<16xi32> to vector<16xi32>
            %get3A_126 = arith.index_cast %add3A_120 : i32 to index
            %get3A_127 = tpu.vector_load %arg7[%get3A_126] {strides = array<i32>} : memref<3328xi32, #tpu.memory_space<vmem>>, vector<16xi32>,
            %get3A_128 = vector.shape_cast %get3A_127 : vector<16xi32> to vector<16xi32>
            %slice3A = vector.extract_strided_slice %get3A_122 {offsets = [0], sizes = [1], strides = [1]} : vector<16xi32> to vector<1xi32>
            %squeeze3A = vector.extract %slice3A[0] : i32 from vector<1xi32>
            %slice3A_129 = vector.extract_strided_slice %get3A_125 {offsets = [0], sizes = [1], strides = [1]} : vector<16xi32> to vector<1xi32>
            %squeeze3A_130 = vector.extract %slice3A_129[0] : i32 from vector<1xi32>
            %add3A_131 = arith.constant 0 : i32
            %add3A_132 = arith.addi %add3A_131, %squeeze3A_130 : i32
            %mul3A_133 = arith.constant 8 : i32
            %mul3A_134 = arith.muli %add3A_108, %mul3A_133 : i32
            %sub3A = arith.subi %add3A_132, %mul3A_134 : i32
            %slice3A_135 = vector.extract_strided_slice %get3A_128 {offsets = [0], sizes = [1], strides = [1]} : vector<16xi32> to vector<1xi32>
            %squeeze3A_136 = vector.extract %slice3A_135[0] : i32 from vector<1xi32>
            %dma_start3A_137 = arith.constant 0 : i32
            %dma_start3A_138 = arith.constant 0 : i32
            %dma_start3A_139 = tpu.memref_slice %arg8[%sub3A, %dma_start3A_137, %dma_start3A_138] : memref<24x26x64xf32, #tpu.memory_space<vmem>> -> memref<1x26x64xf32, #tpu.memory_space<vmem>>
            %dma_start3A_140 = tpu.memref_squeeze %dma_start3A_139 : memref<1x26x64xf32, #tpu.memory_space<vmem>> -> memref<26x64xf32, #tpu.memory_space<vmem>>
            %dma_start3A_141 = arith.constant 0 : i32
            %dma_start3A_142 = tpu.memref_slice %dma_start3A_140[%squeeze3A_136, %dma_start3A_141] : memref<26x64xf32, #tpu.memory_space<vmem>> -> memref<1x64xf32, #tpu.memory_space<vmem>>
            %dma_start3A_143 = arith.constant 0 : i32
            %dma_start3A_144 = tpu.memref_slice %arg3[%squeeze3A, %dma_start3A_143] : memref<1000000x64xf32, #tpu.memory_space<hbm>> -> memref<1x64xf32, #tpu.memory_space<hbm>>
            %dma_start3A_145 = arith.constant 0 : i32
            %dma_start3A_146 = arith.constant 0 : i32
            %dma_start3A_147 = tpu.memref_slice %arg8[%sub3A, %dma_start3A_145, %dma_start3A_146] : memref<24x26x64xf32, #tpu.memory_space<vmem>> -> memref<1x26x64xf32, #tpu.memory_space<vmem>>
            %dma_start3A_148 = tpu.memref_squeeze %dma_start3A_147 : memref<1x26x64xf32, #tpu.memory_space<vmem>> -> memref<26x64xf32, #tpu.memory_space<vmem>>
            %dma_start3A_149 = arith.constant 0 : i32
            %dma_start3A_150 = tpu.memref_slice %dma_start3A_148[%squeeze3A_136, %dma_start3A_149] : memref<26x64xf32, #tpu.memory_space<vmem>> -> memref<1x64xf32, #tpu.memory_space<vmem>>
            %dma_start3A_151 = arith.constant 0 : i32
            %dma_start3A_152 = tpu.memref_slice %arg3[%squeeze3A, %dma_start3A_151] : memref<1000000x64xf32, #tpu.memory_space<hbm>> -> memref<1x64xf32, #tpu.memory_space<hbm>>
            tpu.enqueue_dma source(%dma_start3A_152 : memref<1x64xf32, #tpu.memory_space<hbm>>) target(%dma_start3A_150 : memref<1x64xf32, #tpu.memory_space<vmem>>) target_semaphore(%arg9 : memref<!tpu.dma_semaphore, #tpu.memory_space<semaphore_mem>>)
            %slice3A_153 = vector.extract_strided_slice %get3A_122 {offsets = [1], sizes = [1], strides = [1]} : vector<16xi32> to vector<1xi32>
            %squeeze3A_154 = vector.extract %slice3A_153[0] : i32 from vector<1xi32>
            %slice3A_155 = vector.extract_strided_slice %get3A_125 {offsets = [1], sizes = [1], strides = [1]} : vector<16xi32> to vector<1xi32>
            %squeeze3A_156 = vector.extract %slice3A_155[0] : i32 from vector<1xi32>
            %add3A_157 = arith.constant 0 : i32
            %add3A_158 = arith.addi %add3A_157, %squeeze3A_156 : i32
            %mul3A_159 = arith.constant 8 : i32
            %mul3A_160 = arith.muli %add3A_108, %mul3A_159 : i32
            %sub3A_161 = arith.subi %add3A_158, %mul3A_160 : i32
            %slice3A_162 = vector.extract_strided_slice %get3A_128 {offsets = [1], sizes = [1], strides = [1]} : vector<16xi32> to vector<1xi32>
            %squeeze3A_163 = vector.extract %slice3A_162[0] : i32 from vector<1xi32>
            %dma_start3A_164 = arith.constant 0 : i32
            %dma_start3A_165 = arith.constant 0 : i32
            %dma_start3A_166 = tpu.memref_slice %arg8[%sub3A_161, %dma_start3A_164, %dma_start3A_165] : memref<24x26x64xf32, #tpu.memory_space<vmem>> -> memref<1x26x64xf32, #tpu.memory_space<vmem>>
            %dma_start3A_167 = tpu.memref_squeeze %dma_start3A_166 : memref<1x26x64xf32, #tpu.memory_space<vmem>> -> memref<26x64xf32, #tpu.memory_space<vmem>>
            %dma_start3A_168 = arith.constant 0 : i32
            %dma_start3A_169 = tpu.memref_slice %dma_start3A_167[%squeeze3A_163, %dma_start3A_168] : memref<26x64xf32, #tpu.memory_space<vmem>> -> memref<1x64xf32, #tpu.memory_space<vmem>>
            %dma_start3A_170 = arith.constant 0 : i32
            %dma_start3A_171 = tpu.memref_slice %arg3[%squeeze3A_154, %dma_start3A_170] : memref<1000000x64xf32, #tpu.memory_space<hbm>> -> memref<1x64xf32, #tpu.memory_space<hbm>>
            %dma_start3A_172 = arith.constant 0 : i32
            %dma_start3A_173 = arith.constant 0 : i32
            %dma_start3A_174 = tpu.memref_slice %arg8[%sub3A_161, %dma_start3A_172, %dma_start3A_173] : memref<24x26x64xf32, #tpu.memory_space<vmem>> -> memref<1x26x64xf32, #tpu.memory_space<vmem>>
            %dma_start3A_175 = tpu.memref_squeeze %dma_start3A_174 : memref<1x26x64xf32, #tpu.memory_space<vmem>> -> memref<26x64xf32, #tpu.memory_space<vmem>>
            %dma_start3A_176 = arith.constant 0 : i32
            %dma_start3A_177 = tpu.memref_slice %dma_start3A_175[%squeeze3A_163, %dma_start3A_176] : memref<26x64xf32, #tpu.memory_space<vmem>> -> memref<1x64xf32, #tpu.memory_space<vmem>>
            %dma_start3A_178 = arith.constant 0 : i32
            %dma_start3A_179 = tpu.memref_slice %arg3[%squeeze3A_154, %dma_start3A_178] : memref<1000000x64xf32, #tpu.memory_space<hbm>> -> memref<1x64xf32, #tpu.memory_space<hbm>>
            tpu.enqueue_dma source(%dma_start3A_179 : memref<1x64xf32, #tpu.memory_space<hbm>>) target(%dma_start3A_177 : memref<1x64xf32, #tpu.memory_space<vmem>>) target_semaphore(%arg9 : memref<!tpu.dma_semaphore, #tpu.memory_space<semaphore_mem>>)
            %slice3A_180 = vector.extract_strided_slice %get3A_122 {offsets = [2], sizes = [1], strides = [1]} : vector<16xi32> to vector<1xi32>
            %squeeze3A_181 = vector.extract %slice3A_180[0] : i32 from vector<1xi32>
            %slice3A_182 = vector.extract_strided_slice %get3A_125 {offsets = [2], sizes = [1], strides = [1]} : vector<16xi32> to vector<1xi32>
            %squeeze3A_183 = vector.extract %slice3A_182[0] : i32 from vector<1xi32>
            %add3A_184 = arith.constant 0 : i32
            %add3A_185 = arith.addi %add3A_184, %squeeze3A_183 : i32
            %mul3A_186 = arith.constant 8 : i32
            %mul3A_187 = arith.muli %add3A_108, %mul3A_186 : i32
            %sub3A_188 = arith.subi %add3A_185, %mul3A_187 : i32
            %slice3A_189 = vector.extract_strided_slice %get3A_128 {offsets = [2], sizes = [1], strides = [1]} : vector<16xi32> to vector<1xi32>
            %squeeze3A_190 = vector.extract %slice3A_189[0] : i32 from vector<1xi32>
            %dma_start3A_191 = arith.constant 0 : i32
            %dma_start3A_192 = arith.constant 0 : i32
            %dma_start3A_193 = tpu.memref_slice %arg8[%sub3A_188, %dma_start3A_191, %dma_start3A_192] : memref<24x26x64xf32, #tpu.memory_space<vmem>> -> memref<1x26x64xf32, #tpu.memory_space<vmem>>
            %dma_start3A_194 = tpu.memref_squeeze %dma_start3A_193 : memref<1x26x64xf32, #tpu.memory_space<vmem>> -> memref<26x64xf32, #tpu.memory_space<vmem>>
            %dma_start3A_195 = arith.constant 0 : i32
            %dma_start3A_196 = tpu.memref_slice %dma_start3A_194[%squeeze3A_190, %dma_start3A_195] : memref<26x64xf32, #tpu.memory_space<vmem>> -> memref<1x64xf32, #tpu.memory_space<vmem>>
            %dma_start3A_197 = arith.constant 0 : i32
            %dma_start3A_198 = tpu.memref_slice %arg3[%squeeze3A_181, %dma_start3A_197] : memref<1000000x64xf32, #tpu.memory_space<hbm>> -> memref<1x64xf32, #tpu.memory_space<hbm>>
            %dma_start3A_199 = arith.constant 0 : i32
            %dma_start3A_200 = arith.constant 0 : i32
            %dma_start3A_201 = tpu.memref_slice %arg8[%sub3A_188, %dma_start3A_199, %dma_start3A_200] : memref<24x26x64xf32, #tpu.memory_space<vmem>> -> memref<1x26x64xf32, #tpu.memory_space<vmem>>
            %dma_start3A_202 = tpu.memref_squeeze %dma_start3A_201 : memref<1x26x64xf32, #tpu.memory_space<vmem>> -> memref<26x64xf32, #tpu.memory_space<vmem>>
            %dma_start3A_203 = arith.constant 0 : i32
            %dma_start3A_204 = tpu.memref_slice %dma_start3A_202[%squeeze3A_190, %dma_start3A_203] : memref<26x64xf32, #tpu.memory_space<vmem>> -> memref<1x64xf32, #tpu.memory_space<vmem>>
            %dma_start3A_205 = arith.constant 0 : i32
            %dma_start3A_206 = tpu.memref_slice %arg3[%squeeze3A_181, %dma_start3A_205] : memref<1000000x64xf32, #tpu.memory_space<hbm>> -> memref<1x64xf32, #tpu.memory_space<hbm>>
            tpu.enqueue_dma source(%dma_start3A_206 : memref<1x64xf32, #tpu.memory_space<hbm>>) target(%dma_start3A_204 : memref<1x64xf32, #tpu.memory_space<vmem>>) target_semaphore(%arg9 : memref<!tpu.dma_semaphore, #tpu.memory_space<semaphore_mem>>)
            %slice3A_207 = vector.extract_strided_slice %get3A_122 {offsets = [3], sizes = [1], strides = [1]} : vector<16xi32> to vector<1xi32>
            %squeeze3A_208 = vector.extract %slice3A_207[0] : i32 from vector<1xi32>
            %slice3A_209 = vector.extract_strided_slice %get3A_125 {offsets = [3], sizes = [1], strides = [1]} : vector<16xi32> to vector<1xi32>
            %squeeze3A_210 = vector.extract %slice3A_209[0] : i32 from vector<1xi32>
            %add3A_211 = arith.constant 0 : i32
            %add3A_212 = arith.addi %add3A_211, %squeeze3A_210 : i32
            %mul3A_213 = arith.constant 8 : i32
            %mul3A_214 = arith.muli %add3A_108, %mul3A_213 : i32
            %sub3A_215 = arith.subi %add3A_212, %mul3A_214 : i32
            %slice3A_216 = vector.extract_strided_slice %get3A_128 {offsets = [3], sizes = [1], strides = [1]} : vector<16xi32> to vector<1xi32>
            %squeeze3A_217 = vector.extract %slice3A_216[0] : i32 from vector<1xi32>
            %dma_start3A_218 = arith.constant 0 : i32
            %dma_start3A_219 = arith.constant 0 : i32
            %dma_start3A_220 = tpu.memref_slice %arg8[%sub3A_215, %dma_start3A_218, %dma_start3A_219] : memref<24x26x64xf32, #tpu.memory_space<vmem>> -> memref<1x26x64xf32, #tpu.memory_space<vmem>>
            %dma_start3A_221 = tpu.memref_squeeze %dma_start3A_220 : memref<1x26x64xf32, #tpu.memory_space<vmem>> -> memref<26x64xf32, #tpu.memory_space<vmem>>
            %dma_start3A_222 = arith.constant 0 : i32
            %dma_start3A_223 = tpu.memref_slice %dma_start3A_221[%squeeze3A_217, %dma_start3A_222] : memref<26x64xf32, #tpu.memory_space<vmem>> -> memref<1x64xf32, #tpu.memory_space<vmem>>
            %dma_start3A_224 = arith.constant 0 : i32
            %dma_start3A_225 = tpu.memref_slice %arg3[%squeeze3A_208, %dma_start3A_224] : memref<1000000x64xf32, #tpu.memory_space<hbm>> -> memref<1x64xf32, #tpu.memory_space<hbm>>
            %dma_start3A_226 = arith.constant 0 : i32
            %dma_start3A_227 = arith.constant 0 : i32
            %dma_start3A_228 = tpu.memref_slice %arg8[%sub3A_215, %dma_start3A_226, %dma_start3A_227] : memref<24x26x64xf32, #tpu.memory_space<vmem>> -> memref<1x26x64xf32, #tpu.memory_space<vmem>>
            %dma_start3A_229 = tpu.memref_squeeze %dma_start3A_228 : memref<1x26x64xf32, #tpu.memory_space<vmem>> -> memref<26x64xf32, #tpu.memory_space<vmem>>
            %dma_start3A_230 = arith.constant 0 : i32
            %dma_start3A_231 = tpu.memref_slice %dma_start3A_229[%squeeze3A_217, %dma_start3A_230] : memref<26x64xf32, #tpu.memory_space<vmem>> -> memref<1x64xf32, #tpu.memory_space<vmem>>
            %dma_start3A_232 = arith.constant 0 : i32
            %dma_start3A_233 = tpu.memref_slice %arg3[%squeeze3A_208, %dma_start3A_232] : memref<1000000x64xf32, #tpu.memory_space<hbm>> -> memref<1x64xf32, #tpu.memory_space<hbm>>
            tpu.enqueue_dma source(%dma_start3A_233 : memref<1x64xf32, #tpu.memory_space<hbm>>) target(%dma_start3A_231 : memref<1x64xf32, #tpu.memory_space<vmem>>) target_semaphore(%arg9 : memref<!tpu.dma_semaphore, #tpu.memory_space<semaphore_mem>>)
            %slice3A_234 = vector.extract_strided_slice %get3A_122 {offsets = [4], sizes = [1], strides = [1]} : vector<16xi32> to vector<1xi32>
            %squeeze3A_235 = vector.extract %slice3A_234[0] : i32 from vector<1xi32>
            %slice3A_236 = vector.extract_strided_slice %get3A_125 {offsets = [4], sizes = [1], strides = [1]} : vector<16xi32> to vector<1xi32>
            %squeeze3A_237 = vector.extract %slice3A_236[0] : i32 from vector<1xi32>
            %add3A_238 = arith.constant 0 : i32
            %add3A_239 = arith.addi %add3A_238, %squeeze3A_237 : i32
            %mul3A_240 = arith.constant 8 : i32
            %mul3A_241 = arith.muli %add3A_108, %mul3A_240 : i32
            %sub3A_242 = arith.subi %add3A_239, %mul3A_241 : i32
            %slice3A_243 = vector.extract_strided_slice %get3A_128 {offsets = [4], sizes = [1], strides = [1]} : vector<16xi32> to vector<1xi32>
            %squeeze3A_244 = vector.extract %slice3A_243[0] : i32 from vector<1xi32>
            %dma_start3A_245 = arith.constant 0 : i32
            %dma_start3A_246 = arith.constant 0 : i32
            %dma_start3A_247 = tpu.memref_slice %arg8[%sub3A_242, %dma_start3A_245, %dma_start3A_246] : memref<24x26x64xf32, #tpu.memory_space<vmem>> -> memref<1x26x64xf32, #tpu.memory_space<vmem>>
            %dma_start3A_248 = tpu.memref_squeeze %dma_start3A_247 : memref<1x26x64xf32, #tpu.memory_space<vmem>> -> memref<26x64xf32, #tpu.memory_space<vmem>>
            %dma_start3A_249 = arith.constant 0 : i32
            %dma_start3A_250 = tpu.memref_slice %dma_start3A_248[%squeeze3A_244, %dma_start3A_249] : memref<26x64xf32, #tpu.memory_space<vmem>> -> memref<1x64xf32, #tpu.memory_space<vmem>>
            %dma_start3A_251 = arith.constant 0 : i32
            %dma_start3A_252 = tpu.memref_slice %arg3[%squeeze3A_235, %dma_start3A_251] : memref<1000000x64xf32, #tpu.memory_space<hbm>> -> memref<1x64xf32, #tpu.memory_space<hbm>>
            %dma_start3A_253 = arith.constant 0 : i32
            %dma_start3A_254 = arith.constant 0 : i32
            %dma_start3A_255 = tpu.memref_slice %arg8[%sub3A_242, %dma_start3A_253, %dma_start3A_254] : memref<24x26x64xf32, #tpu.memory_space<vmem>> -> memref<1x26x64xf32, #tpu.memory_space<vmem>>
            %dma_start3A_256 = tpu.memref_squeeze %dma_start3A_255 : memref<1x26x64xf32, #tpu.memory_space<vmem>> -> memref<26x64xf32, #tpu.memory_space<vmem>>
            %dma_start3A_257 = arith.constant 0 : i32
            %dma_start3A_258 = tpu.memref_slice %dma_start3A_256[%squeeze3A_244, %dma_start3A_257] : memref<26x64xf32, #tpu.memory_space<vmem>> -> memref<1x64xf32, #tpu.memory_space<vmem>>
            %dma_start3A_259 = arith.constant 0 : i32
            %dma_start3A_260 = tpu.memref_slice %arg3[%squeeze3A_235, %dma_start3A_259] : memref<1000000x64xf32, #tpu.memory_space<hbm>> -> memref<1x64xf32, #tpu.memory_space<hbm>>
            tpu.enqueue_dma source(%dma_start3A_260 : memref<1x64xf32, #tpu.memory_space<hbm>>) target(%dma_start3A_258 : memref<1x64xf32, #tpu.memory_space<vmem>>) target_semaphore(%arg9 : memref<!tpu.dma_semaphore, #tpu.memory_space<semaphore_mem>>)
            %slice3A_261 = vector.extract_strided_slice %get3A_122 {offsets = [5], sizes = [1], strides = [1]} : vector<16xi32> to vector<1xi32>
            %squeeze3A_262 = vector.extract %slice3A_261[0] : i32 from vector<1xi32>
            %slice3A_263 = vector.extract_strided_slice %get3A_125 {offsets = [5], sizes = [1], strides = [1]} : vector<16xi32> to vector<1xi32>
            %squeeze3A_264 = vector.extract %slice3A_263[0] : i32 from vector<1xi32>
            %add3A_265 = arith.constant 0 : i32
            %add3A_266 = arith.addi %add3A_265, %squeeze3A_264 : i32
            %mul3A_267 = arith.constant 8 : i32
            %mul3A_268 = arith.muli %add3A_108, %mul3A_267 : i32
            %sub3A_269 = arith.subi %add3A_266, %mul3A_268 : i32
            %slice3A_270 = vector.extract_strided_slice %get3A_128 {offsets = [5], sizes = [1], strides = [1]} : vector<16xi32> to vector<1xi32>
            %squeeze3A_271 = vector.extract %slice3A_270[0] : i32 from vector<1xi32>
            %dma_start3A_272 = arith.constant 0 : i32
            %dma_start3A_273 = arith.constant 0 : i32
            %dma_start3A_274 = tpu.memref_slice %arg8[%sub3A_269, %dma_start3A_272, %dma_start3A_273] : memref<24x26x64xf32, #tpu.memory_space<vmem>> -> memref<1x26x64xf32, #tpu.memory_space<vmem>>
            %dma_start3A_275 = tpu.memref_squeeze %dma_start3A_274 : memref<1x26x64xf32, #tpu.memory_space<vmem>> -> memref<26x64xf32, #tpu.memory_space<vmem>>
            %dma_start3A_276 = arith.constant 0 : i32
            %dma_start3A_277 = tpu.memref_slice %dma_start3A_275[%squeeze3A_271, %dma_start3A_276] : memref<26x64xf32, #tpu.memory_space<vmem>> -> memref<1x64xf32, #tpu.memory_space<vmem>>
            %dma_start3A_278 = arith.constant 0 : i32
            %dma_start3A_279 = tpu.memref_slice %arg3[%squeeze3A_262, %dma_start3A_278] : memref<1000000x64xf32, #tpu.memory_space<hbm>> -> memref<1x64xf32, #tpu.memory_space<hbm>>
            %dma_start3A_280 = arith.constant 0 : i32
            %dma_start3A_281 = arith.constant 0 : i32
            %dma_start3A_282 = tpu.memref_slice %arg8[%sub3A_269, %dma_start3A_280, %dma_start3A_281] : memref<24x26x64xf32, #tpu.memory_space<vmem>> -> memref<1x26x64xf32, #tpu.memory_space<vmem>>
            %dma_start3A_283 = tpu.memref_squeeze %dma_start3A_282 : memref<1x26x64xf32, #tpu.memory_space<vmem>> -> memref<26x64xf32, #tpu.memory_space<vmem>>
            %dma_start3A_284 = arith.constant 0 : i32
            %dma_start3A_285 = tpu.memref_slice %dma_start3A_283[%squeeze3A_271, %dma_start3A_284] : memref<26x64xf32, #tpu.memory_space<vmem>> -> memref<1x64xf32, #tpu.memory_space<vmem>>
            %dma_start3A_286 = arith.constant 0 : i32
            %dma_start3A_287 = tpu.memref_slice %arg3[%squeeze3A_262, %dma_start3A_286] : memref<1000000x64xf32, #tpu.memory_space<hbm>> -> memref<1x64xf32, #tpu.memory_space<hbm>>
            tpu.enqueue_dma source(%dma_start3A_287 : memref<1x64xf32, #tpu.memory_space<hbm>>) target(%dma_start3A_285 : memref<1x64xf32, #tpu.memory_space<vmem>>) target_semaphore(%arg9 : memref<!tpu.dma_semaphore, #tpu.memory_space<semaphore_mem>>)
            %slice3A_288 = vector.extract_strided_slice %get3A_122 {offsets = [6], sizes = [1], strides = [1]} : vector<16xi32> to vector<1xi32>
            %squeeze3A_289 = vector.extract %slice3A_288[0] : i32 from vector<1xi32>
            %slice3A_290 = vector.extract_strided_slice %get3A_125 {offsets = [6], sizes = [1], strides = [1]} : vector<16xi32> to vector<1xi32>
            %squeeze3A_291 = vector.extract %slice3A_290[0] : i32 from vector<1xi32>
            %add3A_292 = arith.constant 0 : i32
            %add3A_293 = arith.addi %add3A_292, %squeeze3A_291 : i32
            %mul3A_294 = arith.constant 8 : i32
            %mul3A_295 = arith.muli %add3A_108, %mul3A_294 : i32
            %sub3A_296 = arith.subi %add3A_293, %mul3A_295 : i32
            %slice3A_297 = vector.extract_strided_slice %get3A_128 {offsets = [6], sizes = [1], strides = [1]} : vector<16xi32> to vector<1xi32>
            %squeeze3A_298 = vector.extract %slice3A_297[0] : i32 from vector<1xi32>
            %dma_start3A_299 = arith.constant 0 : i32
            %dma_start3A_300 = arith.constant 0 : i32
            %dma_start3A_301 = tpu.memref_slice %arg8[%sub3A_296, %dma_start3A_299, %dma_start3A_300] : memref<24x26x64xf32, #tpu.memory_space<vmem>> -> memref<1x26x64xf32, #tpu.memory_space<vmem>>
            %dma_start3A_302 = tpu.memref_squeeze %dma_start3A_301 : memref<1x26x64xf32, #tpu.memory_space<vmem>> -> memref<26x64xf32, #tpu.memory_space<vmem>>
            %dma_start3A_303 = arith.constant 0 : i32
            %dma_start3A_304 = tpu.memref_slice %dma_start3A_302[%squeeze3A_298, %dma_start3A_303] : memref<26x64xf32, #tpu.memory_space<vmem>> -> memref<1x64xf32, #tpu.memory_space<vmem>>
            %dma_start3A_305 = arith.constant 0 : i32
            %dma_start3A_306 = tpu.memref_slice %arg3[%squeeze3A_289, %dma_start3A_305] : memref<1000000x64xf32, #tpu.memory_space<hbm>> -> memref<1x64xf32, #tpu.memory_space<hbm>>
            %dma_start3A_307 = arith.constant 0 : i32
            %dma_start3A_308 = arith.constant 0 : i32
            %dma_start3A_309 = tpu.memref_slice %arg8[%sub3A_296, %dma_start3A_307, %dma_start3A_308] : memref<24x26x64xf32, #tpu.memory_space<vmem>> -> memref<1x26x64xf32, #tpu.memory_space<vmem>>
            %dma_start3A_310 = tpu.memref_squeeze %dma_start3A_309 : memref<1x26x64xf32, #tpu.memory_space<vmem>> -> memref<26x64xf32, #tpu.memory_space<vmem>>
            %dma_start3A_311 = arith.constant 0 : i32
            %dma_start3A_312 = tpu.memref_slice %dma_start3A_310[%squeeze3A_298, %dma_start3A_311] : memref<26x64xf32, #tpu.memory_space<vmem>> -> memref<1x64xf32, #tpu.memory_space<vmem>>
            %dma_start3A_313 = arith.constant 0 : i32
            %dma_start3A_314 = tpu.memref_slice %arg3[%squeeze3A_289, %dma_start3A_313] : memref<1000000x64xf32, #tpu.memory_space<hbm>> -> memref<1x64xf32, #tpu.memory_space<hbm>>
            tpu.enqueue_dma source(%dma_start3A_314 : memref<1x64xf32, #tpu.memory_space<hbm>>) target(%dma_start3A_312 : memref<1x64xf32, #tpu.memory_space<vmem>>) target_semaphore(%arg9 : memref<!tpu.dma_semaphore, #tpu.memory_space<semaphore_mem>>)
            %slice3A_315 = vector.extract_strided_slice %get3A_122 {offsets = [7], sizes = [1], strides = [1]} : vector<16xi32> to vector<1xi32>
            %squeeze3A_316 = vector.extract %slice3A_315[0] : i32 from vector<1xi32>
            %slice3A_317 = vector.extract_strided_slice %get3A_125 {offsets = [7], sizes = [1], strides = [1]} : vector<16xi32> to vector<1xi32>
            %squeeze3A_318 = vector.extract %slice3A_317[0] : i32 from vector<1xi32>
            %add3A_319 = arith.constant 0 : i32
            %add3A_320 = arith.addi %add3A_319, %squeeze3A_318 : i32
            %mul3A_321 = arith.constant 8 : i32
            %mul3A_322 = arith.muli %add3A_108, %mul3A_321 : i32
            %sub3A_323 = arith.subi %add3A_320, %mul3A_322 : i32
            %slice3A_324 = vector.extract_strided_slice %get3A_128 {offsets = [7], sizes = [1], strides = [1]} : vector<16xi32> to vector<1xi32>
            %squeeze3A_325 = vector.extract %slice3A_324[0] : i32 from vector<1xi32>
            %dma_start3A_326 = arith.constant 0 : i32
            %dma_start3A_327 = arith.constant 0 : i32
            %dma_start3A_328 = tpu.memref_slice %arg8[%sub3A_323, %dma_start3A_326, %dma_start3A_327] : memref<24x26x64xf32, #tpu.memory_space<vmem>> -> memref<1x26x64xf32, #tpu.memory_space<vmem>>
            %dma_start3A_329 = tpu.memref_squeeze %dma_start3A_328 : memref<1x26x64xf32, #tpu.memory_space<vmem>> -> memref<26x64xf32, #tpu.memory_space<vmem>>
            %dma_start3A_330 = arith.constant 0 : i32
            %dma_start3A_331 = tpu.memref_slice %dma_start3A_329[%squeeze3A_325, %dma_start3A_330] : memref<26x64xf32, #tpu.memory_space<vmem>> -> memref<1x64xf32, #tpu.memory_space<vmem>>
            %dma_start3A_332 = arith.constant 0 : i32
            %dma_start3A_333 = tpu.memref_slice %arg3[%squeeze3A_316, %dma_start3A_332] : memref<1000000x64xf32, #tpu.memory_space<hbm>> -> memref<1x64xf32, #tpu.memory_space<hbm>>
            %dma_start3A_334 = arith.constant 0 : i32
            %dma_start3A_335 = arith.constant 0 : i32
            %dma_start3A_336 = tpu.memref_slice %arg8[%sub3A_323, %dma_start3A_334, %dma_start3A_335] : memref<24x26x64xf32, #tpu.memory_space<vmem>> -> memref<1x26x64xf32, #tpu.memory_space<vmem>>
            %dma_start3A_337 = tpu.memref_squeeze %dma_start3A_336 : memref<1x26x64xf32, #tpu.memory_space<vmem>> -> memref<26x64xf32, #tpu.memory_space<vmem>>
            %dma_start3A_338 = arith.constant 0 : i32
            %dma_start3A_339 = tpu.memref_slice %dma_start3A_337[%squeeze3A_325, %dma_start3A_338] : memref<26x64xf32, #tpu.memory_space<vmem>> -> memref<1x64xf32, #tpu.memory_space<vmem>>
            %dma_start3A_340 = arith.constant 0 : i32
            %dma_start3A_341 = tpu.memref_slice %arg3[%squeeze3A_316, %dma_start3A_340] : memref<1000000x64xf32, #tpu.memory_space<hbm>> -> memref<1x64xf32, #tpu.memory_space<hbm>>
            tpu.enqueue_dma source(%dma_start3A_341 : memref<1x64xf32, #tpu.memory_space<hbm>>) target(%dma_start3A_339 : memref<1x64xf32, #tpu.memory_space<vmem>>) target_semaphore(%arg9 : memref<!tpu.dma_semaphore, #tpu.memory_space<semaphore_mem>>)
            %slice3A_342 = vector.extract_strided_slice %get3A_122 {offsets = [8], sizes = [1], strides = [1]} : vector<16xi32> to vector<1xi32>
            %squeeze3A_343 = vector.extract %slice3A_342[0] : i32 from vector<1xi32>
            %slice3A_344 = vector.extract_strided_slice %get3A_125 {offsets = [8], sizes = [1], strides = [1]} : vector<16xi32> to vector<1xi32>
            %squeeze3A_345 = vector.extract %slice3A_344[0] : i32 from vector<1xi32>
            %add3A_346 = arith.constant 0 : i32
            %add3A_347 = arith.addi %add3A_346, %squeeze3A_345 : i32
            %mul3A_348 = arith.constant 8 : i32
            %mul3A_349 = arith.muli %add3A_108, %mul3A_348 : i32
            %sub3A_350 = arith.subi %add3A_347, %mul3A_349 : i32
            %slice3A_351 = vector.extract_strided_slice %get3A_128 {offsets = [8], sizes = [1], strides = [1]} : vector<16xi32> to vector<1xi32>
            %squeeze3A_352 = vector.extract %slice3A_351[0] : i32 from vector<1xi32>
            %dma_start3A_353 = arith.constant 0 : i32
            %dma_start3A_354 = arith.constant 0 : i32
            %dma_start3A_355 = tpu.memref_slice %arg8[%sub3A_350, %dma_start3A_353, %dma_start3A_354] : memref<24x26x64xf32, #tpu.memory_space<vmem>> -> memref<1x26x64xf32, #tpu.memory_space<vmem>>
            %dma_start3A_356 = tpu.memref_squeeze %dma_start3A_355 : memref<1x26x64xf32, #tpu.memory_space<vmem>> -> memref<26x64xf32, #tpu.memory_space<vmem>>
            %dma_start3A_357 = arith.constant 0 : i32
            %dma_start3A_358 = tpu.memref_slice %dma_start3A_356[%squeeze3A_352, %dma_start3A_357] : memref<26x64xf32, #tpu.memory_space<vmem>> -> memref<1x64xf32, #tpu.memory_space<vmem>>
            %dma_start3A_359 = arith.constant 0 : i32
            %dma_start3A_360 = tpu.memref_slice %arg3[%squeeze3A_343, %dma_start3A_359] : memref<1000000x64xf32, #tpu.memory_space<hbm>> -> memref<1x64xf32, #tpu.memory_space<hbm>>
            %dma_start3A_361 = arith.constant 0 : i32
            %dma_start3A_362 = arith.constant 0 : i32
            %dma_start3A_363 = tpu.memref_slice %arg8[%sub3A_350, %dma_start3A_361, %dma_start3A_362] : memref<24x26x64xf32, #tpu.memory_space<vmem>> -> memref<1x26x64xf32, #tpu.memory_space<vmem>>
            %dma_start3A_364 = tpu.memref_squeeze %dma_start3A_363 : memref<1x26x64xf32, #tpu.memory_space<vmem>> -> memref<26x64xf32, #tpu.memory_space<vmem>>
            %dma_start3A_365 = arith.constant 0 : i32
            %dma_start3A_366 = tpu.memref_slice %dma_start3A_364[%squeeze3A_352, %dma_start3A_365] : memref<26x64xf32, #tpu.memory_space<vmem>> -> memref<1x64xf32, #tpu.memory_space<vmem>>
            %dma_start3A_367 = arith.constant 0 : i32
            %dma_start3A_368 = tpu.memref_slice %arg3[%squeeze3A_343, %dma_start3A_367] : memref<1000000x64xf32, #tpu.memory_space<hbm>> -> memref<1x64xf32, #tpu.memory_space<hbm>>
            tpu.enqueue_dma source(%dma_start3A_368 : memref<1x64xf32, #tpu.memory_space<hbm>>) target(%dma_start3A_366 : memref<1x64xf32, #tpu.memory_space<vmem>>) target_semaphore(%arg9 : memref<!tpu.dma_semaphore, #tpu.memory_space<semaphore_mem>>)
            %slice3A_369 = vector.extract_strided_slice %get3A_122 {offsets = [9], sizes = [1], strides = [1]} : vector<16xi32> to vector<1xi32>
            %squeeze3A_370 = vector.extract %slice3A_369[0] : i32 from vector<1xi32>
            %slice3A_371 = vector.extract_strided_slice %get3A_125 {offsets = [9], sizes = [1], strides = [1]} : vector<16xi32> to vector<1xi32>
            %squeeze3A_372 = vector.extract %slice3A_371[0] : i32 from vector<1xi32>
            %add3A_373 = arith.constant 0 : i32
            %add3A_374 = arith.addi %add3A_373, %squeeze3A_372 : i32
            %mul3A_375 = arith.constant 8 : i32
            %mul3A_376 = arith.muli %add3A_108, %mul3A_375 : i32
            %sub3A_377 = arith.subi %add3A_374, %mul3A_376 : i32
            %slice3A_378 = vector.extract_strided_slice %get3A_128 {offsets = [9], sizes = [1], strides = [1]} : vector<16xi32> to vector<1xi32>
            %squeeze3A_379 = vector.extract %slice3A_378[0] : i32 from vector<1xi32>
            %dma_start3A_380 = arith.constant 0 : i32
            %dma_start3A_381 = arith.constant 0 : i32
            %dma_start3A_382 = tpu.memref_slice %arg8[%sub3A_377, %dma_start3A_380, %dma_start3A_381] : memref<24x26x64xf32, #tpu.memory_space<vmem>> -> memref<1x26x64xf32, #tpu.memory_space<vmem>>
            %dma_start3A_383 = tpu.memref_squeeze %dma_start3A_382 : memref<1x26x64xf32, #tpu.memory_space<vmem>> -> memref<26x64xf32, #tpu.memory_space<vmem>>
            %dma_start3A_384 = arith.constant 0 : i32
            %dma_start3A_385 = tpu.memref_slice %dma_start3A_383[%squeeze3A_379, %dma_start3A_384] : memref<26x64xf32, #tpu.memory_space<vmem>> -> memref<1x64xf32, #tpu.memory_space<vmem>>
            %dma_start3A_386 = arith.constant 0 : i32
            %dma_start3A_387 = tpu.memref_slice %arg3[%squeeze3A_370, %dma_start3A_386] : memref<1000000x64xf32, #tpu.memory_space<hbm>> -> memref<1x64xf32, #tpu.memory_space<hbm>>
            %dma_start3A_388 = arith.constant 0 : i32
            %dma_start3A_389 = arith.constant 0 : i32
            %dma_start3A_390 = tpu.memref_slice %arg8[%sub3A_377, %dma_start3A_388, %dma_start3A_389] : memref<24x26x64xf32, #tpu.memory_space<vmem>> -> memref<1x26x64xf32, #tpu.memory_space<vmem>>
            %dma_start3A_391 = tpu.memref_squeeze %dma_start3A_390 : memref<1x26x64xf32, #tpu.memory_space<vmem>> -> memref<26x64xf32, #tpu.memory_space<vmem>>
            %dma_start3A_392 = arith.constant 0 : i32
            %dma_start3A_393 = tpu.memref_slice %dma_start3A_391[%squeeze3A_379, %dma_start3A_392] : memref<26x64xf32, #tpu.memory_space<vmem>> -> memref<1x64xf32, #tpu.memory_space<vmem>>
            %dma_start3A_394 = arith.constant 0 : i32
            %dma_start3A_395 = tpu.memref_slice %arg3[%squeeze3A_370, %dma_start3A_394] : memref<1000000x64xf32, #tpu.memory_space<hbm>> -> memref<1x64xf32, #tpu.memory_space<hbm>>
            tpu.enqueue_dma source(%dma_start3A_395 : memref<1x64xf32, #tpu.memory_space<hbm>>) target(%dma_start3A_393 : memref<1x64xf32, #tpu.memory_space<vmem>>) target_semaphore(%arg9 : memref<!tpu.dma_semaphore, #tpu.memory_space<semaphore_mem>>)
            %slice3A_396 = vector.extract_strided_slice %get3A_122 {offsets = [10], sizes = [1], strides = [1]} : vector<16xi32> to vector<1xi32>
            %squeeze3A_397 = vector.extract %slice3A_396[0] : i32 from vector<1xi32>
            %slice3A_398 = vector.extract_strided_slice %get3A_125 {offsets = [10], sizes = [1], strides = [1]} : vector<16xi32> to vector<1xi32>
            %squeeze3A_399 = vector.extract %slice3A_398[0] : i32 from vector<1xi32>
            %add3A_400 = arith.constant 0 : i32
            %add3A_401 = arith.addi %add3A_400, %squeeze3A_399 : i32
            %mul3A_402 = arith.constant 8 : i32
            %mul3A_403 = arith.muli %add3A_108, %mul3A_402 : i32
            %sub3A_404 = arith.subi %add3A_401, %mul3A_403 : i32
            %slice3A_405 = vector.extract_strided_slice %get3A_128 {offsets = [10], sizes = [1], strides = [1]} : vector<16xi32> to vector<1xi32>
            %squeeze3A_406 = vector.extract %slice3A_405[0] : i32 from vector<1xi32>
            %dma_start3A_407 = arith.constant 0 : i32
            %dma_start3A_408 = arith.constant 0 : i32
            %dma_start3A_409 = tpu.memref_slice %arg8[%sub3A_404, %dma_start3A_407, %dma_start3A_408] : memref<24x26x64xf32, #tpu.memory_space<vmem>> -> memref<1x26x64xf32, #tpu.memory_space<vmem>>
            %dma_start3A_410 = tpu.memref_squeeze %dma_start3A_409 : memref<1x26x64xf32, #tpu.memory_space<vmem>> -> memref<26x64xf32, #tpu.memory_space<vmem>>
            %dma_start3A_411 = arith.constant 0 : i32
            %dma_start3A_412 = tpu.memref_slice %dma_start3A_410[%squeeze3A_406, %dma_start3A_411] : memref<26x64xf32, #tpu.memory_space<vmem>> -> memref<1x64xf32, #tpu.memory_space<vmem>>
            %dma_start3A_413 = arith.constant 0 : i32
            %dma_start3A_414 = tpu.memref_slice %arg3[%squeeze3A_397, %dma_start3A_413] : memref<1000000x64xf32, #tpu.memory_space<hbm>> -> memref<1x64xf32, #tpu.memory_space<hbm>>
            %dma_start3A_415 = arith.constant 0 : i32
            %dma_start3A_416 = arith.constant 0 : i32
            %dma_start3A_417 = tpu.memref_slice %arg8[%sub3A_404, %dma_start3A_415, %dma_start3A_416] : memref<24x26x64xf32, #tpu.memory_space<vmem>> -> memref<1x26x64xf32, #tpu.memory_space<vmem>>
            %dma_start3A_418 = tpu.memref_squeeze %dma_start3A_417 : memref<1x26x64xf32, #tpu.memory_space<vmem>> -> memref<26x64xf32, #tpu.memory_space<vmem>>
            %dma_start3A_419 = arith.constant 0 : i32
            %dma_start3A_420 = tpu.memref_slice %dma_start3A_418[%squeeze3A_406, %dma_start3A_419] : memref<26x64xf32, #tpu.memory_space<vmem>> -> memref<1x64xf32, #tpu.memory_space<vmem>>
            %dma_start3A_421 = arith.constant 0 : i32
            %dma_start3A_422 = tpu.memref_slice %arg3[%squeeze3A_397, %dma_start3A_421] : memref<1000000x64xf32, #tpu.memory_space<hbm>> -> memref<1x64xf32, #tpu.memory_space<hbm>>
            tpu.enqueue_dma source(%dma_start3A_422 : memref<1x64xf32, #tpu.memory_space<hbm>>) target(%dma_start3A_420 : memref<1x64xf32, #tpu.memory_space<vmem>>) target_semaphore(%arg9 : memref<!tpu.dma_semaphore, #tpu.memory_space<semaphore_mem>>)
            %slice3A_423 = vector.extract_strided_slice %get3A_122 {offsets = [11], sizes = [1], strides = [1]} : vector<16xi32> to vector<1xi32>
            %squeeze3A_424 = vector.extract %slice3A_423[0] : i32 from vector<1xi32>
            %slice3A_425 = vector.extract_strided_slice %get3A_125 {offsets = [11], sizes = [1], strides = [1]} : vector<16xi32> to vector<1xi32>
            %squeeze3A_426 = vector.extract %slice3A_425[0] : i32 from vector<1xi32>
            %add3A_427 = arith.constant 0 : i32
            %add3A_428 = arith.addi %add3A_427, %squeeze3A_426 : i32
            %mul3A_429 = arith.constant 8 : i32
            %mul3A_430 = arith.muli %add3A_108, %mul3A_429 : i32
            %sub3A_431 = arith.subi %add3A_428, %mul3A_430 : i32
            %slice3A_432 = vector.extract_strided_slice %get3A_128 {offsets = [11], sizes = [1], strides = [1]} : vector<16xi32> to vector<1xi32>
            %squeeze3A_433 = vector.extract %slice3A_432[0] : i32 from vector<1xi32>
            %dma_start3A_434 = arith.constant 0 : i32
            %dma_start3A_435 = arith.constant 0 : i32
            %dma_start3A_436 = tpu.memref_slice %arg8[%sub3A_431, %dma_start3A_434, %dma_start3A_435] : memref<24x26x64xf32, #tpu.memory_space<vmem>> -> memref<1x26x64xf32, #tpu.memory_space<vmem>>
            %dma_start3A_437 = tpu.memref_squeeze %dma_start3A_436 : memref<1x26x64xf32, #tpu.memory_space<vmem>> -> memref<26x64xf32, #tpu.memory_space<vmem>>
            %dma_start3A_438 = arith.constant 0 : i32
            %dma_start3A_439 = tpu.memref_slice %dma_start3A_437[%squeeze3A_433, %dma_start3A_438] : memref<26x64xf32, #tpu.memory_space<vmem>> -> memref<1x64xf32, #tpu.memory_space<vmem>>
            %dma_start3A_440 = arith.constant 0 : i32
            %dma_start3A_441 = tpu.memref_slice %arg3[%squeeze3A_424, %dma_start3A_440] : memref<1000000x64xf32, #tpu.memory_space<hbm>> -> memref<1x64xf32, #tpu.memory_space<hbm>>
            %dma_start3A_442 = arith.constant 0 : i32
            %dma_start3A_443 = arith.constant 0 : i32
            %dma_start3A_444 = tpu.memref_slice %arg8[%sub3A_431, %dma_start3A_442, %dma_start3A_443] : memref<24x26x64xf32, #tpu.memory_space<vmem>> -> memref<1x26x64xf32, #tpu.memory_space<vmem>>
            %dma_start3A_445 = tpu.memref_squeeze %dma_start3A_444 : memref<1x26x64xf32, #tpu.memory_space<vmem>> -> memref<26x64xf32, #tpu.memory_space<vmem>>
            %dma_start3A_446 = arith.constant 0 : i32
            %dma_start3A_447 = tpu.memref_slice %dma_start3A_445[%squeeze3A_433, %dma_start3A_446] : memref<26x64xf32, #tpu.memory_space<vmem>> -> memref<1x64xf32, #tpu.memory_space<vmem>>
            %dma_start3A_448 = arith.constant 0 : i32
            %dma_start3A_449 = tpu.memref_slice %arg3[%squeeze3A_424, %dma_start3A_448] : memref<1000000x64xf32, #tpu.memory_space<hbm>> -> memref<1x64xf32, #tpu.memory_space<hbm>>
            tpu.enqueue_dma source(%dma_start3A_449 : memref<1x64xf32, #tpu.memory_space<hbm>>) target(%dma_start3A_447 : memref<1x64xf32, #tpu.memory_space<vmem>>) target_semaphore(%arg9 : memref<!tpu.dma_semaphore, #tpu.memory_space<semaphore_mem>>)
            %slice3A_450 = vector.extract_strided_slice %get3A_122 {offsets = [12], sizes = [1], strides = [1]} : vector<16xi32> to vector<1xi32>
            %squeeze3A_451 = vector.extract %slice3A_450[0] : i32 from vector<1xi32>
            %slice3A_452 = vector.extract_strided_slice %get3A_125 {offsets = [12], sizes = [1], strides = [1]} : vector<16xi32> to vector<1xi32>
            %squeeze3A_453 = vector.extract %slice3A_452[0] : i32 from vector<1xi32>
            %add3A_454 = arith.constant 0 : i32
            %add3A_455 = arith.addi %add3A_454, %squeeze3A_453 : i32
            %mul3A_456 = arith.constant 8 : i32
            %mul3A_457 = arith.muli %add3A_108, %mul3A_456 : i32
            %sub3A_458 = arith.subi %add3A_455, %mul3A_457 : i32
            %slice3A_459 = vector.extract_strided_slice %get3A_128 {offsets = [12], sizes = [1], strides = [1]} : vector<16xi32> to vector<1xi32>
            %squeeze3A_460 = vector.extract %slice3A_459[0] : i32 from vector<1xi32>
            %dma_start3A_461 = arith.constant 0 : i32
            %dma_start3A_462 = arith.constant 0 : i32
            %dma_start3A_463 = tpu.memref_slice %arg8[%sub3A_458, %dma_start3A_461, %dma_start3A_462] : memref<24x26x64xf32, #tpu.memory_space<vmem>> -> memref<1x26x64xf32, #tpu.memory_space<vmem>>
            %dma_start3A_464 = tpu.memref_squeeze %dma_start3A_463 : memref<1x26x64xf32, #tpu.memory_space<vmem>> -> memref<26x64xf32, #tpu.memory_space<vmem>>
            %dma_start3A_465 = arith.constant 0 : i32
            %dma_start3A_466 = tpu.memref_slice %dma_start3A_464[%squeeze3A_460, %dma_start3A_465] : memref<26x64xf32, #tpu.memory_space<vmem>> -> memref<1x64xf32, #tpu.memory_space<vmem>>
            %dma_start3A_467 = arith.constant 0 : i32
            %dma_start3A_468 = tpu.memref_slice %arg3[%squeeze3A_451, %dma_start3A_467] : memref<1000000x64xf32, #tpu.memory_space<hbm>> -> memref<1x64xf32, #tpu.memory_space<hbm>>
            %dma_start3A_469 = arith.constant 0 : i32
            %dma_start3A_470 = arith.constant 0 : i32
            %dma_start3A_471 = tpu.memref_slice %arg8[%sub3A_458, %dma_start3A_469, %dma_start3A_470] : memref<24x26x64xf32, #tpu.memory_space<vmem>> -> memref<1x26x64xf32, #tpu.memory_space<vmem>>
            %dma_start3A_472 = tpu.memref_squeeze %dma_start3A_471 : memref<1x26x64xf32, #tpu.memory_space<vmem>> -> memref<26x64xf32, #tpu.memory_space<vmem>>
            %dma_start3A_473 = arith.constant 0 : i32
            %dma_start3A_474 = tpu.memref_slice %dma_start3A_472[%squeeze3A_460, %dma_start3A_473] : memref<26x64xf32, #tpu.memory_space<vmem>> -> memref<1x64xf32, #tpu.memory_space<vmem>>
            %dma_start3A_475 = arith.constant 0 : i32
            %dma_start3A_476 = tpu.memref_slice %arg3[%squeeze3A_451, %dma_start3A_475] : memref<1000000x64xf32, #tpu.memory_space<hbm>> -> memref<1x64xf32, #tpu.memory_space<hbm>>
            tpu.enqueue_dma source(%dma_start3A_476 : memref<1x64xf32, #tpu.memory_space<hbm>>) target(%dma_start3A_474 : memref<1x64xf32, #tpu.memory_space<vmem>>) target_semaphore(%arg9 : memref<!tpu.dma_semaphore, #tpu.memory_space<semaphore_mem>>)
            %slice3A_477 = vector.extract_strided_slice %get3A_122 {offsets = [13], sizes = [1], strides = [1]} : vector<16xi32> to vector<1xi32>
            %squeeze3A_478 = vector.extract %slice3A_477[0] : i32 from vector<1xi32>
            %slice3A_479 = vector.extract_strided_slice %get3A_125 {offsets = [13], sizes = [1], strides = [1]} : vector<16xi32> to vector<1xi32>
            %squeeze3A_480 = vector.extract %slice3A_479[0] : i32 from vector<1xi32>
            %add3A_481 = arith.constant 0 : i32
            %add3A_482 = arith.addi %add3A_481, %squeeze3A_480 : i32
            %mul3A_483 = arith.constant 8 : i32
            %mul3A_484 = arith.muli %add3A_108, %mul3A_483 : i32
            %sub3A_485 = arith.subi %add3A_482, %mul3A_484 : i32
            %slice3A_486 = vector.extract_strided_slice %get3A_128 {offsets = [13], sizes = [1], strides = [1]} : vector<16xi32> to vector<1xi32>
            %squeeze3A_487 = vector.extract %slice3A_486[0] : i32 from vector<1xi32>
            %dma_start3A_488 = arith.constant 0 : i32
            %dma_start3A_489 = arith.constant 0 : i32
            %dma_start3A_490 = tpu.memref_slice %arg8[%sub3A_485, %dma_start3A_488, %dma_start3A_489] : memref<24x26x64xf32, #tpu.memory_space<vmem>> -> memref<1x26x64xf32, #tpu.memory_space<vmem>>
            %dma_start3A_491 = tpu.memref_squeeze %dma_start3A_490 : memref<1x26x64xf32, #tpu.memory_space<vmem>> -> memref<26x64xf32, #tpu.memory_space<vmem>>
            %dma_start3A_492 = arith.constant 0 : i32
            %dma_start3A_493 = tpu.memref_slice %dma_start3A_491[%squeeze3A_487, %dma_start3A_492] : memref<26x64xf32, #tpu.memory_space<vmem>> -> memref<1x64xf32, #tpu.memory_space<vmem>>
            %dma_start3A_494 = arith.constant 0 : i32
            %dma_start3A_495 = tpu.memref_slice %arg3[%squeeze3A_478, %dma_start3A_494] : memref<1000000x64xf32, #tpu.memory_space<hbm>> -> memref<1x64xf32, #tpu.memory_space<hbm>>
            %dma_start3A_496 = arith.constant 0 : i32
            %dma_start3A_497 = arith.constant 0 : i32
            %dma_start3A_498 = tpu.memref_slice %arg8[%sub3A_485, %dma_start3A_496, %dma_start3A_497] : memref<24x26x64xf32, #tpu.memory_space<vmem>> -> memref<1x26x64xf32, #tpu.memory_space<vmem>>
            %dma_start3A_499 = tpu.memref_squeeze %dma_start3A_498 : memref<1x26x64xf32, #tpu.memory_space<vmem>> -> memref<26x64xf32, #tpu.memory_space<vmem>>
            %dma_start3A_500 = arith.constant 0 : i32
            %dma_start3A_501 = tpu.memref_slice %dma_start3A_499[%squeeze3A_487, %dma_start3A_500] : memref<26x64xf32, #tpu.memory_space<vmem>> -> memref<1x64xf32, #tpu.memory_space<vmem>>
            %dma_start3A_502 = arith.constant 0 : i32
            %dma_start3A_503 = tpu.memref_slice %arg3[%squeeze3A_478, %dma_start3A_502] : memref<1000000x64xf32, #tpu.memory_space<hbm>> -> memref<1x64xf32, #tpu.memory_space<hbm>>
            tpu.enqueue_dma source(%dma_start3A_503 : memref<1x64xf32, #tpu.memory_space<hbm>>) target(%dma_start3A_501 : memref<1x64xf32, #tpu.memory_space<vmem>>) target_semaphore(%arg9 : memref<!tpu.dma_semaphore, #tpu.memory_space<semaphore_mem>>)
            %slice3A_504 = vector.extract_strided_slice %get3A_122 {offsets = [14], sizes = [1], strides = [1]} : vector<16xi32> to vector<1xi32>
            %squeeze3A_505 = vector.extract %slice3A_504[0] : i32 from vector<1xi32>
            %slice3A_506 = vector.extract_strided_slice %get3A_125 {offsets = [14], sizes = [1], strides = [1]} : vector<16xi32> to vector<1xi32>
            %squeeze3A_507 = vector.extract %slice3A_506[0] : i32 from vector<1xi32>
            %add3A_508 = arith.constant 0 : i32
            %add3A_509 = arith.addi %add3A_508, %squeeze3A_507 : i32
            %mul3A_510 = arith.constant 8 : i32
            %mul3A_511 = arith.muli %add3A_108, %mul3A_510 : i32
            %sub3A_512 = arith.subi %add3A_509, %mul3A_511 : i32
            %slice3A_513 = vector.extract_strided_slice %get3A_128 {offsets = [14], sizes = [1], strides = [1]} : vector<16xi32> to vector<1xi32>
            %squeeze3A_514 = vector.extract %slice3A_513[0] : i32 from vector<1xi32>
            %dma_start3A_515 = arith.constant 0 : i32
            %dma_start3A_516 = arith.constant 0 : i32
            %dma_start3A_517 = tpu.memref_slice %arg8[%sub3A_512, %dma_start3A_515, %dma_start3A_516] : memref<24x26x64xf32, #tpu.memory_space<vmem>> -> memref<1x26x64xf32, #tpu.memory_space<vmem>>
            %dma_start3A_518 = tpu.memref_squeeze %dma_start3A_517 : memref<1x26x64xf32, #tpu.memory_space<vmem>> -> memref<26x64xf32, #tpu.memory_space<vmem>>
            %dma_start3A_519 = arith.constant 0 : i32
            %dma_start3A_520 = tpu.memref_slice %dma_start3A_518[%squeeze3A_514, %dma_start3A_519] : memref<26x64xf32, #tpu.memory_space<vmem>> -> memref<1x64xf32, #tpu.memory_space<vmem>>
            %dma_start3A_521 = arith.constant 0 : i32
            %dma_start3A_522 = tpu.memref_slice %arg3[%squeeze3A_505, %dma_start3A_521] : memref<1000000x64xf32, #tpu.memory_space<hbm>> -> memref<1x64xf32, #tpu.memory_space<hbm>>
            %dma_start3A_523 = arith.constant 0 : i32
            %dma_start3A_524 = arith.constant 0 : i32
            %dma_start3A_525 = tpu.memref_slice %arg8[%sub3A_512, %dma_start3A_523, %dma_start3A_524] : memref<24x26x64xf32, #tpu.memory_space<vmem>> -> memref<1x26x64xf32, #tpu.memory_space<vmem>>
            %dma_start3A_526 = tpu.memref_squeeze %dma_start3A_525 : memref<1x26x64xf32, #tpu.memory_space<vmem>> -> memref<26x64xf32, #tpu.memory_space<vmem>>
            %dma_start3A_527 = arith.constant 0 : i32
            %dma_start3A_528 = tpu.memref_slice %dma_start3A_526[%squeeze3A_514, %dma_start3A_527] : memref<26x64xf32, #tpu.memory_space<vmem>> -> memref<1x64xf32, #tpu.memory_space<vmem>>
            %dma_start3A_529 = arith.constant 0 : i32
            %dma_start3A_530 = tpu.memref_slice %arg3[%squeeze3A_505, %dma_start3A_529] : memref<1000000x64xf32, #tpu.memory_space<hbm>> -> memref<1x64xf32, #tpu.memory_space<hbm>>
            tpu.enqueue_dma source(%dma_start3A_530 : memref<1x64xf32, #tpu.memory_space<hbm>>) target(%dma_start3A_528 : memref<1x64xf32, #tpu.memory_space<vmem>>) target_semaphore(%arg9 : memref<!tpu.dma_semaphore, #tpu.memory_space<semaphore_mem>>)
            %slice3A_531 = vector.extract_strided_slice %get3A_122 {offsets = [15], sizes = [1], strides = [1]} : vector<16xi32> to vector<1xi32>
            %squeeze3A_532 = vector.extract %slice3A_531[0] : i32 from vector<1xi32>
            %slice3A_533 = vector.extract_strided_slice %get3A_125 {offsets = [15], sizes = [1], strides = [1]} : vector<16xi32> to vector<1xi32>
            %squeeze3A_534 = vector.extract %slice3A_533[0] : i32 from vector<1xi32>
            %add3A_535 = arith.constant 0 : i32
            %add3A_536 = arith.addi %add3A_535, %squeeze3A_534 : i32
            %mul3A_537 = arith.constant 8 : i32
            %mul3A_538 = arith.muli %add3A_108, %mul3A_537 : i32
            %sub3A_539 = arith.subi %add3A_536, %mul3A_538 : i32
            %slice3A_540 = vector.extract_strided_slice %get3A_128 {offsets = [15], sizes = [1], strides = [1]} : vector<16xi32> to vector<1xi32>
            %squeeze3A_541 = vector.extract %slice3A_540[0] : i32 from vector<1xi32>
            %dma_start3A_542 = arith.constant 0 : i32
            %dma_start3A_543 = arith.constant 0 : i32
            %dma_start3A_544 = tpu.memref_slice %arg8[%sub3A_539, %dma_start3A_542, %dma_start3A_543] : memref<24x26x64xf32, #tpu.memory_space<vmem>> -> memref<1x26x64xf32, #tpu.memory_space<vmem>>
            %dma_start3A_545 = tpu.memref_squeeze %dma_start3A_544 : memref<1x26x64xf32, #tpu.memory_space<vmem>> -> memref<26x64xf32, #tpu.memory_space<vmem>>
            %dma_start3A_546 = arith.constant 0 : i32
            %dma_start3A_547 = tpu.memref_slice %dma_start3A_545[%squeeze3A_541, %dma_start3A_546] : memref<26x64xf32, #tpu.memory_space<vmem>> -> memref<1x64xf32, #tpu.memory_space<vmem>>
            %dma_start3A_548 = arith.constant 0 : i32
            %dma_start3A_549 = tpu.memref_slice %arg3[%squeeze3A_532, %dma_start3A_548] : memref<1000000x64xf32, #tpu.memory_space<hbm>> -> memref<1x64xf32, #tpu.memory_space<hbm>>
            %dma_start3A_550 = arith.constant 0 : i32
            %dma_start3A_551 = arith.constant 0 : i32
            %dma_start3A_552 = tpu.memref_slice %arg8[%sub3A_539, %dma_start3A_550, %dma_start3A_551] : memref<24x26x64xf32, #tpu.memory_space<vmem>> -> memref<1x26x64xf32, #tpu.memory_space<vmem>>
            %dma_start3A_553 = tpu.memref_squeeze %dma_start3A_552 : memref<1x26x64xf32, #tpu.memory_space<vmem>> -> memref<26x64xf32, #tpu.memory_space<vmem>>
            %dma_start3A_554 = arith.constant 0 : i32
            %dma_start3A_555 = tpu.memref_slice %dma_start3A_553[%squeeze3A_541, %dma_start3A_554] : memref<26x64xf32, #tpu.memory_space<vmem>> -> memref<1x64xf32, #tpu.memory_space<vmem>>
            %dma_start3A_556 = arith.constant 0 : i32
            %dma_start3A_557 = tpu.memref_slice %arg3[%squeeze3A_532, %dma_start3A_556] : memref<1000000x64xf32, #tpu.memory_space<hbm>> -> memref<1x64xf32, #tpu.memory_space<hbm>>
            tpu.enqueue_dma source(%dma_start3A_557 : memref<1x64xf32, #tpu.memory_space<hbm>>) target(%dma_start3A_555 : memref<1x64xf32, #tpu.memory_space<vmem>>) target_semaphore(%arg9 : memref<!tpu.dma_semaphore, #tpu.memory_space<semaphore_mem>>)
          }
          %scan3A_114 = arith.constant 13 : i32
        } else {
        }
        %dma_wait3A_75 = arith.constant 16 : i32
        %dma_wait3A_76 = arith.constant 0 : i32
        %dma_wait3A_77 = arith.constant 0 : i32
        %dma_wait3A_78 = tpu.memref_slice %arg8[%dma_wait3A_75, %dma_wait3A_76, %dma_wait3A_77] : memref<24x26x64xf32, #tpu.memory_space<vmem>> -> memref<8x26x64xf32, #tpu.memory_space<vmem>>
        %dma_wait3A_79 = arith.constant 0 : i32
        %dma_wait3A_80 = arith.constant 0 : i32
        %dma_wait3A_81 = arith.constant 0 : i32
        %dma_wait3A_82 = tpu.memref_slice %arg4[%dma_wait3A_79, %dma_wait3A_80, %dma_wait3A_81] : memref<4096x26x64xf32, #tpu.memory_space<hbm>> -> memref<8x26x64xf32, #tpu.memory_space<hbm>>
        %dma_wait3A_83 = arith.constant 16 : i32
        %dma_wait3A_84 = arith.constant 0 : i32
        %dma_wait3A_85 = arith.constant 0 : i32
        %dma_wait3A_86 = tpu.memref_slice %arg8[%dma_wait3A_83, %dma_wait3A_84, %dma_wait3A_85] : memref<24x26x64xf32, #tpu.memory_space<vmem>> -> memref<8x26x64xf32, #tpu.memory_space<vmem>>
        %dma_wait3A_87 = arith.constant 0 : i32
        %dma_wait3A_88 = arith.constant 0 : i32
        %dma_wait3A_89 = arith.constant 0 : i32
        %dma_wait3A_90 = tpu.memref_slice %arg4[%dma_wait3A_87, %dma_wait3A_88, %dma_wait3A_89] : memref<4096x26x64xf32, #tpu.memory_space<hbm>> -> memref<8x26x64xf32, #tpu.memory_space<hbm>>
        tpu.wait_dma2 semaphore(%arg11 : memref<!tpu.dma_semaphore, #tpu.memory_space<semaphore_mem>>) src(%dma_wait3A_90 : memref<8x26x64xf32, #tpu.memory_space<hbm>>) dst(%dma_wait3A_86 : memref<8x26x64xf32, #tpu.memory_space<vmem>>)
        %mul3A_91 = arith.constant 8 : i32
        %mul3A_92 = arith.muli %scan3A_49, %mul3A_91 : i32
        %add3A_93 = arith.addi %mul3A_4, %mul3A_92 : i32
        %dma_start3A = arith.constant 16 : i32
        %dma_start3A_94 = arith.constant 0 : i32
        %dma_start3A_95 = arith.constant 0 : i32
        %dma_start3A_96 = tpu.memref_slice %arg8[%dma_start3A, %dma_start3A_94, %dma_start3A_95] : memref<24x26x64xf32, #tpu.memory_space<vmem>> -> memref<8x26x64xf32, #tpu.memory_space<vmem>>
        %dma_start3A_97 = arith.constant 0 : i32
        %dma_start3A_98 = arith.constant 0 : i32
        %dma_start3A_99 = tpu.memref_slice %arg4[%add3A_93, %dma_start3A_97, %dma_start3A_98] : memref<4096x26x64xf32, #tpu.memory_space<hbm>> -> memref<8x26x64xf32, #tpu.memory_space<hbm>>
        %dma_start3A_100 = arith.constant 0 : i32
        %dma_start3A_101 = arith.constant 0 : i32
        %dma_start3A_102 = tpu.memref_slice %arg4[%add3A_93, %dma_start3A_100, %dma_start3A_101] : memref<4096x26x64xf32, #tpu.memory_space<hbm>> -> memref<8x26x64xf32, #tpu.memory_space<hbm>>
        %dma_start3A_103 = arith.constant 16 : i32
        %dma_start3A_104 = arith.constant 0 : i32
        %dma_start3A_105 = arith.constant 0 : i32
        %dma_start3A_106 = tpu.memref_slice %arg8[%dma_start3A_103, %dma_start3A_104, %dma_start3A_105] : memref<24x26x64xf32, #tpu.memory_space<vmem>> -> memref<8x26x64xf32, #tpu.memory_space<vmem>>
        tpu.enqueue_dma source(%dma_start3A_106 : memref<8x26x64xf32, #tpu.memory_space<vmem>>) target(%dma_start3A_102 : memref<8x26x64xf32, #tpu.memory_space<hbm>>) target_semaphore(%arg14 : memref<!tpu.dma_semaphore, #tpu.memory_space<semaphore_mem>>)
      } else {
      }
    }
    %scan3A_21 = arith.constant 16 : i32
    %dma_wait3A = arith.constant 16 : i32
    %dma_wait3A_22 = arith.constant 0 : i32
    %dma_wait3A_23 = arith.constant 0 : i32
    %dma_wait3A_24 = tpu.memref_slice %arg8[%dma_wait3A, %dma_wait3A_22, %dma_wait3A_23] : memref<24x26x64xf32, #tpu.memory_space<vmem>> -> memref<8x26x64xf32, #tpu.memory_space<vmem>>
    %dma_wait3A_25 = arith.constant 0 : i32
    %dma_wait3A_26 = arith.constant 0 : i32
    %dma_wait3A_27 = tpu.memref_slice %arg4[%mul3A_4, %dma_wait3A_25, %dma_wait3A_26] : memref<4096x26x64xf32, #tpu.memory_space<hbm>> -> memref<8x26x64xf32, #tpu.memory_space<hbm>>
    %dma_wait3A_28 = arith.constant 0 : i32
    %dma_wait3A_29 = arith.constant 0 : i32
    %dma_wait3A_30 = tpu.memref_slice %arg4[%mul3A_4, %dma_wait3A_28, %dma_wait3A_29] : memref<4096x26x64xf32, #tpu.memory_space<hbm>> -> memref<8x26x64xf32, #tpu.memory_space<hbm>>
    %dma_wait3A_31 = arith.constant 16 : i32
    %dma_wait3A_32 = arith.constant 0 : i32
    %dma_wait3A_33 = arith.constant 0 : i32
    %dma_wait3A_34 = tpu.memref_slice %arg8[%dma_wait3A_31, %dma_wait3A_32, %dma_wait3A_33] : memref<24x26x64xf32, #tpu.memory_space<vmem>> -> memref<8x26x64xf32, #tpu.memory_space<vmem>>
    tpu.wait_dma2 semaphore(%arg14 : memref<!tpu.dma_semaphore, #tpu.memory_space<semaphore_mem>>) src(%dma_wait3A_34 : memref<8x26x64xf32, #tpu.memory_space<vmem>>) dst(%dma_wait3A_30 : memref<8x26x64xf32, #tpu.memory_space<hbm>>)
    %dma_wait3A_35 = arith.constant 0 : i32
    %dma_wait3A_36 = arith.constant 0 : i32
    %dma_wait3A_37 = arith.constant 0 : i32
    %dma_wait3A_38 = tpu.memref_slice %arg8[%dma_wait3A_35, %dma_wait3A_36, %dma_wait3A_37] : memref<24x26x64xf32, #tpu.memory_space<vmem>> -> memref<8x26x64xf32, #tpu.memory_space<vmem>>
    %dma_wait3A_39 = arith.constant 0 : i32
    %dma_wait3A_40 = arith.constant 0 : i32
    %dma_wait3A_41 = tpu.memref_slice %arg4[%mul3A_4, %dma_wait3A_39, %dma_wait3A_40] : memref<4096x26x64xf32, #tpu.memory_space<hbm>> -> memref<8x26x64xf32, #tpu.memory_space<hbm>>
    %dma_wait3A_42 = arith.constant 0 : i32
    %dma_wait3A_43 = arith.constant 0 : i32
    %dma_wait3A_44 = tpu.memref_slice %arg4[%mul3A_4, %dma_wait3A_42, %dma_wait3A_43] : memref<4096x26x64xf32, #tpu.memory_space<hbm>> -> memref<8x26x64xf32, #tpu.memory_space<hbm>>
    %dma_wait3A_45 = arith.constant 0 : i32
    %dma_wait3A_46 = arith.constant 0 : i32
    %dma_wait3A_47 = arith.constant 0 : i32
    %dma_wait3A_48 = tpu.memref_slice %arg8[%dma_wait3A_45, %dma_wait3A_46, %dma_wait3A_47] : memref<24x26x64xf32, #tpu.memory_space<vmem>> -> memref<8x26x64xf32, #tpu.memory_space<vmem>>
    tpu.wait_dma2 semaphore(%arg12 : memref<!tpu.dma_semaphore, #tpu.memory_space<semaphore_mem>>) src(%dma_wait3A_48 : memref<8x26x64xf32, #tpu.memory_space<vmem>>) dst(%dma_wait3A_44 : memref<8x26x64xf32, #tpu.memory_space<hbm>>)
    return
  }
}

</mosaic_0001>

<sc_bundles>
// kernel: kernel.3.cloned.1.call-start
scs
__scs_entry_jumppad:
0x0: {  	(pc) =	sbr.rel $0x88, $3  }
0x1: {  	(tag) =	ssettag $0x0;
	lr =	simm.s32 $0x1  }
0x2: {  	[smem:$0x3F9F] =	sst lr;
	_ =	strace $0xD0000000  }
0x3: {  	_ = 	snop  }
0x4: {  	_ = 	snop  }
0x5: {  	_ = 	snop  }
0x6: {  	_ = 	snop  }
0x7: {  	_ = 	snop  }
__scs_overlays_trampoline_lowered:
0x8: {  	[smem:$0x3FAE] =	sst s0  }
0x9: {  	[smem:$0x3FAF] =	sst s1  }
0xa: {  	[smem:$0x3FB0] =	sst s2  }
0xb: {  	[smem:$0x3FB1] =	sst s3  }
0xc: {  	[smem:$0x3FB2] =	sst s4  }
0xd: {  	[smem:$0x3FB3] =	sst s5  }
0xe: {  	[smem:$0x3FB4] =	sst s6  }
0xf: {  	[smem:$0x3FB5] =	sst s7  }
0x10: {  	[smem:$0x3FB6] =	sst s8  }
0x11: {  	[smem:$0x3FB7] =	sst s9;
	s0 =	simm.s32 @!p0 $0x0  }
0x12: {  	s1 =	sld [smem:$0x3F9D];
	s0 =	simm.s32 @p0 $0x1  }
0x13: {  	[smem:$0x3FB8] =	sst s0;
	s0 =	simm.s32 @!p1 $0x0  }
0x14: {  	s2 =	sld [smem:$0x3F9C];
	s0 =	simm.s32 @p1 $0x1  }
0x15: {  	[smem:$0x3FB9] =	sst s0;
	s0 =	simm.s32 @!p2 $0x0  }
0x16: {  	s3 =	sld [smem:$0x3FDB];
	s0 =	simm.s32 @p2 $0x1  }
0x17: {  	s4 =	simm.s32 $0x1BF5;
	[smem:$0x3FBB] =	sst s0  }
0x18: {  	s0 =	sld [smem:$0x3F9E];
	_ =	swait.ge [sflag:s4], $0x0  }
0x19: {  	s7 =	sld [smem:$0x3F9F]  }
0x1a: {  	s8 =	sadd.s32 $0xFFFFE003, lr  }
0x1b: {  	s9 =	sadd.s32 $0xFFFFFEF7, lr;
	s5 =	simm.s32 $0xFFFFFFFF;
	p2 =	slt.u32 s8, $0xFFFFF086  }
0x1c: {  	p1 =	slt.u32 s9, $0xF7A;
	s5 =	simm.s32 @!p2 $0x0  }
0x1d: {  	s5 =	simm.s32 @p1 $0x1;
	p0 =	seq.s32 s7, s2  }
0x1e: {  	s7 =	smul.u32 @!p0 $0xF7A, s2;
	p2 =	seq.s32 @!p0 s5, $0x0  }
0x1f: {  	s9 =	smul.u32 $0xF7A, s1;
	s8 =	simm.s32 @!p0 $0x1BF5;
	p2 =	por !p2, p0  }
0x20: {  	[sflag:s8] =	ssyncset.s32 @!p0 $0xFFFFF086;
	s6 =	sadd.s32 @!p0 s3, s7;
	s7 =	simm.s32 @!p0 $0x108  }
0x21: {  	s3 =	sadd.s32 s3, s9;
	s6 =	sadd.s32 @!p0 $0x88, s6;
	s7 =	simm.s32 @p2 $0x1082  }
0x22: {  	[simem:s7], [sflag:s8] =	dma.local @!p0 [hbm:s6], $0xF7A  }
0x23: {  	s9 =	sor.u32 $0xD0000000, s2;
	s6 =	simm.s32 $0x108;
	_ =	swait.ge @!p0 [sflag:s8], $0x0  }
0x24: {  	s3 =	sadd.s32 $0x88, s3;
	s6 =	simm.s32 @!p1 $0x1082;
	[sflag:s4] =	ssyncset.s32 $0xFFFFF086  }
0x25: {  	[simem:s6], [sflag:s4] =	dma.local [hbm:s3], $0xF7A  }
0x26: {  	[smem:$0x3F9F] =	sst s1;
	(tag) =	ssettag s2;
	_ =	strace s9  }
0x27: {  	s1 =	sld [smem:$0x3FAF]  }
0x28: {  	s2 =	sld [smem:$0x3FB0]  }
0x29: {  	s4 =	sld [smem:$0x3FB2]  }
0x2a: {  	p0 =	seq.s32 s5, $0x0;
	s5 =	sld [smem:$0x3FB3]  }
0x2b: {  	s6 =	sld [smem:$0x3FB4]  }
0x2c: {  	s7 =	sld [smem:$0x3FB5]  }
0x2d: {  	s3 =	simm.s32 $0x108;
	s8 =	sld [smem:$0x3FB6]  }
0x2e: {  	s3 =	simm.s32 @!p0 $0x1082;
	s9 =	sld [smem:$0x3FB7]  }
0x2f: {  	lr =	sadd.s32 s0, s3;
	s0 =	sld [smem:$0x3FAE]  }
0x30: {  	s3 =	sld [smem:$0x3FB1]  }
0x31: {  	[smem:$0x3FBA] =	sst s10  }
0x32: {  	s10 =	sld [smem:$0x3FB8];
	_ =	sdelay $0x3  }
0x33: {  	p0 =	seq.s32 s10, $0x1;
	s10 =	sld [smem:$0x3FBA];
	_ =	sdelay $0x3  }
0x34: {  	[smem:$0x3FBA] =	sst s10  }
0x35: {  	s10 =	sld [smem:$0x3FB9];
	_ =	sdelay $0x3  }
0x36: {  	p1 =	seq.s32 s10, $0x1;
	s10 =	sld [smem:$0x3FBA];
	_ =	sdelay $0x3  }
0x37: {  	[smem:$0x3FBA] =	sst s10  }
0x38: {  	s10 =	sld [smem:$0x3FBB]  }
0x39: {  	_ = 	snop;
	(pc) =	sbr.ind lr, $3  }
0x3a: {  	_ = 	snop  }
0x3b: {  	_ = 	snop  }
0x3c: {  	p2 =	seq.s32 s10, $0x1;
	s10 =	sld [smem:$0x3FBA]  }
0x3d: {  	_ =	shalt  }
0x3e: {  	_ =	shalt  }
0x3f: {  	_ =	shalt  }
0x40: {  	_ =	shalt  }
0x41: {  	_ =	shalt  }
0x42: {  	_ =	shalt  }
0x43: {  	_ =	shalt  }
0x44: {  	_ =	shalt  }
0x45: {  	_ =	shalt  }
0x46: {  	_ =	shalt  }
0x47: {  	_ =	shalt  }
0x48: {  	_ =	shalt  }
0x49: {  	_ =	shalt  }
0x4a: {  	_ =	shalt  }
0x4b: {  	_ =	shalt  }
0x4c: {  	_ =	shalt  }
0x4d: {  	_ =	shalt  }
0x4e: {  	_ =	shalt  }
0x4f: {  	_ =	shalt  }
0x50: {  	_ =	shalt  }
0x51: {  	_ =	shalt  }
0x52: {  	_ =	shalt  }
0x53: {  	_ =	shalt  }
0x54: {  	_ =	shalt  }
0x55: {  	_ =	shalt  }
0x56: {  	_ =	shalt  }
0x57: {  	_ =	shalt  }
0x58: {  	_ =	shalt  }
0x59: {  	_ =	shalt  }
0x5a: {  	_ =	shalt  }
0x5b: {  	_ =	shalt  }
0x5c: {  	_ =	shalt  }
0x5d: {  	_ =	shalt  }
0x5e: {  	_ =	shalt  }
0x5f: {  	_ =	shalt  }
0x60: {  	_ =	shalt  }
0x61: {  	_ =	shalt  }
0x62: {  	_ =	shalt  }
0x63: {  	_ =	shalt  }
0x64: {  	_ =	shalt  }
0x65: {  	_ =	shalt  }
0x66: {  	_ =	shalt  }
0x67: {  	_ =	shalt  }
0x68: {  	_ =	shalt  }
0x69: {  	_ =	shalt  }
0x6a: {  	_ =	shalt  }
0x6b: {  	_ =	shalt  }
0x6c: {  	_ =	shalt  }
0x6d: {  	_ =	shalt  }
0x6e: {  	_ =	shalt  }
0x6f: {  	_ =	shalt  }
0x70: {  	_ =	shalt  }
0x71: {  	_ =	shalt  }
0x72: {  	_ =	shalt  }
0x73: {  	_ =	shalt  }
0x74: {  	_ =	shalt  }
0x75: {  	_ =	shalt  }
0x76: {  	_ =	shalt  }
0x77: {  	_ =	shalt  }
0x78: {  	_ =	shalt  }
0x79: {  	_ =	shalt  }
0x7a: {  	_ =	shalt  }
0x7b: {  	_ =	shalt  }
0x7c: {  	_ =	shalt  }
0x7d: {  	_ =	shalt  }
0x7e: {  	_ =	shalt  }
0x7f: {  	_ =	shalt  }
0x80: {  	_ =	shalt  }
0x81: {  	_ =	shalt  }
0x82: {  	_ =	shalt  }
0x83: {  	_ =	shalt  }
0x84: {  	_ =	shalt  }
0x85: {  	_ =	shalt  }
0x86: {  	_ =	shalt  }
0x87: {  	_ =	shalt  }
.Lfunc_end0:
.L_simem_size_0:
called_computation_lowered:
.L_overlay_start_0:
0x88: {  	s2 =	sld [smem:$0x3FD9]  }
0x89: {  	s3 =	sld [smem:$0x3FFE];
	_ =	sdelay $0x1  }
0x8a: {  	s1 =	srdreg.scid  }
0x8b: {  	s0 =	sand.u32 $0x1, s1  }
0x8c: {  	s17 =	sshll.u32 s0, $0xA;
	s2 =	sadd.s32 s3, s2  }
0x8d: {  	s2 =	sadd.s32 s2, s17  }
0x8e: {  	[smem:$0x3FC6] =	sst s2  }
0x8f: {  	_ = 	snop  }
0x90: {  	s2 =	sld [smem:$0x3FD0];
	(tm) =	ssettm $0x1  }
0x91: {  	s18 =	sld [smem:$0x3FFB];
	_ =	sdelay $0x3  }
0x92: {  	_ =	strace s18  }
0x93: {  	s3 =	sld [smem:$0x3FFC];
	_ =	sdelay $0x3  }
0x94: {  	_ =	strace s3  }
0x95: {  	s3 =	sld [smem:$0x3FFD];
	_ =	sdelay $0x3  }
0x96: {  	_ =	strace s3  }
0x97: {  	_ =	strace $0x8FFFFFFF  }
0x98: {  	s19 =	sld [smem:$0x3FDB];
	_ =	sdelay $0x1  }
0x99: {  	s4 =	simm.s32 $_scs_section_size  }
0x9a: {  	s5 =	simm.s32 $_size__tile_overlayer_lowered;
	s6 =	simm.s32 $_tile_overlayer_lowered  }
0x9b: {  	s22 =	simm.s32 $0x1BFF;
	s21 =	sshll.u32 s6, $0x1;
	s3 =	sadd.s32 s4, s19  }
0x9c: {  	s7 =	simm.s32 $0x0;
	s20 =	sshll.u32 s5, $0x1;
	s5 =	sadd.s32 s21, s3  }
0x9d: {  	[timem:s7], [sflag:s22] =	dma.local [hbm:s5], s20  }
0x9e: {  	_ =	swait.ge [sflag:s22], s20  }
0x9f: {  	s4 =	ssub.s32 $0x0, s20;
	[sflag:s22] =	ssyncset.done $0x0  }
0xa0: {  	[sflag:s22] =	ssyncadd.s32 s4;
	_ =	sdelay $0x1  }
0xa1: {  	s23 =	simm.s32 $0x1B8B  }
0xa2: {  	_ =	swait.ge [sflag:s23], $0x1  }
0xa3: {  	[sflag:s23] =	ssyncset.done $0x0  }
0xa4: {  	s25 =	simm.s32 $0x1B8E;
	s24 =	sld [smem:$0x3FFE];
	[sflag:s23] =	ssyncadd.s32 $0xFFFFFFFF  }
0xa5: {  	s26 =	simm.s32 $execute0_lowered;
	[smem:$0x3FD2] =	sst s25  }
0xa6: {  	s5 =	sshll.u32 s26, $0x1;
	_ =	strace $0x80000046;
	[dreg:$0x1] =	wrdreg $0xFFFFFFFF  }
0xa7: {  	s28 =	simm.s32 $_size_execute0_lowered;
	s3 =	sadd.s32 s3, s5;
	[dreg:$0x0] =	wrdreg $0x0  }
0xa8: {  	s5 =	sshll.u32 s28, $0x1;
	[dreg:$0x2] =	wrdreg s3  }
0xa9: {  	[dreg:$0x3] =	wrdreg s5  }
0xaa: {  	[dreg:$0x4] =	wrdreg $0xC0  }
0xab: {  	_ =	task [dreg:s7], $0x5FFFF  }
0xac: {  	[dreg:$0x1] =	wrdreg $0xFFFFFFFF  }
0xad: {  	[dreg:$0x0] =	wrdreg $0x60  }
0xae: {  	[dreg:$0x2] =	wrdreg s2  }
0xaf: {  	[dreg:$0x3] =	wrdreg s24  }
0xb0: {  	[dreg:$0x4] =	wrdreg $0x9  }
0xb1: {  	_ =	task.clear_ibuf [dreg:s7], $0x5FFFF;
	_ =	strace $0x90000046  }
0xb2: {  	s29 =	simm.s32 $0x9;
	_ =	strace $0x80000048  }
0xb3: {  	_ =	swait.ge [sflag:s29], $0x1  }
0xb4: {  	[sflag:s29] =	ssyncadd.s32 $0xFFFFFFFF  }
0xb5: {  	_ =	strace $0x90000048  }
0xb6: {  	_ =	sfence  }
0xb7: {  	s30 =	sld [smem:$0x0];
	_ =	sdelay $0x2  }
0xb8: {  	s31 =	sshll.u32 s1, $0xD;
	s1 =	sshrl.u32 s1, $0x2  }
0xb9: {  	s3 =	sand.u32 $0x4000, s31;
	s1 =	sadd.s32 s1, s30  }
0xba: {  	s0 =	sor.u32 s3, s0;
	s1 =	sshll.u32 s1, $0x11  }
0xbb: {  	s0 =	sor.u32 s1, s0  }
0xbc: {  	s0 =	sadd.s32 $0x8F2B, s0  }
0xbd: {  	[sflag:s0] =	ssyncadd.remote.s32 $0x1  }
0xbe: {  	_ =	sfence.sel $0xFFFF  }
0xbf: {  	[dreg:$0x0] =	wrdreg $0xFFFFFFFF;
	(pc) =	sbr.abs _section_cstart, $3  }
0xc0: {  	[dreg:$0x1] =	wrdreg $0xFFFFFFFF  }
0xc1: {  	_ =	task.clear_ibuf [dreg:s7], $0x2FFFF;
	_ =	strace $0x9FFFFFFF  }
0xc2: {  	(tm) =	ssettm $0x7FFFFFFF  }
0xc3: {  	_ =	shalt  }
tec
execute0_lowered:
.L_overlay_start_1:
0x0: {  	(tag) =	ssettag $0x1  }
0x1: {  	s0 =	rddreg [dreg:$0x0]  }
0x2: {  	s1 =	rddreg [dreg:$0x1]  }
0x3: {  	s3 =	srdreg.scid;
	s4 =	stileid.u32  }
0x4: {  	s2 =	simm.s32 $0x0;
	s3 =	sand.u32 $0x1, s3;
	s4 =	sshll.u32 s4, $0x1  }
0x5: {  	[smem:$0x7FF] =	sst s2;
	s4 =	sor.u32 s3, s4  }
0x6: {  	_ =	strace $0x80000047;
	s5 =	ssub.s32 $0x2, s3;
	s6 =	smul.u32 $0x1A0, s4  }
.Ltmp0:
0x7: {  	s3 =	sadd.s32 $0x400, s1;
	s7 =	sshrl.u32 s5, $0x1;
	(pc) =	sbr.rel .LBB2_1-.Ltmp0, $4  }
0x8: {  	s4 =	sshll.u32 s4, $0x10;
	s30 =	ssub.s32 s5, s7;
	s0 =	sadd.s32 s0, s6  }
0x9: {  	s1 =	sadd.s32 s4, s1;
	s31 =	smax.u32 s30, $0x1;
	[dreg:$0x5] =	wrdreg s0  }
0xa: {  	s5 =	sadd.s32 $0xF42800, s1;
	[dreg:$0x7] =	wrdreg s31  }
0xb: {  	v0 =	vlaneseq.u32;
	s4 =	simm.s32 $0x0;
	[dreg:$0x6] =	wrdreg s5  }
.LBB2_23:
0xc: {  	s0 =	simm.s32 $0x6  }
0xd: {  	_ =	swait.ge [sflag:s0], $0x6800  }
0xe: {  	[sflag:s0] =	ssyncset.done $0x0  }
0xf: {  	s1 =	simm.s32 $0x4;
	[sflag:s0] =	ssyncadd.s32 $0xFFFF9800  }
0x10: {  	_ =	swait.ge [sflag:s1], $0x6800  }
0x11: {  	s4 =	rddreg [dreg:$0x8]  }
0x12: {  	s31 =	rddreg [dreg:$0x7];
	s4 =	sadd.s32 $0x1, s4  }
0x13: {  	p0 =	sne.s32 s4, s31  }
.Ltmp1:
0x14: {  	_ = 	snop;
	(pc) =	sbr.rel @!p0 .LBB2_24-.Ltmp1, $3  }
0x15: {  	_ =	sdelay $0x1  }
0x16: {  	[sflag:s1] =	ssyncset.done $0x0  }
0x17: {  	[sflag:s1] =	ssyncadd.s32 $0xFFFF9800  }
.LBB2_1:
0x18: {  	[dreg:$0x8] =	wrdreg s4;
	v2 =	vor.u32 s2, v0  }
0x19: {  	s0 =	rddreg [dreg:$0x5];
	s30 =	simm.s32 $0x10;
	s1 =	simm.s32 $0x7;
	v1 =	vmulhi.u32 $0x4EC4EC4F, v2  }
0x1a: {  	[tilespmem:s2], [sflag:$0x7] =	stream.linear.gather [hbm4b:s0+s2], $0xD00, $0x38;
	[tilespmem:$0x1A700] =	vst v63  }
0x1b: {  	_ =	swait.ge [sflag:s1], $0xD00;
	v3 =	vshrl.u32 v1, $0x3;
	v1 =	vor.u32 s30, v0  }
0x1c: {  	[sflag:s1] =	ssyncset.done $0x0;
	v4 =	vmul.u32 $0xFFFFFFE6, v3;
	v5 =	vmulhi.u32 $0x4EC4EC4F, v1  }
0x1d: {  	s31 =	simm.s32 $0xD00;
	[sflag:s1] =	ssyncadd.s32 $0xFFFFF300  }
0x1e: {  	s0 =	simm.s32 $0x1A00;
	[tilespmem:s31+$0x0] =	vst v3;
	v3 =	vadd.s32 v2, v4;
	v2 =	vshrl.u32 v5, $0x3  }
0x1f: {  	[tilespmem:s0+$0x0] =	vst v3;
	v3 =	vmul.u32 $0xFFFFFFE6, v2  }
0x20: {  	s4 =	simm.s32 $0xD10;
	s1 =	simm.s32 $0x20  }
.LBB2_2:
0x21: {  	p0 =	sne.s32 s1, $0xCF0;
	[tilespmem:s4+$0x0] =	vst v2;
	v2 =	vadd.s32 v1, v3;
	v1 =	vor.u32 s1, v0;
	s1 =	sadd.s32 $0x10, s1;
	s0 =	sadd.s32 $0x10, s0  }
.Ltmp2:
0x22: {  	v3 =	vmulhi.u32 $0x4EC4EC4F, v1;
	[tilespmem:s0+$0x0] =	vst v2;
	(pc) =	sbr.rel @p0 .LBB2_2-.Ltmp2, $4  }
0x23: {  	_ = 	snop  }
0x24: {  	v2 =	vshrl.u32 v3, $0x3  }
0x25: {  	v3 =	vmul.u32 $0xFFFFFFE6, v2  }
0x26: {  	s4 =	sadd.s32 $0x10, s4  }
0x27: {  	[tilespmem:s4+$0x0] =	vst v2;
	v1 =	vadd.s32 v1, v3;
	s0 =	sadd.s32 $0x10, s0  }
0x28: {  	s11 =	simm.s32 $0x0;
	s12 =	simm.s32 $0x0;
	[tilespmem:s0+$0x0] =	vst v1  }
.LBB2_4:
0x29: {  	s0 =	sshra.s32 s12, $0x2  }
0x2a: {  	v1 =	vld [tilespmem:s0+$0xD00]  }
0x2b: {  	v2 =	vld [tilespmem:s0+$0x1A00];
	_ =	sdelay $0x3  }
0x2c: {  	v3 =	vld [tilespmem:s0+$0x0];
	v1 =	vshll.u32 v1, $0xE  }
0x2d: {  	v2 =	vshll.u32 v2, $0x9;
	v1 =	vshra.s32 v1, $0x2  }
0x2e: {  	v2 =	vshra.s32 v2, $0x2;
	(v2sf) =	vpush v1, $0x0  }
0x2f: {  	(v2sf) =	vpush v2, $0x0;
	_ =	sdelay $0x1  }
0x30: {  	v3 =	vshll.u32 v3, $0x4  }
0x31: {  	(v2sf) =	vpush v3, $0x0  }
0x32: {  	(v2sf) =	vpush v1, $0x1;
	_ =	sdelay $0x1  }
0x33: {  	(v2sf) =	vpush v2, $0x1  }
0x34: {  	(v2sf) =	vpush v3, $0x1  }
0x35: {  	(v2sf) =	vpush v1, $0x2;
	_ =	sdelay $0x1  }
0x36: {  	(v2sf) =	vpush v2, $0x2;
	_ =	sdelay $0x1  }
0x37: {  	(v2sf) =	vpush v3, $0x2  }
0x38: {  	(v2sf) =	vpush v1, $0x3  }
0x39: {  	s31 =	spop (v2sf);
	(v2sf) =	vpush v2, $0x3  }
0x3a: {  	s1 =	spop (v2sf);
	(v2sf) =	vpush v3, $0x3;
	_ =	sdelay $0x2  }
0x3b: {  	s4 =	spop (v2sf);
	(v2sf) =	vpush v1, $0x4  }
0x3c: {  	s7 =	spop (v2sf);
	(v2sf) =	vpush v2, $0x4;
	_ =	sdelay $0x1  }
0x3d: {  	s8 =	spop (v2sf);
	(v2sf) =	vpush v3, $0x4  }
0x3e: {  	s9 =	spop (v2sf);
	(v2sf) =	vpush v1, $0x5  }
0x3f: {  	s10 =	spop (v2sf);
	(v2sf) =	vpush v2, $0x5;
	_ =	sdelay $0x1  }
0x40: {  	s13 =	spop (v2sf);
	(v2sf) =	vpush v3, $0x5;
	_ =	sdelay $0x1  }
0x41: {  	s14 =	spop (v2sf);
	(v2sf) =	vpush v1, $0x6  }
0x42: {  	s15 =	spop (v2sf)  }
0x43: {  	s16 =	spop (v2sf);
	(v2sf) =	vpush v2, $0x6  }
0x44: {  	s17 =	spop (v2sf);
	(v2sf) =	vpush v3, $0x6;
	_ =	sdelay $0x2  }
0x45: {  	s0 =	sadd.s32 s1, s31;
	s6 =	sand.u32 $0x1FFFFFF0, s4;
	s18 =	spop (v2sf);
	(v2sf) =	vpush v1, $0x7  }
0x46: {  	s0 =	sadd.s32 $0x2700, s0;
	s1 =	sadd.s32 s3, s6;
	s19 =	spop (v2sf);
	(v2sf) =	vpush v2, $0x7  }
0x47: {  	[tilespmem:s0], [sflag:$0x1] =	stream.linear.gather [hbm4b:s1+s11], $0x80, $0x38;
	[tilespmem:$0x1A700] =	vst v63  }
0x48: {  	s20 =	spop (v2sf);
	(v2sf) =	vpush v3, $0x7  }
0x49: {  	s0 =	sadd.s32 s8, s7;
	s1 =	sand.u32 $0x1FFFFFF0, s9;
	s21 =	spop (v2sf);
	(v2sf) =	vpush v1, $0x8  }
0x4a: {  	s0 =	sadd.s32 $0x2700, s0;
	s1 =	sadd.s32 s3, s1;
	s22 =	spop (v2sf);
	(v2sf) =	vpush v2, $0x8  }
0x4b: {  	[tilespmem:s0], [sflag:$0x1] =	stream.linear.gather [hbm4b:s1+s11], $0x80, $0x38;
	[tilespmem:$0x1A700] =	vst v63  }
0x4c: {  	s23 =	spop (v2sf);
	(v2sf) =	vpush v3, $0x8  }
0x4d: {  	s0 =	sadd.s32 s13, s10;
	s1 =	sand.u32 $0x1FFFFFF0, s14  }
0x4e: {  	s0 =	sadd.s32 $0x2700, s0;
	s1 =	sadd.s32 s3, s1;
	s24 =	spop (v2sf);
	(v2sf) =	vpush v1, $0x9  }
0x4f: {  	[tilespmem:s0], [sflag:$0x1] =	stream.linear.gather [hbm4b:s1+s11], $0x80, $0x38;
	[tilespmem:$0x1A700] =	vst v63  }
0x50: {  	s25 =	spop (v2sf);
	(v2sf) =	vpush v2, $0x9  }
0x51: {  	s0 =	sadd.s32 s16, s15;
	s1 =	sand.u32 $0x1FFFFFF0, s17;
	s26 =	spop (v2sf);
	(v2sf) =	vpush v3, $0x9  }
0x52: {  	s0 =	sadd.s32 $0x2700, s0;
	s1 =	sadd.s32 s3, s1  }
0x53: {  	[tilespmem:s0], [sflag:$0x1] =	stream.linear.gather [hbm4b:s1+s11], $0x80, $0x38;
	[tilespmem:$0x1A700] =	vst v63  }
0x54: {  	s0 =	sadd.s32 s19, s18;
	s1 =	sand.u32 $0x1FFFFFF0, s20;
	s28 =	spop (v2sf);
	(v2sf) =	vpush v1, $0xA  }
0x55: {  	s0 =	sadd.s32 $0x2700, s0;
	s1 =	sadd.s32 s3, s1;
	s29 =	spop (v2sf);
	(v2sf) =	vpush v2, $0xA  }
0x56: {  	[tilespmem:s0], [sflag:$0x1] =	stream.linear.gather [hbm4b:s1+s11], $0x80, $0x38;
	[tilespmem:$0x1A700] =	vst v63  }
0x57: {  	s30 =	spop (v2sf);
	(v2sf) =	vpush v3, $0xA  }
0x58: {  	s0 =	sadd.s32 s22, s21;
	s1 =	sand.u32 $0x1FFFFFF0, s23;
	s31 =	spop (v2sf);
	(v2sf) =	vpush v1, $0xB  }
0x59: {  	s0 =	sadd.s32 $0x2700, s0;
	s1 =	sadd.s32 s3, s1;
	s6 =	spop (v2sf);
	(v2sf) =	vpush v2, $0xB  }
0x5a: {  	[tilespmem:s0], [sflag:$0x1] =	stream.linear.gather [hbm4b:s1+s11], $0x80, $0x38;
	[tilespmem:$0x1A700] =	vst v63  }
0x5b: {  	s7 =	spop (v2sf);
	(v2sf) =	vpush v3, $0xB  }
0x5c: {  	s0 =	sadd.s32 s25, s24;
	s1 =	sand.u32 $0x1FFFFFF0, s26  }
0x5d: {  	s0 =	sadd.s32 $0x2700, s0;
	s1 =	sadd.s32 s3, s1;
	s8 =	spop (v2sf);
	(v2sf) =	vpush v1, $0xC  }
0x5e: {  	[tilespmem:s0], [sflag:$0x1] =	stream.linear.gather [hbm4b:s1+s11], $0x80, $0x38;
	[tilespmem:$0x1A700] =	vst v63  }
0x5f: {  	s9 =	spop (v2sf);
	(v2sf) =	vpush v2, $0xC  }
0x60: {  	s0 =	sadd.s32 s29, s28;
	s1 =	sand.u32 $0x1FFFFFF0, s30;
	s10 =	spop (v2sf);
	(v2sf) =	vpush v3, $0xC  }
0x61: {  	s0 =	sadd.s32 $0x2700, s0;
	s1 =	sadd.s32 s3, s1  }
0x62: {  	[tilespmem:s0], [sflag:$0x1] =	stream.linear.gather [hbm4b:s1+s11], $0x80, $0x38;
	[tilespmem:$0x1A700] =	vst v63  }
0x63: {  	s0 =	sadd.s32 s6, s31;
	s1 =	sand.u32 $0x1FFFFFF0, s7;
	s13 =	spop (v2sf);
	(v2sf) =	vpush v1, $0xD  }
0x64: {  	s0 =	sadd.s32 $0x2700, s0;
	s1 =	sadd.s32 s3, s1;
	s14 =	spop (v2sf);
	(v2sf) =	vpush v2, $0xD  }
0x65: {  	[tilespmem:s0], [sflag:$0x1] =	stream.linear.gather [hbm4b:s1+s11], $0x80, $0x38;
	[tilespmem:$0x1A700] =	vst v63  }
0x66: {  	s15 =	spop (v2sf);
	(v2sf) =	vpush v3, $0xD  }
0x67: {  	s0 =	sadd.s32 s9, s8;
	s1 =	sand.u32 $0x1FFFFFF0, s10;
	s16 =	spop (v2sf);
	(v2sf) =	vpush v1, $0xE  }
0x68: {  	s0 =	sadd.s32 $0x2700, s0;
	s1 =	sadd.s32 s3, s1;
	s17 =	spop (v2sf);
	(v2sf) =	vpush v2, $0xE  }
0x69: {  	[tilespmem:s0], [sflag:$0x1] =	stream.linear.gather [hbm4b:s1+s11], $0x80, $0x38;
	[tilespmem:$0x1A700] =	vst v63  }
0x6a: {  	s18 =	spop (v2sf);
	(v2sf) =	vpush v3, $0xE  }
0x6b: {  	s0 =	sadd.s32 s14, s13;
	s1 =	sand.u32 $0x1FFFFFF0, s15  }
0x6c: {  	s0 =	sadd.s32 $0x2700, s0;
	s1 =	sadd.s32 s3, s1;
	s19 =	spop (v2sf);
	(v2sf) =	vpush v1, $0xF  }
0x6d: {  	[tilespmem:s0], [sflag:$0x1] =	stream.linear.gather [hbm4b:s1+s11], $0x80, $0x38;
	[tilespmem:$0x1A700] =	vst v63  }
0x6e: {  	s20 =	spop (v2sf);
	(v2sf) =	vpush v2, $0xF  }
0x6f: {  	s0 =	sadd.s32 s17, s16;
	s1 =	sand.u32 $0x1FFFFFF0, s18;
	s21 =	spop (v2sf);
	(v2sf) =	vpush v3, $0xF  }
0x70: {  	s0 =	sadd.s32 $0x2700, s0;
	s1 =	sadd.s32 s3, s1  }
0x71: {  	[tilespmem:s0], [sflag:$0x1] =	stream.linear.gather [hbm4b:s1+s11], $0x80, $0x38;
	[tilespmem:$0x1A700] =	vst v63  }
0x72: {  	s0 =	sadd.s32 s20, s19;
	s1 =	sand.u32 $0x1FFFFFF0, s21;
	s22 =	spop (v2sf)  }
0x73: {  	s0 =	sadd.s32 $0x2700, s0;
	s1 =	sadd.s32 s3, s1;
	s23 =	spop (v2sf)  }
0x74: {  	[tilespmem:s0], [sflag:$0x1] =	stream.linear.gather [hbm4b:s1+s11], $0x80, $0x38;
	[tilespmem:$0x1A700] =	vst v63  }
0x75: {  	s24 =	spop (v2sf)  }
0x76: {  	s0 =	sadd.s32 s23, s22;
	s1 =	sand.u32 $0x1FFFFFF0, s24;
	s25 =	spop (v2sf)  }
0x77: {  	s0 =	sadd.s32 $0x2700, s0;
	s1 =	sadd.s32 s3, s1;
	s26 =	spop (v2sf)  }
0x78: {  	[tilespmem:s0], [sflag:$0x1] =	stream.linear.gather [hbm4b:s1+s11], $0x80, $0x38;
	[tilespmem:$0x1A700] =	vst v63  }
0x79: {  	s28 =	spop (v2sf)  }
0x7a: {  	p0 =	sne.s32 s12, $0x300;
	s0 =	sadd.s32 s26, s25;
	s1 =	sand.u32 $0x1FFFFFF0, s28  }
0x7b: {  	s29 =	spop (v2sf);
	s0 =	sadd.s32 $0x2700, s0;
	s1 =	sadd.s32 s3, s1  }
0x7c: {  	[tilespmem:s0], [sflag:$0x1] =	stream.linear.gather [hbm4b:s1+s11], $0x80, $0x38;
	[tilespmem:$0x1A700] =	vst v63  }
.Ltmp3:
0x7d: {  	s30 =	spop (v2sf);
	(pc) =	sbr.rel @p0 .LBB2_4-.Ltmp3, $4  }
0x7e: {  	s31 =	spop (v2sf)  }
0x7f: {  	s0 =	sadd.s32 s30, s29;
	s1 =	sand.u32 $0x1FFFFFF0, s31  }
0x80: {  	s12 =	sadd.s32 $0x40, s12;
	s0 =	sadd.s32 $0x2700, s0;
	s1 =	sadd.s32 s3, s1  }
0x81: {  	[tilespmem:s0], [sflag:$0x1] =	stream.linear.gather [hbm4b:s1+s11], $0x80, $0x38;
	[tilespmem:$0x1A700] =	vst v63  }
.Ltmp4:
0x82: {  	(pc) =	sbr.rel .LBB2_6-.Ltmp4, $2  }
0x83: {  	_ =	sdelay $0x2  }
0x84: {  	s6 =	simm.s32 $0xD0;
	s13 =	simm.s32 $0xDD0;
	s14 =	simm.s32 $0x1AD0  }
.LBB2_17:
0x85: {  	s1 =	simm.s32 $0x2  }
0x86: {  	_ =	swait.ge [sflag:s1], $0x6800  }
0x87: {  	s0 =	sshll.u32 s11, $0xC;
	[sflag:s1] =	ssyncset.done $0x0  }
0x88: {  	s18 =	simm.s32 $0xA700;
	s0 =	sadd.s32 s0, s5;
	[sflag:s1] =	ssyncadd.s32 $0xFFFF9800  }
0x89: {  	[hbm4b:s0+s2] =	stream.linear.scatter [tilespmem:s18], [sflag:$0x5], $0xD00, $0x38;
	[tilespmem:$0x1A700] =	vst v63  }
0x8a: {  	s4 =	simm.s32 $0xB700;
	s19 =	sadd.s32 $0x200, s0  }
0x8b: {  	[hbm4b:s19+s2] =	stream.linear.scatter [tilespmem:s4], [sflag:$0x5], $0xD00, $0x38;
	[tilespmem:$0x1A700] =	vst v63  }
0x8c: {  	s21 =	simm.s32 $0xC700;
	s20 =	sadd.s32 $0x400, s0  }
0x8d: {  	[hbm4b:s20+s2] =	stream.linear.scatter [tilespmem:s21], [sflag:$0x5], $0xD00, $0x38;
	[tilespmem:$0x1A700] =	vst v63  }
0x8e: {  	s23 =	simm.s32 $0xD700;
	s22 =	sadd.s32 $0x600, s0  }
0x8f: {  	[hbm4b:s22+s2] =	stream.linear.scatter [tilespmem:s23], [sflag:$0x5], $0xD00, $0x38;
	[tilespmem:$0x1A700] =	vst v63  }
0x90: {  	s25 =	simm.s32 $0xE700;
	s24 =	sadd.s32 $0x800, s0  }
0x91: {  	[hbm4b:s24+s2] =	stream.linear.scatter [tilespmem:s25], [sflag:$0x5], $0xD00, $0x38;
	[tilespmem:$0x1A700] =	vst v63  }
0x92: {  	s28 =	simm.s32 $0xF700;
	s26 =	sadd.s32 $0xA00, s0  }
0x93: {  	[hbm4b:s26+s2] =	stream.linear.scatter [tilespmem:s28], [sflag:$0x5], $0xD00, $0x38;
	[tilespmem:$0x1A700] =	vst v63  }
0x94: {  	s30 =	simm.s32 $0x10700;
	s29 =	sadd.s32 $0xC00, s0  }
0x95: {  	[hbm4b:s29+s2] =	stream.linear.scatter [tilespmem:s30], [sflag:$0x5], $0xD00, $0x38;
	[tilespmem:$0x1A700] =	vst v63  }
0x96: {  	s31 =	simm.s32 $0x11700;
	s0 =	sadd.s32 $0xE00, s0  }
0x97: {  	[hbm4b:s0+s2] =	stream.linear.scatter [tilespmem:s31], [sflag:$0x5], $0xD00, $0x38;
	[tilespmem:$0x1A700] =	vst v63  }
.LBB2_22:
0x98: {  	s11 =	sadd.s32 $0x1, s11  }
0x99: {  	p0 =	sne.s32 s11, $0x10  }
.Ltmp5:
0x9a: {  	_ = 	snop;
	(pc) =	sbr.rel @!p0 .LBB2_23-.Ltmp5, $2  }
0x9b: {  	_ =	sdelay $0x2  }
0x9c: {  	s6 =	sadd.s32 $0xD0, s6;
	s13 =	sadd.s32 $0xD0, s13;
	s14 =	sadd.s32 $0xD0, s14  }
.LBB2_6:
0x9d: {  	s0 =	smul.u32 $0xAB, s11;
	_ =	sdelay $0x1  }
0x9e: {  	s0 =	sshrl.u32 s0, $0x9  }
0x9f: {  	s0 =	sand.u32 $0x7F, s0  }
0xa0: {  	s0 =	smul.u32 $0x3, s0;
	_ =	sdelay $0x1  }
0xa1: {  	s0 =	ssub.s32 s11, s0  }
0xa2: {  	s0 =	sand.u32 $0xFF, s0  }
0xa3: {  	p0 =	seq.s32 s0, $0x2  }
.Ltmp6:
0xa4: {  	_ = 	snop;
	(pc) =	sbr.rel @p0 .LBB2_18-.Ltmp6, $1  }
0xa5: {  	_ =	sdelay $0x3  }
0xa6: {  	p2 =	seq.s32 s0, $0x1  }
.Ltmp7:
0xa7: {  	_ = 	snop;
	(pc) =	sbr.rel @!p2 .LBB2_8-.Ltmp7, $3  }
0xa8: {  	_ =	sdelay $0x1  }
0xa9: {  	p0 =	slt.u32 s11, $0x2  }
0xaa: {  	p1 =	seq.s32 @!p0 s11, $0xF  }
0xab: {  	p1 =	por p0, !p1  }
.Ltmp8:
0xac: {  	_ = 	snop;
	(pc) =	sbr.rel @!p1 .LBB2_17-.Ltmp8, $4  }
0xad: {  	s0 =	simm.s32 @!p0 $0x6  }
0xae: {  	_ =	swait.ge @!p0 [sflag:s0], $0x6800  }
0xaf: {  	[sflag:s0] =	ssyncset.done @!p0 $0x0  }
0xb0: {  	[sflag:s0] =	ssyncadd.s32 @!p0 $0xFFFF9800  }
0xb1: {  	v1 =	vmov s14  }
0xb2: {  	v2 =	vmov s13;
	_ =	sdelay $0x2  }
0xb3: {  	v3 =	vmov s6;
	s1 =	simm.s32 $0x0  }
0xb4: {  	v4 =	vld.idx.msk [tilespmem:v1+s1+$0x0 ss:$0x1], $0xffff  }
0xb5: {  	s0 =	sxor.u32 $0xFFFFFFFF, s11;
	v5 =	vld.idx.msk [tilespmem:v2+s1+$0x0 ss:$0x1], $0xffff  }
0xb6: {  	s0 =	sshll.u32 s0, $0x3  }
0xb7: {  	s0 =	sadd.s32 $0x10, s0  }
0xb8: {  	[dreg:$0x4] =	wrdreg s0;
	v7 =	vld.idx.msk [tilespmem:v3+s1+$0x0 ss:$0x1], $0xffff  }
0xb9: {  	s0 =	rddreg [dreg:$0x4];
	v4 =	vshll.u32 v4, $0x9  }
0xba: {  	v5 =	vadd.s32 s0, v5;
	v4 =	vshra.s32 v4, $0x2  }
0xbb: {  	v5 =	vshll.u32 v5, $0xE;
	(v2sf) =	vpush v4, $0xE  }
0xbc: {  	v6 =	vshra.s32 v5, $0x2;
	(v2sf) =	vpush v4, $0xA  }
0xbd: {  	v5 =	vshll.u32 v7, $0x4;
	(v2sf) =	vpush v6, $0x9  }
0xbe: {  	(v2sf) =	vpush v5, $0xA  }
0xbf: {  	(v2sf) =	vpush v4, $0x9  }
0xc0: {  	(v2sf) =	vpush v5, $0x8  }
0xc1: {  	(v2sf) =	vpush v6, $0xB  }
0xc2: {  	(v2sf) =	vpush v4, $0xB  }
0xc3: {  	(v2sf) =	vpush v6, $0x7  }
0xc4: {  	(v2sf) =	vpush v4, $0x7  }
0xc5: {  	(v2sf) =	vpush v5, $0x5  }
0xc6: {  	(v2sf) =	vpush v6, $0x6  }
0xc7: {  	(v2sf) =	vpush v4, $0x6  }
0xc8: {  	(v2sf) =	vpush v6, $0x5  }
0xc9: {  	(v2sf) =	vpush v5, $0x6  }
0xca: {  	(v2sf) =	vpush v4, $0x4;
	s15 =	spop (v2sf)  }
0xcb: {  	(v2sf) =	vpush v6, $0x4;
	s17 =	spop (v2sf)  }
0xcc: {  	(v2sf) =	vpush v4, $0x5;
	s20 =	spop (v2sf)  }
0xcd: {  	[dreg:$0x9] =	wrdreg s6;
	(v2sf) =	vpush v5, $0x4;
	s6 =	spop (v2sf)  }
0xce: {  	(v2sf) =	vpush v5, $0x3;
	s21 =	spop (v2sf)  }
0xcf: {  	(v2sf) =	vpush v5, $0x2;
	s4 =	spop (v2sf)  }
0xd0: {  	(v2sf) =	vpush v6, $0x3;
	s5 =	spop (v2sf)  }
0xd1: {  	(v2sf) =	vpush v6, $0x2;
	s7 =	spop (v2sf)  }
0xd2: {  	(v2sf) =	vpush v4, $0x3;
	s8 =	spop (v2sf)  }
0xd3: {  	(v2sf) =	vpush v5, $0x1;
	s9 =	spop (v2sf)  }
0xd4: {  	(v2sf) =	vpush v4, $0x2;
	s10 =	spop (v2sf)  }
0xd5: {  	(v2sf) =	vpush v6, $0x1;
	s12 =	spop (v2sf)  }
0xd6: {  	(v2sf) =	vpush v4, $0x1;
	s18 =	spop (v2sf)  }
0xd7: {  	(v2sf) =	vpush v5, $0x0;
	s19 =	spop (v2sf)  }
0xd8: {  	(v2sf) =	vpush v6, $0x0;
	s22 =	spop (v2sf)  }
0xd9: {  	(v2sf) =	vpush v4, $0x0;
	s23 =	spop (v2sf)  }
0xda: {  	s24 =	spop (v2sf);
	(v2sf) =	vpush v5, $0x7  }
0xdb: {  	s25 =	spop (v2sf);
	(v2sf) =	vpush v6, $0xD  }
0xdc: {  	s26 =	spop (v2sf)  }
0xdd: {  	s16 =	simm.s32 $0x40;
	s29 =	spop (v2sf)  }
0xde: {  	s20 =	sadd.s32 s21, s20;
	s21 =	sadd.s32 s7, s5;
	s5 =	spop (v2sf)  }
0xdf: {  	s30 =	sadd.s32 s9, s8;
	s10 =	sand.u32 $0x1FFFFFF0, s10;
	s7 =	spop (v2sf)  }
0xe0: {  	s28 =	sadd.s32 s23, s24;
	s24 =	sadd.s32 s25, s19;
	s19 =	spop (v2sf)  }
0xe1: {  	s31 =	sadd.s32 s3, s10;
	s12 =	sadd.s32 s18, s12;
	s18 =	spop (v2sf)  }
0xe2: {  	s22 =	sand.u32 $0x1FFFFFF0, s22;
	s0 =	sand.u32 $0x1FFFFFF0, s26;
	s26 =	spop (v2sf)  }
0xe3: {  	s23 =	sadd.s32 $0x2700, s12;
	s1 =	sand.u32 $0x1FFFFFF0, s29;
	s12 =	spop (v2sf)  }
0xe4: {  	s5 =	sand.u32 $0x1FFFFFF0, s5;
	s7 =	sadd.s32 s18, s7;
	s25 =	spop (v2sf)  }
0xe5: {  	(v2sf) =	vpush v6, $0x8;
	s18 =	sadd.s32 s3, s5;
	s10 =	sand.u32 $0x1FFFFFF0, s26;
	s26 =	spop (v2sf)  }
0xe6: {  	(v2sf) =	vpush v4, $0x8;
	s10 =	sadd.s32 s3, s10;
	s9 =	sadd.s32 s12, s19;
	s19 =	spop (v2sf)  }
0xe7: {  	(v2sf) =	vpush v5, $0x9;
	s8 =	sadd.s32 s26, s25;
	s25 =	sand.u32 $0x1FFFFFF0, s6;
	s26 =	spop (v2sf)  }
0xe8: {  	(v2sf) =	vpush v6, $0xA;
	s6 =	sand.u32 $0x1FFFFFF0, s4;
	s5 =	sand.u32 $0x1FFFFFF0, s19;
	s12 =	spop (v2sf)  }
0xe9: {  	(v2sf) =	vpush v5, $0xB;
	s19 =	sadd.s32 $0x2700, s8;
	s26 =	sadd.s32 s12, s26;
	s8 =	spop (v2sf)  }
0xea: {  	s29 =	sadd.s32 s3, s5;
	(v2sf) =	vpush v6, $0xC;
	s5 =	sadd.s32 $0x2700, s26;
	s26 =	spop (v2sf)  }
.LBB2_15:
0xeb: {  	[tilespmem:s5], [sflag:$0x3] =	stream.linear.gather [hbm4b:s29+s2], $0x80, $0x38;
	[tilespmem:$0x1A700] =	vst v63  }
0xec: {  	_ = 	snop  }
0xed: {  	[tilespmem:s19], [sflag:$0x3] =	stream.linear.gather [hbm4b:s10+s2], $0x80, $0x38;
	[tilespmem:$0x1A700] =	vst v63  }
0xee: {  	s5 =	sadd.s32 $0x2700, s9  }
0xef: {  	[tilespmem:s5], [sflag:$0x3] =	stream.linear.gather [hbm4b:s18+s2], $0x80, $0x38;
	[tilespmem:$0x1A700] =	vst v63  }
0xf0: {  	s7 =	sadd.s32 $0x2700, s7;
	s1 =	sadd.s32 s3, s1  }
0xf1: {  	[tilespmem:s7], [sflag:$0x3] =	stream.linear.gather [hbm4b:s1+s2], $0x80, $0x38;
	[tilespmem:$0x1A700] =	vst v63  }
0xf2: {  	s0 =	sadd.s32 s3, s0;
	s5 =	sadd.s32 $0x2700, s28  }
0xf3: {  	[tilespmem:s5], [sflag:$0x3] =	stream.linear.gather [hbm4b:s0+s2], $0x80, $0x38;
	[tilespmem:$0x1A700] =	vst v63  }
0xf4: {  	s12 =	spop (v2sf);
	(v2sf) =	vpush v4, $0xC  }
0xf5: {  	s9 =	spop (v2sf)  }
0xf6: {  	s8 =	sand.u32 $0x1FFFFFF0, s8;
	(v2sf) =	vpush v5, $0xC;
	s19 =	spop (v2sf)  }
0xf7: {  	s9 =	sadd.s32 s9, s12;
	(v2sf) =	vpush v4, $0xD;
	s12 =	sadd.s32 $0x2700, s24;
	s18 =	spop (v2sf)  }
0xf8: {  	(v2sf) =	vpush v5, $0xD;
	[tilespmem:s12], [sflag:$0x3] =	stream.linear.gather [hbm4b:s31+s2], $0x80, $0x38;
	[tilespmem:$0x1A700] =	vst v63  }
0xf9: {  	s7 =	sand.u32 $0x1FFFFFF0, s19;
	s19 =	sadd.s32 s3, s22;
	s22 =	spop (v2sf);
	(v2sf) =	vpush v6, $0xE  }
0xfa: {  	[tilespmem:s23], [sflag:$0x3] =	stream.linear.gather [hbm4b:s19+s2], $0x80, $0x38;
	[tilespmem:$0x1A700] =	vst v63  }
0xfb: {  	s6 =	sadd.s32 s3, s6;
	s8 =	sadd.s32 s3, s8;
	s24 =	sadd.s32 $0x2700, s30;
	(v2sf) =	vpush v5, $0xE  }
0xfc: {  	(v2sf) =	vpush v6, $0xF;
	[tilespmem:s24], [sflag:$0x3] =	stream.linear.gather [hbm4b:s8+s2], $0x80, $0x38;
	[tilespmem:$0x1A700] =	vst v63  }
0xfd: {  	s9 =	sadd.s32 $0x2700, s9;
	s5 =	sadd.s32 s17, s18;
	s12 =	spop (v2sf)  }
0xfe: {  	(v2sf) =	vpush v4, $0xF;
	[tilespmem:s9], [sflag:$0x3] =	stream.linear.gather [hbm4b:s6+s2], $0x80, $0x38;
	[tilespmem:$0x1A700] =	vst v63  }
0xff: {  	s17 =	sadd.s32 s3, s7;
	s18 =	sadd.s32 $0x2700, s21;
	s21 =	sadd.s32 $0x2700, s20;
	(v2sf) =	vpush v5, $0xF  }
0x100: {  	[tilespmem:s21], [sflag:$0x3] =	stream.linear.gather [hbm4b:s17+s2], $0x80, $0x38;
	[tilespmem:$0x1A700] =	vst v63  }
0x101: {  	s10 =	sand.u32 $0x1FFFFFF0, s22;
	s5 =	sadd.s32 $0x2700, s5;
	s22 =	sadd.s32 s3, s25  }
0x102: {  	[tilespmem:s5], [sflag:$0x3] =	stream.linear.gather [hbm4b:s22+s2], $0x80, $0x38;
	[tilespmem:$0x1A700] =	vst v63  }
0x103: {  	s23 =	sadd.s32 s3, s10;
	s19 =	spop (v2sf)  }
0x104: {  	[tilespmem:s18], [sflag:$0x3] =	stream.linear.gather [hbm4b:s23+s2], $0x80, $0x38;
	[tilespmem:$0x1A700] =	vst v63  }
0x105: {  	s25 =	spop (v2sf)  }
0x106: {  	s9 =	spop (v2sf)  }
0x107: {  	s24 =	sadd.s32 s19, s12;
	s8 =	sand.u32 $0x1FFFFFF0, s25;
	s10 =	spop (v2sf)  }
0x108: {  	s1 =	sadd.s32 $0x2700, s24;
	s5 =	sadd.s32 s3, s8;
	s18 =	spop (v2sf)  }
0x109: {  	[tilespmem:s1], [sflag:$0x3] =	stream.linear.gather [hbm4b:s5+s2], $0x80, $0x38;
	[tilespmem:$0x1A700] =	vst v63  }
0x10a: {  	s6 =	sadd.s32 s9, s26;
	s17 =	sand.u32 $0x1FFFFFF0, s10;
	s21 =	spop (v2sf)  }
0x10b: {  	s12 =	sadd.s32 $0x2700, s6;
	s19 =	sadd.s32 s3, s17;
	s22 =	spop (v2sf)  }
0x10c: {  	[tilespmem:s12], [sflag:$0x3] =	stream.linear.gather [hbm4b:s19+s2], $0x80, $0x38;
	[tilespmem:$0x1A700] =	vst v63  }
0x10d: {  	s20 =	sadd.s32 s15, s18;
	s6 =	sand.u32 $0x1FFFFFF0, s21;
	s23 =	spop (v2sf)  }
0x10e: {  	s5 =	sadd.s32 $0x2700, s20;
	s6 =	sadd.s32 s3, s6;
	s24 =	spop (v2sf)  }
0x10f: {  	[tilespmem:s5], [sflag:$0x3] =	stream.linear.gather [hbm4b:s6+s2], $0x80, $0x38;
	[tilespmem:$0x1A700] =	vst v63  }
0x110: {  	s4 =	smov.u32 s16;
	s7 =	sadd.s32 s23, s22;
	s26 =	sand.u32 $0x1FFFFFF0, s24  }
0x111: {  	s4 =	sshra.s32 s4, $0x2;
	s25 =	sadd.s32 $0x2700, s7;
	s1 =	sadd.s32 s3, s26  }
0x112: {  	[tilespmem:s25], [sflag:$0x3] =	stream.linear.gather [hbm4b:s1+s2], $0x80, $0x38;
	[tilespmem:$0x1A700] =	vst v63  }
0x113: {  	v4 =	vld.idx.msk [tilespmem:v2+s4+$0x0 ss:$0x1], $0xffff  }
0x114: {  	v5 =	vld.idx.msk [tilespmem:v1+s4+$0x0 ss:$0x1], $0xffff;
	_ =	sdelay $0x2  }
0x115: {  	s1 =	rddreg [dreg:$0x4]  }
0x116: {  	v7 =	vld.idx.msk [tilespmem:v3+s4+$0x0 ss:$0x1], $0xffff;
	v4 =	vadd.s32 s1, v4  }
0x117: {  	v5 =	vshll.u32 v5, $0x9;
	v4 =	vshll.u32 v4, $0xE  }
0x118: {  	v6 =	vshra.s32 v4, $0x2;
	v4 =	vshra.s32 v5, $0x2  }
0x119: {  	(v2sf) =	vpush v4, $0xE  }
0x11a: {  	(v2sf) =	vpush v4, $0xA  }
0x11b: {  	v5 =	vshll.u32 v7, $0x4;
	(v2sf) =	vpush v6, $0x9  }
0x11c: {  	(v2sf) =	vpush v5, $0xA  }
0x11d: {  	(v2sf) =	vpush v4, $0x9  }
0x11e: {  	(v2sf) =	vpush v5, $0x8  }
0x11f: {  	(v2sf) =	vpush v6, $0xB  }
0x120: {  	(v2sf) =	vpush v4, $0xB  }
0x121: {  	(v2sf) =	vpush v6, $0x7  }
0x122: {  	(v2sf) =	vpush v4, $0x7  }
0x123: {  	(v2sf) =	vpush v5, $0x5  }
0x124: {  	(v2sf) =	vpush v6, $0x6  }
0x125: {  	(v2sf) =	vpush v4, $0x6  }
0x126: {  	(v2sf) =	vpush v6, $0x5  }
0x127: {  	(v2sf) =	vpush v5, $0x6  }
0x128: {  	(v2sf) =	vpush v4, $0x4;
	s15 =	spop (v2sf)  }
0x129: {  	(v2sf) =	vpush v6, $0x4;
	s17 =	spop (v2sf)  }
0x12a: {  	(v2sf) =	vpush v4, $0x5;
	s4 =	spop (v2sf)  }
0x12b: {  	(v2sf) =	vpush v5, $0x4;
	s6 =	spop (v2sf)  }
0x12c: {  	(v2sf) =	vpush v5, $0x3;
	s5 =	spop (v2sf)  }
0x12d: {  	s20 =	sadd.s32 s5, s4;
	(v2sf) =	vpush v5, $0x2;
	s4 =	spop (v2sf)  }
0x12e: {  	(v2sf) =	vpush v6, $0x3;
	s7 =	spop (v2sf)  }
0x12f: {  	(v2sf) =	vpush v6, $0x2;
	s8 =	spop (v2sf)  }
0x130: {  	(v2sf) =	vpush v4, $0x3;
	s5 =	spop (v2sf)  }
0x131: {  	s21 =	sadd.s32 s8, s7;
	(v2sf) =	vpush v5, $0x1;
	s7 =	spop (v2sf)  }
0x132: {  	(v2sf) =	vpush v4, $0x2;
	s8 =	spop (v2sf)  }
0x133: {  	(v2sf) =	vpush v6, $0x1;
	s9 =	spop (v2sf)  }
0x134: {  	(v2sf) =	vpush v4, $0x1;
	s19 =	spop (v2sf)  }
0x135: {  	(v2sf) =	vpush v5, $0x0;
	s23 =	spop (v2sf)  }
0x136: {  	(v2sf) =	vpush v6, $0x0;
	s24 =	spop (v2sf)  }
0x137: {  	(v2sf) =	vpush v4, $0x0;
	s25 =	spop (v2sf)  }
0x138: {  	s26 =	spop (v2sf);
	(v2sf) =	vpush v5, $0x7  }
0x139: {  	s12 =	spop (v2sf);
	(v2sf) =	vpush v6, $0xD  }
0x13a: {  	s18 =	spop (v2sf)  }
0x13b: {  	s9 =	sadd.s32 s19, s9;
	s19 =	spop (v2sf)  }
0x13c: {  	s22 =	sand.u32 $0x1FFFFFF0, s24;
	s24 =	sadd.s32 s12, s23;
	s23 =	spop (v2sf)  }
0x13d: {  	p0 =	sne.s32 s16, $0x300;
	s28 =	sadd.s32 s25, s26;
	s25 =	spop (v2sf)  }
0x13e: {  	s30 =	sadd.s32 s7, s5;
	s8 =	sand.u32 $0x1FFFFFF0, s8;
	s26 =	spop (v2sf)  }
0x13f: {  	s31 =	sadd.s32 s3, s8;
	s0 =	sand.u32 $0x1FFFFFF0, s18;
	s8 =	spop (v2sf)  }
0x140: {  	s1 =	sand.u32 $0x1FFFFFF0, s19;
	s12 =	sand.u32 $0x1FFFFFF0, s23;
	s10 =	spop (v2sf)  }
0x141: {  	s23 =	sadd.s32 $0x2700, s9;
	s18 =	sadd.s32 s3, s12;
	s19 =	spop (v2sf)  }
0x142: {  	s7 =	sadd.s32 s8, s25;
	s5 =	sand.u32 $0x1FFFFFF0, s10;
	s25 =	spop (v2sf)  }
0x143: {  	(v2sf) =	vpush v6, $0x8;
	s10 =	sadd.s32 s3, s5;
	s9 =	sadd.s32 s19, s26;
	s26 =	spop (v2sf)  }
.Ltmp9:
0x144: {  	(v2sf) =	vpush v4, $0x8;
	s5 =	sadd.s32 s26, s25;
	s8 =	spop (v2sf);
	(pc) =	sbr.rel @p0 .LBB2_15-.Ltmp9, $4  }
0x145: {  	(v2sf) =	vpush v5, $0x9;
	s25 =	sand.u32 $0x1FFFFFF0, s6;
	s6 =	sand.u32 $0x1FFFFFF0, s8;
	s12 =	spop (v2sf)  }
0x146: {  	s16 =	sadd.s32 $0x40, s16;
	(v2sf) =	vpush v6, $0xA;
	s29 =	sadd.s32 s3, s6;
	s26 =	spop (v2sf)  }
0x147: {  	(v2sf) =	vpush v5, $0xB;
	s6 =	sand.u32 $0x1FFFFFF0, s4;
	s4 =	sadd.s32 s26, s12;
	s8 =	spop (v2sf)  }
0x148: {  	s19 =	sadd.s32 $0x2700, s5;
	(v2sf) =	vpush v6, $0xC;
	s5 =	sadd.s32 $0x2700, s4;
	s26 =	spop (v2sf)  }
0x149: {  	[tilespmem:s5], [sflag:$0x3] =	stream.linear.gather [hbm4b:s29+s2], $0x80, $0x38;
	[tilespmem:$0x1A700] =	vst v63  }
0x14a: {  	_ = 	snop  }
0x14b: {  	[tilespmem:s19], [sflag:$0x3] =	stream.linear.gather [hbm4b:s10+s2], $0x80, $0x38;
	[tilespmem:$0x1A700] =	vst v63  }
0x14c: {  	s19 =	sadd.s32 $0x2700, s9  }
0x14d: {  	[tilespmem:s19], [sflag:$0x3] =	stream.linear.gather [hbm4b:s18+s2], $0x80, $0x38;
	[tilespmem:$0x1A700] =	vst v63  }
0x14e: {  	s7 =	sadd.s32 $0x2700, s7;
	s1 =	sadd.s32 s3, s1  }
0x14f: {  	[tilespmem:s7], [sflag:$0x3] =	stream.linear.gather [hbm4b:s1+s2], $0x80, $0x38;
	[tilespmem:$0x1A700] =	vst v63  }
0x150: {  	s0 =	sadd.s32 s3, s0;
	s9 =	sadd.s32 $0x2700, s28  }
0x151: {  	[tilespmem:s9], [sflag:$0x3] =	stream.linear.gather [hbm4b:s0+s2], $0x80, $0x38;
	[tilespmem:$0x1A700] =	vst v63  }
0x152: {  	s4 =	spop (v2sf)  }
0x153: {  	s5 =	sand.u32 $0x1FFFFFF0, s8;
	s12 =	sadd.s32 $0x2700, s24;
	(v2sf) =	vpush v4, $0xC;
	s29 =	spop (v2sf)  }
0x154: {  	(v2sf) =	vpush v5, $0xC;
	[tilespmem:s12], [sflag:$0x3] =	stream.linear.gather [hbm4b:s31+s2], $0x80, $0x38;
	[tilespmem:$0x1A700] =	vst v63  }
0x155: {  	s5 =	sadd.s32 s3, s5;
	(v2sf) =	vpush v4, $0xD;
	s10 =	spop (v2sf)  }
0x156: {  	s19 =	sadd.s32 s3, s22;
	s31 =	sadd.s32 $0x2700, s20;
	(v2sf) =	vpush v5, $0xD;
	s18 =	spop (v2sf)  }
0x157: {  	[tilespmem:s23], [sflag:$0x3] =	stream.linear.gather [hbm4b:s19+s2], $0x80, $0x38;
	(v2sf) =	vpush v6, $0xE;
	[tilespmem:$0x1A700] =	vst v63  }
0x158: {  	s4 =	sadd.s32 s29, s4;
	s23 =	sadd.s32 $0x2700, s30;
	s22 =	spop (v2sf)  }
0x159: {  	(v2sf) =	vpush v5, $0xE;
	[tilespmem:s23], [sflag:$0x3] =	stream.linear.gather [hbm4b:s5+s2], $0x80, $0x38;
	[tilespmem:$0x1A700] =	vst v63  }
0x15a: {  	s29 =	sadd.s32 s3, s6;
	s16 =	sand.u32 $0x1FFFFFF0, s10;
	s4 =	sadd.s32 $0x2700, s4;
	(v2sf) =	vpush v6, $0xF  }
0x15b: {  	[tilespmem:s4], [sflag:$0x3] =	stream.linear.gather [hbm4b:s29+s2], $0x80, $0x38;
	[tilespmem:$0x1A700] =	vst v63  }
0x15c: {  	s7 =	sadd.s32 s17, s18;
	s1 =	sadd.s32 s3, s16;
	s24 =	spop (v2sf);
	(v2sf) =	vpush v4, $0xF  }
0x15d: {  	(v2sf) =	vpush v5, $0xF;
	[tilespmem:s31], [sflag:$0x3] =	stream.linear.gather [hbm4b:s1+s2], $0x80, $0x38;
	[tilespmem:$0x1A700] =	vst v63  }
0x15e: {  	s28 =	sand.u32 $0x1FFFFFF0, s22;
	s6 =	sadd.s32 $0x2700, s7;
	s7 =	sadd.s32 s3, s25  }
0x15f: {  	[tilespmem:s6], [sflag:$0x3] =	stream.linear.gather [hbm4b:s7+s2], $0x80, $0x38;
	[tilespmem:$0x1A700] =	vst v63  }
0x160: {  	s10 =	sadd.s32 $0x2700, s21;
	s0 =	sadd.s32 s3, s28  }
0x161: {  	[tilespmem:s10], [sflag:$0x3] =	stream.linear.gather [hbm4b:s0+s2], $0x80, $0x38;
	[tilespmem:$0x1A700] =	vst v63  }
0x162: {  	s30 =	spop (v2sf)  }
0x163: {  	s8 =	spop (v2sf)  }
0x164: {  	s4 =	sadd.s32 s30, s24;
	s12 =	spop (v2sf)  }
0x165: {  	s6 =	sand.u32 $0x1FFFFFF0, s8;
	s17 =	sadd.s32 $0x2700, s4;
	s16 =	spop (v2sf)  }
0x166: {  	s18 =	sadd.s32 s3, s6;
	s20 =	sadd.s32 s12, s26;
	s19 =	spop (v2sf)  }
0x167: {  	[tilespmem:s17], [sflag:$0x3] =	stream.linear.gather [hbm4b:s18+s2], $0x80, $0x38;
	[tilespmem:$0x1A700] =	vst v63  }
0x168: {  	s0 =	sadd.s32 $0x2700, s20;
	s22 =	sand.u32 $0x1FFFFFF0, s16;
	s21 =	spop (v2sf)  }
0x169: {  	s5 =	sadd.s32 s3, s22;
	s4 =	sadd.s32 s15, s19;
	s23 =	spop (v2sf)  }
0x16a: {  	[tilespmem:s0], [sflag:$0x3] =	stream.linear.gather [hbm4b:s5+s2], $0x80, $0x38;
	[tilespmem:$0x1A700] =	vst v63  }
0x16b: {  	s1 =	sand.u32 $0x1FFFFFF0, s21;
	s4 =	sadd.s32 $0x2700, s4;
	s24 =	spop (v2sf)  }
.Ltmp10:
0x16c: {  	s26 =	sadd.s32 s3, s1;
	s25 =	spop (v2sf);
	(pc) =	sbr.rel .LBB2_17-.Ltmp10, $4  }
0x16d: {  	[tilespmem:s4], [sflag:$0x3] =	stream.linear.gather [hbm4b:s26+s2], $0x80, $0x38;
	[tilespmem:$0x1A700] =	vst v63  }
0x16e: {  	s6 =	rddreg [dreg:$0x9];
	s28 =	sadd.s32 s24, s23;
	s29 =	sand.u32 $0x1FFFFFF0, s25  }
0x16f: {  	s5 =	rddreg [dreg:$0x6];
	s30 =	sadd.s32 $0x2700, s28;
	s31 =	sadd.s32 s3, s29  }
0x170: {  	[tilespmem:s30], [sflag:$0x3] =	stream.linear.gather [hbm4b:s31+s2], $0x80, $0x38;
	[tilespmem:$0x1A700] =	vst v63  }
.LBB2_18:
0x171: {  	p0 =	seq.s32 s11, $0xF  }
.Ltmp11:
0x172: {  	_ = 	snop;
	(pc) =	sbr.rel @p0 .LBB2_21-.Ltmp11, $4  }
0x173: {  	s0 =	simm.s32 $0x4  }
0x174: {  	_ =	swait.ge [sflag:s0], $0x6800  }
0x175: {  	[sflag:s0] =	ssyncset.done $0x0  }
0x176: {  	[sflag:s0] =	ssyncadd.s32 $0xFFFF9800  }
0x177: {  	v3 =	vmov s13  }
0x178: {  	s0 =	sshll.u32 s11, $0x3  }
0x179: {  	v4 =	vmov s14;
	s0 =	sadd.s32 $0x8, s0  }
0x17a: {  	s15 =	simm.s32 $0x0;
	v2 =	vmov s6;
	v1 =	vmov s0  }
.LBB2_20:
0x17b: {  	s0 =	sshra.s32 s15, $0x2  }
0x17c: {  	v5 =	vld.idx.msk [tilespmem:v3+s0+$0x0 ss:$0x1], $0xffff;
	_ =	sdelay $0x1  }
0x17d: {  	v6 =	vld.idx.msk [tilespmem:v4+s0+$0x0 ss:$0x1], $0xffff;
	_ =	sdelay $0x2  }
0x17e: {  	v7 =	vld.idx.msk [tilespmem:v2+s0+$0x0 ss:$0x1], $0xffff;
	v5 =	vsub.s32 v5, v1  }
0x17f: {  	v5 =	vshll.u32 v5, $0xE  }
0x180: {  	v6 =	vshll.u32 v6, $0x9;
	v5 =	vshra.s32 v5, $0x2  }
0x181: {  	v6 =	vshra.s32 v6, $0x2;
	(v2sf) =	vpush v5, $0x0  }
0x182: {  	(v2sf) =	vpush v6, $0x0  }
0x183: {  	v7 =	vshll.u32 v7, $0x4  }
0x184: {  	(v2sf) =	vpush v7, $0x0  }
0x185: {  	(v2sf) =	vpush v5, $0x1  }
0x186: {  	(v2sf) =	vpush v6, $0x1;
	_ =	sdelay $0x1  }
0x187: {  	(v2sf) =	vpush v7, $0x1;
	_ =	sdelay $0x1  }
0x188: {  	(v2sf) =	vpush v5, $0x2;
	_ =	sdelay $0x1  }
0x189: {  	(v2sf) =	vpush v6, $0x2;
	_ =	sdelay $0x1  }
0x18a: {  	(v2sf) =	vpush v7, $0x2  }
0x18b: {  	(v2sf) =	vpush v5, $0x3  }
0x18c: {  	s25 =	spop (v2sf);
	(v2sf) =	vpush v6, $0x3  }
0x18d: {  	s1 =	spop (v2sf);
	(v2sf) =	vpush v7, $0x3;
	_ =	sdelay $0x1  }
0x18e: {  	s4 =	spop (v2sf)  }
0x18f: {  	s0 =	sadd.s32 s1, s25;
	(v2sf) =	vpush v5, $0x4;
	s26 =	sand.u32 $0x1FFFFFF0, s4;
	s28 =	spop (v2sf)  }
0x190: {  	s0 =	sadd.s32 $0x2700, s0;
	(v2sf) =	vpush v6, $0x4;
	s1 =	sadd.s32 s3, s26;
	s29 =	spop (v2sf)  }
0x191: {  	[tilespmem:s0], [sflag:$0x1] =	stream.linear.gather [hbm4b:s1+s2], $0x80, $0x38;
	[tilespmem:$0x1A700] =	vst v63  }
0x192: {  	(v2sf) =	vpush v7, $0x4;
	s30 =	spop (v2sf)  }
0x193: {  	s0 =	sadd.s32 s29, s28;
	(v2sf) =	vpush v5, $0x5;
	s1 =	sand.u32 $0x1FFFFFF0, s30  }
0x194: {  	s0 =	sadd.s32 $0x2700, s0;
	s31 =	spop (v2sf);
	(v2sf) =	vpush v6, $0x5;
	s1 =	sadd.s32 s3, s1  }
0x195: {  	[tilespmem:s0], [sflag:$0x1] =	stream.linear.gather [hbm4b:s1+s2], $0x80, $0x38;
	[tilespmem:$0x1A700] =	vst v63  }
0x196: {  	s1 =	spop (v2sf);
	(v2sf) =	vpush v7, $0x5;
	_ =	sdelay $0x1  }
0x197: {  	s7 =	spop (v2sf);
	(v2sf) =	vpush v5, $0x6  }
0x198: {  	s8 =	spop (v2sf)  }
0x199: {  	s9 =	spop (v2sf);
	(v2sf) =	vpush v6, $0x6  }
0x19a: {  	s10 =	spop (v2sf);
	(v2sf) =	vpush v7, $0x6;
	_ =	sdelay $0x2  }
0x19b: {  	s12 =	spop (v2sf);
	(v2sf) =	vpush v5, $0x7  }
0x19c: {  	s16 =	spop (v2sf);
	(v2sf) =	vpush v6, $0x7;
	_ =	sdelay $0x1  }
0x19d: {  	s17 =	spop (v2sf);
	(v2sf) =	vpush v7, $0x7  }
0x19e: {  	s18 =	spop (v2sf);
	(v2sf) =	vpush v5, $0x8  }
0x19f: {  	s19 =	spop (v2sf);
	(v2sf) =	vpush v6, $0x8;
	_ =	sdelay $0x1  }
0x1a0: {  	s20 =	spop (v2sf);
	(v2sf) =	vpush v7, $0x8  }
0x1a1: {  	s0 =	sadd.s32 s1, s31;
	s1 =	sand.u32 $0x1FFFFFF0, s7  }
0x1a2: {  	s0 =	sadd.s32 $0x2700, s0;
	s1 =	sadd.s32 s3, s1;
	s21 =	spop (v2sf);
	(v2sf) =	vpush v5, $0x9  }
0x1a3: {  	[tilespmem:s0], [sflag:$0x1] =	stream.linear.gather [hbm4b:s1+s2], $0x80, $0x38;
	[tilespmem:$0x1A700] =	vst v63  }
0x1a4: {  	s22 =	spop (v2sf);
	(v2sf) =	vpush v6, $0x9  }
0x1a5: {  	s0 =	sadd.s32 s9, s8;
	s1 =	sand.u32 $0x1FFFFFF0, s10;
	s23 =	spop (v2sf);
	(v2sf) =	vpush v7, $0x9  }
0x1a6: {  	s0 =	sadd.s32 $0x2700, s0;
	s1 =	sadd.s32 s3, s1  }
0x1a7: {  	[tilespmem:s0], [sflag:$0x1] =	stream.linear.gather [hbm4b:s1+s2], $0x80, $0x38;
	[tilespmem:$0x1A700] =	vst v63  }
0x1a8: {  	s0 =	sadd.s32 s16, s12;
	s1 =	sand.u32 $0x1FFFFFF0, s17;
	s24 =	spop (v2sf);
	(v2sf) =	vpush v5, $0xA  }
0x1a9: {  	s0 =	sadd.s32 $0x2700, s0;
	s1 =	sadd.s32 s3, s1;
	s25 =	spop (v2sf);
	(v2sf) =	vpush v6, $0xA  }
0x1aa: {  	[tilespmem:s0], [sflag:$0x1] =	stream.linear.gather [hbm4b:s1+s2], $0x80, $0x38;
	[tilespmem:$0x1A700] =	vst v63  }
0x1ab: {  	s26 =	spop (v2sf);
	(v2sf) =	vpush v7, $0xA  }
0x1ac: {  	s0 =	sadd.s32 s19, s18;
	s1 =	sand.u32 $0x1FFFFFF0, s20;
	s28 =	spop (v2sf);
	(v2sf) =	vpush v5, $0xB  }
0x1ad: {  	s0 =	sadd.s32 $0x2700, s0;
	s1 =	sadd.s32 s3, s1;
	s29 =	spop (v2sf);
	(v2sf) =	vpush v6, $0xB  }
0x1ae: {  	[tilespmem:s0], [sflag:$0x1] =	stream.linear.gather [hbm4b:s1+s2], $0x80, $0x38;
	[tilespmem:$0x1A700] =	vst v63  }
0x1af: {  	s30 =	spop (v2sf);
	(v2sf) =	vpush v7, $0xB  }
0x1b0: {  	s0 =	sadd.s32 s22, s21;
	s1 =	sand.u32 $0x1FFFFFF0, s23  }
0x1b1: {  	s0 =	sadd.s32 $0x2700, s0;
	s1 =	sadd.s32 s3, s1;
	s31 =	spop (v2sf);
	(v2sf) =	vpush v5, $0xC  }
0x1b2: {  	[tilespmem:s0], [sflag:$0x1] =	stream.linear.gather [hbm4b:s1+s2], $0x80, $0x38;
	[tilespmem:$0x1A700] =	vst v63  }
0x1b3: {  	s7 =	spop (v2sf);
	(v2sf) =	vpush v6, $0xC  }
0x1b4: {  	s0 =	sadd.s32 s25, s24;
	s1 =	sand.u32 $0x1FFFFFF0, s26;
	s8 =	spop (v2sf);
	(v2sf) =	vpush v7, $0xC  }
0x1b5: {  	s0 =	sadd.s32 $0x2700, s0;
	s1 =	sadd.s32 s3, s1  }
0x1b6: {  	[tilespmem:s0], [sflag:$0x1] =	stream.linear.gather [hbm4b:s1+s2], $0x80, $0x38;
	[tilespmem:$0x1A700] =	vst v63  }
0x1b7: {  	s0 =	sadd.s32 s29, s28;
	s1 =	sand.u32 $0x1FFFFFF0, s30;
	s9 =	spop (v2sf);
	(v2sf) =	vpush v5, $0xD  }
0x1b8: {  	s0 =	sadd.s32 $0x2700, s0;
	s1 =	sadd.s32 s3, s1;
	s10 =	spop (v2sf);
	(v2sf) =	vpush v6, $0xD  }
0x1b9: {  	[tilespmem:s0], [sflag:$0x1] =	stream.linear.gather [hbm4b:s1+s2], $0x80, $0x38;
	[tilespmem:$0x1A700] =	vst v63  }
0x1ba: {  	s12 =	spop (v2sf);
	(v2sf) =	vpush v7, $0xD  }
0x1bb: {  	s0 =	sadd.s32 s7, s31;
	s1 =	sand.u32 $0x1FFFFFF0, s8;
	s16 =	spop (v2sf);
	(v2sf) =	vpush v5, $0xE  }
0x1bc: {  	s0 =	sadd.s32 $0x2700, s0;
	s1 =	sadd.s32 s3, s1;
	s17 =	spop (v2sf);
	(v2sf) =	vpush v6, $0xE  }
0x1bd: {  	[tilespmem:s0], [sflag:$0x1] =	stream.linear.gather [hbm4b:s1+s2], $0x80, $0x38;
	[tilespmem:$0x1A700] =	vst v63  }
0x1be: {  	s18 =	spop (v2sf);
	(v2sf) =	vpush v7, $0xE  }
0x1bf: {  	s0 =	sadd.s32 s10, s9;
	s1 =	sand.u32 $0x1FFFFFF0, s12  }
0x1c0: {  	s0 =	sadd.s32 $0x2700, s0;
	s1 =	sadd.s32 s3, s1;
	s19 =	spop (v2sf);
	(v2sf) =	vpush v5, $0xF  }
0x1c1: {  	[tilespmem:s0], [sflag:$0x1] =	stream.linear.gather [hbm4b:s1+s2], $0x80, $0x38;
	[tilespmem:$0x1A700] =	vst v63  }
0x1c2: {  	s20 =	spop (v2sf);
	(v2sf) =	vpush v6, $0xF  }
0x1c3: {  	s0 =	sadd.s32 s17, s16;
	s1 =	sand.u32 $0x1FFFFFF0, s18;
	s21 =	spop (v2sf);
	(v2sf) =	vpush v7, $0xF  }
0x1c4: {  	s0 =	sadd.s32 $0x2700, s0;
	s1 =	sadd.s32 s3, s1  }
0x1c5: {  	[tilespmem:s0], [sflag:$0x1] =	stream.linear.gather [hbm4b:s1+s2], $0x80, $0x38;
	[tilespmem:$0x1A700] =	vst v63  }
0x1c6: {  	s0 =	sadd.s32 s20, s19;
	s1 =	sand.u32 $0x1FFFFFF0, s21;
	s22 =	spop (v2sf)  }
0x1c7: {  	s0 =	sadd.s32 $0x2700, s0;
	s1 =	sadd.s32 s3, s1;
	s23 =	spop (v2sf)  }
0x1c8: {  	[tilespmem:s0], [sflag:$0x1] =	stream.linear.gather [hbm4b:s1+s2], $0x80, $0x38;
	[tilespmem:$0x1A700] =	vst v63  }
0x1c9: {  	s24 =	spop (v2sf)  }
0x1ca: {  	s0 =	sadd.s32 s23, s22;
	s1 =	sand.u32 $0x1FFFFFF0, s24;
	s25 =	spop (v2sf)  }
0x1cb: {  	s0 =	sadd.s32 $0x2700, s0;
	s1 =	sadd.s32 s3, s1;
	s26 =	spop (v2sf)  }
0x1cc: {  	[tilespmem:s0], [sflag:$0x1] =	stream.linear.gather [hbm4b:s1+s2], $0x80, $0x38;
	[tilespmem:$0x1A700] =	vst v63  }
0x1cd: {  	s28 =	spop (v2sf)  }
0x1ce: {  	p0 =	sne.s32 s15, $0x300;
	s0 =	sadd.s32 s26, s25;
	s1 =	sand.u32 $0x1FFFFFF0, s28  }
0x1cf: {  	s0 =	sadd.s32 $0x2700, s0;
	s29 =	spop (v2sf);
	s1 =	sadd.s32 s3, s1  }
0x1d0: {  	[tilespmem:s0], [sflag:$0x1] =	stream.linear.gather [hbm4b:s1+s2], $0x80, $0x38;
	[tilespmem:$0x1A700] =	vst v63  }
.Ltmp12:
0x1d1: {  	s30 =	spop (v2sf);
	(pc) =	sbr.rel @p0 .LBB2_20-.Ltmp12, $4  }
0x1d2: {  	s31 =	spop (v2sf)  }
0x1d3: {  	s0 =	sadd.s32 s30, s29;
	s1 =	sand.u32 $0x1FFFFFF0, s31  }
0x1d4: {  	s15 =	sadd.s32 $0x40, s15;
	s0 =	sadd.s32 $0x2700, s0;
	s1 =	sadd.s32 s3, s1  }
0x1d5: {  	[tilespmem:s0], [sflag:$0x1] =	stream.linear.gather [hbm4b:s1+s2], $0x80, $0x38;
	[tilespmem:$0x1A700] =	vst v63  }
.LBB2_21:
0x1d6: {  	s1 =	simm.s32 $0x3  }
0x1d7: {  	_ =	swait.ge [sflag:s1], $0x6800  }
0x1d8: {  	s0 =	sshll.u32 s11, $0xC;
	[sflag:s1] =	ssyncset.done $0x0  }
0x1d9: {  	s18 =	simm.s32 $0x12700;
	s0 =	sadd.s32 s0, s5;
	[sflag:s1] =	ssyncadd.s32 $0xFFFF9800  }
0x1da: {  	[hbm4b:s0+s2] =	stream.linear.scatter [tilespmem:s18], [sflag:$0x6], $0xD00, $0x38;
	[tilespmem:$0x1A700] =	vst v63  }
0x1db: {  	s4 =	simm.s32 $0x13700;
	s19 =	sadd.s32 $0x200, s0  }
0x1dc: {  	[hbm4b:s19+s2] =	stream.linear.scatter [tilespmem:s4], [sflag:$0x6], $0xD00, $0x38;
	[tilespmem:$0x1A700] =	vst v63  }
0x1dd: {  	s21 =	simm.s32 $0x14700;
	s20 =	sadd.s32 $0x400, s0  }
0x1de: {  	[hbm4b:s20+s2] =	stream.linear.scatter [tilespmem:s21], [sflag:$0x6], $0xD00, $0x38;
	[tilespmem:$0x1A700] =	vst v63  }
0x1df: {  	s23 =	simm.s32 $0x15700;
	s22 =	sadd.s32 $0x600, s0  }
0x1e0: {  	[hbm4b:s22+s2] =	stream.linear.scatter [tilespmem:s23], [sflag:$0x6], $0xD00, $0x38;
	[tilespmem:$0x1A700] =	vst v63  }
0x1e1: {  	s25 =	simm.s32 $0x16700;
	s24 =	sadd.s32 $0x800, s0  }
0x1e2: {  	[hbm4b:s24+s2] =	stream.linear.scatter [tilespmem:s25], [sflag:$0x6], $0xD00, $0x38;
	[tilespmem:$0x1A700] =	vst v63  }
0x1e3: {  	s28 =	simm.s32 $0x17700;
	s26 =	sadd.s32 $0xA00, s0  }
0x1e4: {  	[hbm4b:s26+s2] =	stream.linear.scatter [tilespmem:s28], [sflag:$0x6], $0xD00, $0x38;
	[tilespmem:$0x1A700] =	vst v63  }
.Ltmp13:
0x1e5: {  	_ = 	snop;
	(pc) =	sbr.rel .LBB2_22-.Ltmp13, $4  }
0x1e6: {  	s30 =	simm.s32 $0x18700;
	s29 =	sadd.s32 $0xC00, s0  }
0x1e7: {  	[hbm4b:s29+s2] =	stream.linear.scatter [tilespmem:s30], [sflag:$0x6], $0xD00, $0x38;
	[tilespmem:$0x1A700] =	vst v63  }
0x1e8: {  	s31 =	simm.s32 $0x19700;
	s0 =	sadd.s32 $0xE00, s0  }
0x1e9: {  	[hbm4b:s0+s2] =	stream.linear.scatter [tilespmem:s31], [sflag:$0x6], $0xD00, $0x38;
	[tilespmem:$0x1A700] =	vst v63  }
.LBB2_8:
0x1ea: {  	p1 =	por p0, !p1  }
.Ltmp14:
0x1eb: {  	_ = 	snop;
	(pc) =	sbr.rel @!p1 .LBB2_12-.Ltmp14, $4  }
0x1ec: {  	s0 =	simm.s32 @!p0 $0x5  }
0x1ed: {  	_ =	swait.ge @!p0 [sflag:s0], $0x6800  }
0x1ee: {  	[sflag:s0] =	ssyncset.done @!p0 $0x0  }
0x1ef: {  	[sflag:s0] =	ssyncadd.s32 @!p0 $0xFFFF9800  }
0x1f0: {  	v1 =	vmov s14  }
0x1f1: {  	v2 =	vmov s13;
	_ =	sdelay $0x2  }
0x1f2: {  	v3 =	vmov s6;
	s1 =	simm.s32 $0x0  }
0x1f3: {  	v4 =	vld.idx.msk [tilespmem:v1+s1+$0x0 ss:$0x1], $0xffff  }
0x1f4: {  	s0 =	sxor.u32 $0xFFFFFFFF, s11;
	v5 =	vld.idx.msk [tilespmem:v2+s1+$0x0 ss:$0x1], $0xffff  }
0x1f5: {  	s0 =	sshll.u32 s0, $0x3  }
0x1f6: {  	s0 =	sadd.s32 $0x8, s0  }
0x1f7: {  	[dreg:$0x3] =	wrdreg s0;
	v7 =	vld.idx.msk [tilespmem:v3+s1+$0x0 ss:$0x1], $0xffff  }
0x1f8: {  	s0 =	rddreg [dreg:$0x3];
	v4 =	vshll.u32 v4, $0x9  }
0x1f9: {  	v5 =	vadd.s32 s0, v5;
	v4 =	vshra.s32 v4, $0x2  }
0x1fa: {  	v5 =	vshll.u32 v5, $0xE;
	(v2sf) =	vpush v4, $0xE  }
0x1fb: {  	v6 =	vshra.s32 v5, $0x2;
	(v2sf) =	vpush v4, $0xA  }
0x1fc: {  	v5 =	vshll.u32 v7, $0x4;
	(v2sf) =	vpush v6, $0x9  }
0x1fd: {  	(v2sf) =	vpush v5, $0xA  }
0x1fe: {  	(v2sf) =	vpush v4, $0x9  }
0x1ff: {  	(v2sf) =	vpush v5, $0x8  }
0x200: {  	(v2sf) =	vpush v6, $0xB  }
0x201: {  	(v2sf) =	vpush v4, $0xB  }
0x202: {  	(v2sf) =	vpush v6, $0x7  }
0x203: {  	(v2sf) =	vpush v4, $0x7  }
0x204: {  	(v2sf) =	vpush v5, $0x5  }
0x205: {  	(v2sf) =	vpush v6, $0x6  }
0x206: {  	(v2sf) =	vpush v4, $0x6  }
0x207: {  	(v2sf) =	vpush v6, $0x5  }
0x208: {  	(v2sf) =	vpush v5, $0x6  }
0x209: {  	(v2sf) =	vpush v4, $0x4;
	s15 =	spop (v2sf)  }
0x20a: {  	(v2sf) =	vpush v6, $0x4;
	s17 =	spop (v2sf)  }
0x20b: {  	(v2sf) =	vpush v4, $0x5;
	s20 =	spop (v2sf)  }
0x20c: {  	[dreg:$0x9] =	wrdreg s6;
	(v2sf) =	vpush v5, $0x4;
	s6 =	spop (v2sf)  }
0x20d: {  	(v2sf) =	vpush v5, $0x3;
	s21 =	spop (v2sf)  }
0x20e: {  	(v2sf) =	vpush v5, $0x2;
	s4 =	spop (v2sf)  }
0x20f: {  	(v2sf) =	vpush v6, $0x3;
	s5 =	spop (v2sf)  }
0x210: {  	(v2sf) =	vpush v6, $0x2;
	s7 =	spop (v2sf)  }
0x211: {  	(v2sf) =	vpush v4, $0x3;
	s8 =	spop (v2sf)  }
0x212: {  	(v2sf) =	vpush v5, $0x1;
	s9 =	spop (v2sf)  }
0x213: {  	(v2sf) =	vpush v4, $0x2;
	s10 =	spop (v2sf)  }
0x214: {  	(v2sf) =	vpush v6, $0x1;
	s18 =	spop (v2sf)  }
0x215: {  	(v2sf) =	vpush v4, $0x1;
	s19 =	spop (v2sf)  }
0x216: {  	(v2sf) =	vpush v5, $0x0;
	s23 =	spop (v2sf)  }
0x217: {  	(v2sf) =	vpush v6, $0x0;
	s22 =	spop (v2sf)  }
0x218: {  	(v2sf) =	vpush v4, $0x0;
	s24 =	spop (v2sf)  }
0x219: {  	s25 =	spop (v2sf);
	(v2sf) =	vpush v5, $0x7  }
0x21a: {  	s26 =	spop (v2sf);
	(v2sf) =	vpush v6, $0xD  }
0x21b: {  	s29 =	spop (v2sf)  }
0x21c: {  	s16 =	simm.s32 $0x40;
	s30 =	spop (v2sf)  }
0x21d: {  	s20 =	sadd.s32 s21, s20;
	s10 =	sand.u32 $0x1FFFFFF0, s10;
	s12 =	spop (v2sf)  }
0x21e: {  	s21 =	sadd.s32 s7, s5;
	s31 =	sadd.s32 s3, s10;
	s7 =	spop (v2sf)  }
0x21f: {  	s18 =	sadd.s32 s19, s18;
	s28 =	sadd.s32 s24, s25;
	s25 =	spop (v2sf)  }
0x220: {  	s22 =	sand.u32 $0x1FFFFFF0, s22;
	s24 =	sadd.s32 s26, s23;
	s19 =	spop (v2sf)  }
0x221: {  	s23 =	sadd.s32 $0x2700, s18;
	s5 =	sand.u32 $0x1FFFFFF0, s12;
	s12 =	spop (v2sf)  }
0x222: {  	s0 =	sand.u32 $0x1FFFFFF0, s29;
	s1 =	sand.u32 $0x1FFFFFF0, s30;
	s18 =	spop (v2sf)  }
0x223: {  	s30 =	sadd.s32 s9, s8;
	s10 =	sand.u32 $0x1FFFFFF0, s12;
	s26 =	spop (v2sf)  }
0x224: {  	(v2sf) =	vpush v6, $0x8;
	s7 =	sadd.s32 s19, s7;
	s10 =	sadd.s32 s3, s10;
	s12 =	spop (v2sf)  }
0x225: {  	(v2sf) =	vpush v4, $0x8;
	s9 =	sadd.s32 s18, s25;
	s18 =	sadd.s32 s3, s5;
	s19 =	spop (v2sf)  }
0x226: {  	(v2sf) =	vpush v5, $0x9;
	s25 =	sand.u32 $0x1FFFFFF0, s6;
	s8 =	sadd.s32 s12, s26;
	s26 =	spop (v2sf)  }
0x227: {  	(v2sf) =	vpush v6, $0xA;
	s6 =	sand.u32 $0x1FFFFFF0, s4;
	s5 =	sand.u32 $0x1FFFFFF0, s19;
	s12 =	spop (v2sf)  }
0x228: {  	(v2sf) =	vpush v5, $0xB;
	s19 =	sadd.s32 $0x2700, s8;
	s26 =	sadd.s32 s12, s26;
	s8 =	spop (v2sf)  }
0x229: {  	s29 =	sadd.s32 s3, s5;
	(v2sf) =	vpush v6, $0xC;
	s5 =	sadd.s32 $0x2700, s26;
	s26 =	spop (v2sf)  }
.LBB2_10:
0x22a: {  	[tilespmem:s5], [sflag:$0x2] =	stream.linear.gather [hbm4b:s29+s2], $0x80, $0x38;
	[tilespmem:$0x1A700] =	vst v63  }
0x22b: {  	_ = 	snop  }
0x22c: {  	[tilespmem:s19], [sflag:$0x2] =	stream.linear.gather [hbm4b:s10+s2], $0x80, $0x38;
	[tilespmem:$0x1A700] =	vst v63  }
0x22d: {  	s5 =	sadd.s32 $0x2700, s9  }
0x22e: {  	[tilespmem:s5], [sflag:$0x2] =	stream.linear.gather [hbm4b:s18+s2], $0x80, $0x38;
	[tilespmem:$0x1A700] =	vst v63  }
0x22f: {  	s7 =	sadd.s32 $0x2700, s7;
	s1 =	sadd.s32 s3, s1  }
0x230: {  	[tilespmem:s7], [sflag:$0x2] =	stream.linear.gather [hbm4b:s1+s2], $0x80, $0x38;
	[tilespmem:$0x1A700] =	vst v63  }
0x231: {  	s0 =	sadd.s32 s3, s0;
	s5 =	sadd.s32 $0x2700, s28  }
0x232: {  	[tilespmem:s5], [sflag:$0x2] =	stream.linear.gather [hbm4b:s0+s2], $0x80, $0x38;
	[tilespmem:$0x1A700] =	vst v63  }
0x233: {  	s12 =	spop (v2sf);
	(v2sf) =	vpush v4, $0xC  }
0x234: {  	s9 =	spop (v2sf)  }
0x235: {  	s8 =	sand.u32 $0x1FFFFFF0, s8;
	(v2sf) =	vpush v5, $0xC;
	s19 =	spop (v2sf)  }
0x236: {  	s9 =	sadd.s32 s9, s12;
	(v2sf) =	vpush v4, $0xD;
	s12 =	sadd.s32 $0x2700, s24;
	s18 =	spop (v2sf)  }
0x237: {  	(v2sf) =	vpush v5, $0xD;
	[tilespmem:s12], [sflag:$0x2] =	stream.linear.gather [hbm4b:s31+s2], $0x80, $0x38;
	[tilespmem:$0x1A700] =	vst v63  }
0x238: {  	s7 =	sand.u32 $0x1FFFFFF0, s19;
	s19 =	sadd.s32 s3, s22;
	s22 =	spop (v2sf);
	(v2sf) =	vpush v6, $0xE  }
0x239: {  	[tilespmem:s23], [sflag:$0x2] =	stream.linear.gather [hbm4b:s19+s2], $0x80, $0x38;
	[tilespmem:$0x1A700] =	vst v63  }
0x23a: {  	s6 =	sadd.s32 s3, s6;
	s8 =	sadd.s32 s3, s8;
	s24 =	sadd.s32 $0x2700, s30;
	(v2sf) =	vpush v5, $0xE  }
0x23b: {  	(v2sf) =	vpush v6, $0xF;
	[tilespmem:s24], [sflag:$0x2] =	stream.linear.gather [hbm4b:s8+s2], $0x80, $0x38;
	[tilespmem:$0x1A700] =	vst v63  }
0x23c: {  	s9 =	sadd.s32 $0x2700, s9;
	s5 =	sadd.s32 s17, s18;
	s12 =	spop (v2sf)  }
0x23d: {  	(v2sf) =	vpush v4, $0xF;
	[tilespmem:s9], [sflag:$0x2] =	stream.linear.gather [hbm4b:s6+s2], $0x80, $0x38;
	[tilespmem:$0x1A700] =	vst v63  }
0x23e: {  	s17 =	sadd.s32 s3, s7;
	s18 =	sadd.s32 $0x2700, s21;
	s21 =	sadd.s32 $0x2700, s20;
	(v2sf) =	vpush v5, $0xF  }
0x23f: {  	[tilespmem:s21], [sflag:$0x2] =	stream.linear.gather [hbm4b:s17+s2], $0x80, $0x38;
	[tilespmem:$0x1A700] =	vst v63  }
0x240: {  	s10 =	sand.u32 $0x1FFFFFF0, s22;
	s5 =	sadd.s32 $0x2700, s5;
	s22 =	sadd.s32 s3, s25  }
0x241: {  	[tilespmem:s5], [sflag:$0x2] =	stream.linear.gather [hbm4b:s22+s2], $0x80, $0x38;
	[tilespmem:$0x1A700] =	vst v63  }
0x242: {  	s23 =	sadd.s32 s3, s10;
	s19 =	spop (v2sf)  }
0x243: {  	[tilespmem:s18], [sflag:$0x2] =	stream.linear.gather [hbm4b:s23+s2], $0x80, $0x38;
	[tilespmem:$0x1A700] =	vst v63  }
0x244: {  	s25 =	spop (v2sf)  }
0x245: {  	s9 =	spop (v2sf)  }
0x246: {  	s24 =	sadd.s32 s19, s12;
	s8 =	sand.u32 $0x1FFFFFF0, s25;
	s10 =	spop (v2sf)  }
0x247: {  	s1 =	sadd.s32 $0x2700, s24;
	s5 =	sadd.s32 s3, s8;
	s18 =	spop (v2sf)  }
0x248: {  	[tilespmem:s1], [sflag:$0x2] =	stream.linear.gather [hbm4b:s5+s2], $0x80, $0x38;
	[tilespmem:$0x1A700] =	vst v63  }
0x249: {  	s6 =	sadd.s32 s9, s26;
	s17 =	sand.u32 $0x1FFFFFF0, s10;
	s21 =	spop (v2sf)  }
0x24a: {  	s12 =	sadd.s32 $0x2700, s6;
	s19 =	sadd.s32 s3, s17;
	s22 =	spop (v2sf)  }
0x24b: {  	[tilespmem:s12], [sflag:$0x2] =	stream.linear.gather [hbm4b:s19+s2], $0x80, $0x38;
	[tilespmem:$0x1A700] =	vst v63  }
0x24c: {  	s20 =	sadd.s32 s15, s18;
	s6 =	sand.u32 $0x1FFFFFF0, s21;
	s23 =	spop (v2sf)  }
0x24d: {  	s5 =	sadd.s32 $0x2700, s20;
	s6 =	sadd.s32 s3, s6;
	s24 =	spop (v2sf)  }
0x24e: {  	[tilespmem:s5], [sflag:$0x2] =	stream.linear.gather [hbm4b:s6+s2], $0x80, $0x38;
	[tilespmem:$0x1A700] =	vst v63  }
0x24f: {  	s4 =	smov.u32 s16;
	s7 =	sadd.s32 s23, s22;
	s26 =	sand.u32 $0x1FFFFFF0, s24  }
0x250: {  	s4 =	sshra.s32 s4, $0x2;
	s25 =	sadd.s32 $0x2700, s7;
	s1 =	sadd.s32 s3, s26  }
0x251: {  	[tilespmem:s25], [sflag:$0x2] =	stream.linear.gather [hbm4b:s1+s2], $0x80, $0x38;
	[tilespmem:$0x1A700] =	vst v63  }
0x252: {  	v4 =	vld.idx.msk [tilespmem:v2+s4+$0x0 ss:$0x1], $0xffff  }
0x253: {  	v5 =	vld.idx.msk [tilespmem:v1+s4+$0x0 ss:$0x1], $0xffff;
	_ =	sdelay $0x2  }
0x254: {  	s1 =	rddreg [dreg:$0x3]  }
0x255: {  	v7 =	vld.idx.msk [tilespmem:v3+s4+$0x0 ss:$0x1], $0xffff;
	v4 =	vadd.s32 s1, v4  }
0x256: {  	v5 =	vshll.u32 v5, $0x9;
	v4 =	vshll.u32 v4, $0xE  }
0x257: {  	v6 =	vshra.s32 v4, $0x2;
	v4 =	vshra.s32 v5, $0x2  }
0x258: {  	(v2sf) =	vpush v4, $0xE  }
0x259: {  	(v2sf) =	vpush v4, $0xA  }
0x25a: {  	v5 =	vshll.u32 v7, $0x4;
	(v2sf) =	vpush v6, $0x9  }
0x25b: {  	(v2sf) =	vpush v5, $0xA  }
0x25c: {  	(v2sf) =	vpush v4, $0x9  }
0x25d: {  	(v2sf) =	vpush v5, $0x8  }
0x25e: {  	(v2sf) =	vpush v6, $0xB  }
0x25f: {  	(v2sf) =	vpush v4, $0xB  }
0x260: {  	(v2sf) =	vpush v6, $0x7  }
0x261: {  	(v2sf) =	vpush v4, $0x7  }
0x262: {  	(v2sf) =	vpush v5, $0x5  }
0x263: {  	(v2sf) =	vpush v6, $0x6  }
0x264: {  	(v2sf) =	vpush v4, $0x6  }
0x265: {  	(v2sf) =	vpush v6, $0x5  }
0x266: {  	(v2sf) =	vpush v5, $0x6  }
0x267: {  	(v2sf) =	vpush v4, $0x4;
	s15 =	spop (v2sf)  }
0x268: {  	(v2sf) =	vpush v6, $0x4;
	s17 =	spop (v2sf)  }
0x269: {  	(v2sf) =	vpush v4, $0x5;
	s4 =	spop (v2sf)  }
0x26a: {  	(v2sf) =	vpush v5, $0x4;
	s6 =	spop (v2sf)  }
0x26b: {  	(v2sf) =	vpush v5, $0x3;
	s5 =	spop (v2sf)  }
0x26c: {  	s20 =	sadd.s32 s5, s4;
	(v2sf) =	vpush v5, $0x2;
	s4 =	spop (v2sf)  }
0x26d: {  	(v2sf) =	vpush v6, $0x3;
	s7 =	spop (v2sf)  }
0x26e: {  	(v2sf) =	vpush v6, $0x2;
	s8 =	spop (v2sf)  }
0x26f: {  	(v2sf) =	vpush v4, $0x3;
	s5 =	spop (v2sf)  }
0x270: {  	s21 =	sadd.s32 s8, s7;
	(v2sf) =	vpush v5, $0x1;
	s7 =	spop (v2sf)  }
0x271: {  	(v2sf) =	vpush v4, $0x2;
	s8 =	spop (v2sf)  }
0x272: {  	(v2sf) =	vpush v6, $0x1;
	s9 =	spop (v2sf)  }
0x273: {  	(v2sf) =	vpush v4, $0x1;
	s19 =	spop (v2sf)  }
0x274: {  	(v2sf) =	vpush v5, $0x0;
	s23 =	spop (v2sf)  }
0x275: {  	(v2sf) =	vpush v6, $0x0;
	s24 =	spop (v2sf)  }
0x276: {  	(v2sf) =	vpush v4, $0x0;
	s25 =	spop (v2sf)  }
0x277: {  	s26 =	spop (v2sf);
	(v2sf) =	vpush v5, $0x7  }
0x278: {  	s12 =	spop (v2sf);
	(v2sf) =	vpush v6, $0xD  }
0x279: {  	s18 =	spop (v2sf)  }
0x27a: {  	s9 =	sadd.s32 s19, s9;
	s19 =	spop (v2sf)  }
0x27b: {  	s22 =	sand.u32 $0x1FFFFFF0, s24;
	s24 =	sadd.s32 s12, s23;
	s23 =	spop (v2sf)  }
0x27c: {  	p0 =	sne.s32 s16, $0x300;
	s28 =	sadd.s32 s25, s26;
	s25 =	spop (v2sf)  }
0x27d: {  	s30 =	sadd.s32 s7, s5;
	s8 =	sand.u32 $0x1FFFFFF0, s8;
	s26 =	spop (v2sf)  }
0x27e: {  	s31 =	sadd.s32 s3, s8;
	s0 =	sand.u32 $0x1FFFFFF0, s18;
	s8 =	spop (v2sf)  }
0x27f: {  	s1 =	sand.u32 $0x1FFFFFF0, s19;
	s12 =	sand.u32 $0x1FFFFFF0, s23;
	s10 =	spop (v2sf)  }
0x280: {  	s23 =	sadd.s32 $0x2700, s9;
	s18 =	sadd.s32 s3, s12;
	s19 =	spop (v2sf)  }
0x281: {  	s7 =	sadd.s32 s8, s25;
	s5 =	sand.u32 $0x1FFFFFF0, s10;
	s25 =	spop (v2sf)  }
0x282: {  	(v2sf) =	vpush v6, $0x8;
	s10 =	sadd.s32 s3, s5;
	s9 =	sadd.s32 s19, s26;
	s26 =	spop (v2sf)  }
.Ltmp15:
0x283: {  	(v2sf) =	vpush v4, $0x8;
	s5 =	sadd.s32 s26, s25;
	s8 =	spop (v2sf);
	(pc) =	sbr.rel @p0 .LBB2_10-.Ltmp15, $4  }
0x284: {  	(v2sf) =	vpush v5, $0x9;
	s25 =	sand.u32 $0x1FFFFFF0, s6;
	s6 =	sand.u32 $0x1FFFFFF0, s8;
	s12 =	spop (v2sf)  }
0x285: {  	s16 =	sadd.s32 $0x40, s16;
	(v2sf) =	vpush v6, $0xA;
	s29 =	sadd.s32 s3, s6;
	s26 =	spop (v2sf)  }
0x286: {  	(v2sf) =	vpush v5, $0xB;
	s6 =	sand.u32 $0x1FFFFFF0, s4;
	s4 =	sadd.s32 s26, s12;
	s8 =	spop (v2sf)  }
0x287: {  	s19 =	sadd.s32 $0x2700, s5;
	(v2sf) =	vpush v6, $0xC;
	s5 =	sadd.s32 $0x2700, s4;
	s26 =	spop (v2sf)  }
0x288: {  	[tilespmem:s5], [sflag:$0x2] =	stream.linear.gather [hbm4b:s29+s2], $0x80, $0x38;
	[tilespmem:$0x1A700] =	vst v63  }
0x289: {  	_ = 	snop  }
0x28a: {  	[tilespmem:s19], [sflag:$0x2] =	stream.linear.gather [hbm4b:s10+s2], $0x80, $0x38;
	[tilespmem:$0x1A700] =	vst v63  }
0x28b: {  	s19 =	sadd.s32 $0x2700, s9  }
0x28c: {  	[tilespmem:s19], [sflag:$0x2] =	stream.linear.gather [hbm4b:s18+s2], $0x80, $0x38;
	[tilespmem:$0x1A700] =	vst v63  }
0x28d: {  	s7 =	sadd.s32 $0x2700, s7;
	s1 =	sadd.s32 s3, s1  }
0x28e: {  	[tilespmem:s7], [sflag:$0x2] =	stream.linear.gather [hbm4b:s1+s2], $0x80, $0x38;
	[tilespmem:$0x1A700] =	vst v63  }
0x28f: {  	s0 =	sadd.s32 s3, s0;
	s9 =	sadd.s32 $0x2700, s28  }
0x290: {  	[tilespmem:s9], [sflag:$0x2] =	stream.linear.gather [hbm4b:s0+s2], $0x80, $0x38;
	[tilespmem:$0x1A700] =	vst v63  }
0x291: {  	s4 =	spop (v2sf)  }
0x292: {  	s5 =	sand.u32 $0x1FFFFFF0, s8;
	s12 =	sadd.s32 $0x2700, s24;
	(v2sf) =	vpush v4, $0xC;
	s29 =	spop (v2sf)  }
0x293: {  	(v2sf) =	vpush v5, $0xC;
	[tilespmem:s12], [sflag:$0x2] =	stream.linear.gather [hbm4b:s31+s2], $0x80, $0x38;
	[tilespmem:$0x1A700] =	vst v63  }
0x294: {  	s5 =	sadd.s32 s3, s5;
	(v2sf) =	vpush v4, $0xD;
	s10 =	spop (v2sf)  }
0x295: {  	s19 =	sadd.s32 s3, s22;
	s31 =	sadd.s32 $0x2700, s20;
	(v2sf) =	vpush v5, $0xD;
	s18 =	spop (v2sf)  }
0x296: {  	[tilespmem:s23], [sflag:$0x2] =	stream.linear.gather [hbm4b:s19+s2], $0x80, $0x38;
	(v2sf) =	vpush v6, $0xE;
	[tilespmem:$0x1A700] =	vst v63  }
0x297: {  	s4 =	sadd.s32 s29, s4;
	s23 =	sadd.s32 $0x2700, s30;
	s22 =	spop (v2sf)  }
0x298: {  	(v2sf) =	vpush v5, $0xE;
	[tilespmem:s23], [sflag:$0x2] =	stream.linear.gather [hbm4b:s5+s2], $0x80, $0x38;
	[tilespmem:$0x1A700] =	vst v63  }
0x299: {  	s29 =	sadd.s32 s3, s6;
	s16 =	sand.u32 $0x1FFFFFF0, s10;
	s4 =	sadd.s32 $0x2700, s4;
	(v2sf) =	vpush v6, $0xF  }
0x29a: {  	[tilespmem:s4], [sflag:$0x2] =	stream.linear.gather [hbm4b:s29+s2], $0x80, $0x38;
	[tilespmem:$0x1A700] =	vst v63  }
0x29b: {  	s7 =	sadd.s32 s17, s18;
	s1 =	sadd.s32 s3, s16;
	s24 =	spop (v2sf);
	(v2sf) =	vpush v4, $0xF  }
0x29c: {  	(v2sf) =	vpush v5, $0xF;
	[tilespmem:s31], [sflag:$0x2] =	stream.linear.gather [hbm4b:s1+s2], $0x80, $0x38;
	[tilespmem:$0x1A700] =	vst v63  }
0x29d: {  	s28 =	sand.u32 $0x1FFFFFF0, s22;
	s6 =	sadd.s32 $0x2700, s7;
	s7 =	sadd.s32 s3, s25  }
0x29e: {  	[tilespmem:s6], [sflag:$0x2] =	stream.linear.gather [hbm4b:s7+s2], $0x80, $0x38;
	[tilespmem:$0x1A700] =	vst v63  }
0x29f: {  	s10 =	sadd.s32 $0x2700, s21;
	s0 =	sadd.s32 s3, s28  }
0x2a0: {  	[tilespmem:s10], [sflag:$0x2] =	stream.linear.gather [hbm4b:s0+s2], $0x80, $0x38;
	[tilespmem:$0x1A700] =	vst v63  }
0x2a1: {  	s30 =	spop (v2sf)  }
0x2a2: {  	s8 =	spop (v2sf)  }
0x2a3: {  	s12 =	spop (v2sf)  }
0x2a4: {  	s4 =	sadd.s32 s30, s24;
	s6 =	sand.u32 $0x1FFFFFF0, s8;
	s16 =	spop (v2sf)  }
0x2a5: {  	s17 =	sadd.s32 $0x2700, s4;
	s18 =	sadd.s32 s3, s6;
	s19 =	spop (v2sf)  }
0x2a6: {  	[tilespmem:s17], [sflag:$0x2] =	stream.linear.gather [hbm4b:s18+s2], $0x80, $0x38;
	[tilespmem:$0x1A700] =	vst v63  }
0x2a7: {  	s20 =	sadd.s32 s12, s26;
	s22 =	sand.u32 $0x1FFFFFF0, s16;
	s21 =	spop (v2sf)  }
0x2a8: {  	s0 =	sadd.s32 $0x2700, s20;
	s5 =	sadd.s32 s3, s22;
	s23 =	spop (v2sf)  }
0x2a9: {  	[tilespmem:s0], [sflag:$0x2] =	stream.linear.gather [hbm4b:s5+s2], $0x80, $0x38;
	[tilespmem:$0x1A700] =	vst v63  }
0x2aa: {  	s4 =	sadd.s32 s15, s19;
	s1 =	sand.u32 $0x1FFFFFF0, s21;
	s24 =	spop (v2sf)  }
0x2ab: {  	s4 =	sadd.s32 $0x2700, s4;
	s26 =	sadd.s32 s3, s1;
	s25 =	spop (v2sf)  }
0x2ac: {  	[tilespmem:s4], [sflag:$0x2] =	stream.linear.gather [hbm4b:s26+s2], $0x80, $0x38;
	[tilespmem:$0x1A700] =	vst v63  }
0x2ad: {  	s6 =	rddreg [dreg:$0x9];
	s28 =	sadd.s32 s24, s23;
	s29 =	sand.u32 $0x1FFFFFF0, s25  }
0x2ae: {  	s5 =	rddreg [dreg:$0x6];
	s30 =	sadd.s32 $0x2700, s28;
	s31 =	sadd.s32 s3, s29  }
0x2af: {  	[tilespmem:s30], [sflag:$0x2] =	stream.linear.gather [hbm4b:s31+s2], $0x80, $0x38;
	[tilespmem:$0x1A700] =	vst v63  }
.LBB2_12:
0x2b0: {  	s1 =	simm.s32 $0x1  }
0x2b1: {  	_ =	swait.ge [sflag:s1], $0x6800  }
0x2b2: {  	s0 =	sshll.u32 s11, $0xC;
	[sflag:s1] =	ssyncset.done $0x0  }
0x2b3: {  	s18 =	simm.s32 $0x2700;
	s0 =	sadd.s32 s0, s5;
	[sflag:s1] =	ssyncadd.s32 $0xFFFF9800  }
0x2b4: {  	[hbm4b:s0+s2] =	stream.linear.scatter [tilespmem:s18], [sflag:$0x4], $0xD00, $0x38;
	[tilespmem:$0x1A700] =	vst v63  }
0x2b5: {  	s4 =	simm.s32 $0x3700;
	s19 =	sadd.s32 $0x200, s0  }
0x2b6: {  	[hbm4b:s19+s2] =	stream.linear.scatter [tilespmem:s4], [sflag:$0x4], $0xD00, $0x38;
	[tilespmem:$0x1A700] =	vst v63  }
0x2b7: {  	s21 =	simm.s32 $0x4700;
	s20 =	sadd.s32 $0x400, s0  }
0x2b8: {  	[hbm4b:s20+s2] =	stream.linear.scatter [tilespmem:s21], [sflag:$0x4], $0xD00, $0x38;
	[tilespmem:$0x1A700] =	vst v63  }
0x2b9: {  	s23 =	simm.s32 $0x5700;
	s22 =	sadd.s32 $0x600, s0  }
0x2ba: {  	[hbm4b:s22+s2] =	stream.linear.scatter [tilespmem:s23], [sflag:$0x4], $0xD00, $0x38;
	[tilespmem:$0x1A700] =	vst v63  }
0x2bb: {  	s25 =	simm.s32 $0x6700;
	s24 =	sadd.s32 $0x800, s0  }
0x2bc: {  	[hbm4b:s24+s2] =	stream.linear.scatter [tilespmem:s25], [sflag:$0x4], $0xD00, $0x38;
	[tilespmem:$0x1A700] =	vst v63  }
0x2bd: {  	s28 =	simm.s32 $0x7700;
	s26 =	sadd.s32 $0xA00, s0  }
0x2be: {  	[hbm4b:s26+s2] =	stream.linear.scatter [tilespmem:s28], [sflag:$0x4], $0xD00, $0x38;
	[tilespmem:$0x1A700] =	vst v63  }
.Ltmp16:
0x2bf: {  	_ = 	snop;
	(pc) =	sbr.rel .LBB2_22-.Ltmp16, $4  }
0x2c0: {  	s30 =	simm.s32 $0x8700;
	s29 =	sadd.s32 $0xC00, s0  }
0x2c1: {  	[hbm4b:s29+s2] =	stream.linear.scatter [tilespmem:s30], [sflag:$0x4], $0xD00, $0x38;
	[tilespmem:$0x1A700] =	vst v63  }
0x2c2: {  	s31 =	simm.s32 $0x9700;
	s0 =	sadd.s32 $0xE00, s0  }
0x2c3: {  	[hbm4b:s0+s2] =	stream.linear.scatter [tilespmem:s31], [sflag:$0x4], $0xD00, $0x38;
	[tilespmem:$0x1A700] =	vst v63  }
.LBB2_24:
0x2c4: {  	_ =	sfence.sel $0x180000  }
0x2c5: {  	[bflag:$0x0] =	sbarrier.arrive $0xFFFF  }
0x2c6: {  	_ =	strace $0x90000047  }
0x2c7: {  	s0 =	stileid.u32;
	[bflag:$0x2] =	sbarrier.arrive $0xFFFF  }
0x2c8: {  	p0 =	sne.s32 s0, $0x0;
	s0 =	rddreg [dreg:$0x2]  }
0x2c9: {  	s0 =	sadd.s32 @!p0 $0x100000, s0  }
0x2ca: {  	[sflag:s0] =	ssyncadd.tile.s32 @!p0 $0x1;
	_ =	shalt  }
.Lfunc_end2:
_tile_overlayer_lowered:
.L_overlay_start_2:
0x2cb: {  	(tag) =	ssettag $0x2  }
0x2cc: {  	s0 =	rddreg [dreg:$0x0];
	s2 =	stileid.u32  }
0x2cd: {  	s1 =	rddreg [dreg:$0x1];
	p0 =	sne.s32 s2, $0x0  }
0x2ce: {  	s3 =	rddreg [dreg:$0x2];
	[bflag:$0x3] =	sbarrier.arrive $0xFFFF;
	s2 =	simm.s32 @!p0 $0x1C07  }
0x2cf: {  	[timem:s3], [sflag:s2] =	dma.local @!p0 [hbm:s0], s1  }
0x2d0: {  	s0 =	simm.s32 @!p0 $0x7  }
0x2d1: {  	_ =	swait.ge @!p0 [sflag:s0], s1  }
0x2d2: {  	s1 =	ssub.s32 @!p0 $0x0, s1;
	[sflag:s0] =	ssyncset.done @!p0 $0x0  }
0x2d3: {  	[sflag:s0] =	ssyncadd.s32 @!p0 s1  }
0x2d4: {  	[bflag:$0x3] =	sbarrier.arrive $0xFFFF  }
0x2d5: {  	_ =	shalt  }

</sc_bundles>
